<compile_context>
chip_gen: v7x
topology: tpu7x:2x2x1
jax: 0.10.2.dev20260603
libtpu: 0.0.44.dev20260713+nightly
codegen_flags: <defaults>
</compile_context>

<pallas_src>
import functools

import jax
import jax.numpy as jnp
from jax import lax
from jax.experimental import pallas as pl
from jax.experimental.pallas import tpu as pltpu
from jax.experimental.pallas import tpu_sc as plsc

_N_EMBED = 2048
_N_EXPERTS = 16
_N_TOKENS = 16384
_TM = 1024

_N_WORKERS = 32
_N_CHUNKS = 2
_CHUNK = _N_TOKENS // _N_CHUNKS


_NBUF = 3
_NSPLIT = 4


def _dense_body(blk0, nsteps, x_hbm, w_ref, b_ref, g_ref, out_ref, x_buf,
                sems):
    i = pl.program_id(0)
    sub = _TM // _NSPLIT

    def start(step, slot):
        for q in range(_NSPLIT):
            pltpu.make_async_copy(
                x_hbm.at[pl.ds((blk0 + step) * _TM + q * sub, sub), :],
                x_buf.at[slot, pl.ds(q * sub, sub), :],
                sems.at[slot, q]).start()

    def wait(slot):
        for q in range(_NSPLIT):
            pltpu.make_async_copy(
                x_hbm.at[pl.ds(0, sub), :],
                x_buf.at[slot, pl.ds(0, sub), :],
                sems.at[slot, q]).wait()

    @pl.when(i == 0)
    def _():
        for b in range(_NBUF - 1):
            if b < nsteps:
                start(b, b)

    @pl.when(i + _NBUF - 1 < nsteps)
    def _():
        start(i + _NBUF - 1, (i + _NBUF - 1) % _NBUF)

    slot = i % _NBUF
    wait(slot)
    x = x_buf[slot]
    acc = jnp.dot(x, w_ref[...], preferred_element_type=jnp.float32)
    acc = acc + b_ref[...]
    logits = acc[:, :_N_EXPERTS]
    nlog = acc[:, _N_EXPERTS:]
    sp = jnp.maximum(nlog, 0.0) + jnp.log1p(jnp.exp(-jnp.abs(nlog)))
    out_ref[...] = logits + g_ref[...] * sp


def _noisy_logits(x, W_cat, b_cat, gauss, base, n):
    blk0 = base // _TM
    nsteps = n // _TM
    grid = (nsteps,)
    return pl.pallas_call(
        functools.partial(_dense_body, blk0, nsteps),
        grid=grid,
        in_specs=[
            pl.BlockSpec(memory_space=pl.ANY),
            pl.BlockSpec((_N_EMBED, 2 * _N_EXPERTS), lambda i: (0, 0)),
            pl.BlockSpec((1, 2 * _N_EXPERTS), lambda i: (0, 0)),
            pl.BlockSpec((_TM, _N_EXPERTS), lambda i: (blk0 + i, 0)),
        ],
        out_specs=pl.BlockSpec((_TM, _N_EXPERTS), lambda i: (i, 0)),
        out_shape=jax.ShapeDtypeStruct((n, _N_EXPERTS), jnp.float32),
        scratch_shapes=[
            pltpu.VMEM((_NBUF, _TM, _N_EMBED), jnp.float32),
            pltpu.SemaphoreType.DMA((_NBUF, _NSPLIT)),
        ],
    )(x, W_cat, b_cat, gauss)


def _tree_reduce(op, xs):
    xs = list(xs)
    while len(xs) > 1:
        nxt = [op(xs[i], xs[i + 1]) for i in range(0, len(xs) - 1, 2)]
        if len(xs) % 2:
            nxt.append(xs[-1])
        xs = nxt
    return xs[0]


def _route_body(tok_per_w, noisy_hbm, w_hbm, i_hbm, p_hbm, noisy_v, p_v, w_v,
                i_v):
    wid = lax.axis_index("s") * 2 + lax.axis_index("c")
    base = wid * tok_per_w
    pltpu.sync_copy(noisy_hbm.at[pl.ds(base, tok_per_w)], noisy_v)
    iota = lax.iota(jnp.int32, 16)
    E = _N_EXPERTS

    def body(c, carry):
        rows = c * 16 + iota
        cols = [jnp.full((16,), e, jnp.int32) for e in range(E)]
        v = [plsc.load_gather(noisy_v, [rows, cols[e]]) for e in range(E)]
        m = _tree_reduce(jnp.maximum, v)
        ev = [jnp.exp(v[e] - m) for e in range(E)]
        s = _tree_reduce(jnp.add, ev)
        r = 1.0 / s
        p = [ev[e] * r for e in range(E)]
        for e in range(E):
            plsc.store_scatter(p_v, [rows, cols[e]], p[e])
        p0 = _tree_reduce(jnp.maximum, p)
        i0 = jnp.full((16,), E, jnp.int32)
        for e in range(E - 1, -1, -1):
            i0 = jnp.where(p[e] == p0, e, i0)
        pm = [jnp.where(i0 == e, jnp.float32(-1.0), p[e]) for e in range(E)]
        p1 = _tree_reduce(jnp.maximum, pm)
        i1 = jnp.full((16,), E, jnp.int32)
        for e in range(E - 1, -1, -1):
            i1 = jnp.where(pm[e] == p1, e, i1)
        denom = p0 + p1
        plsc.store_scatter(w_v, [rows, cols[0]], p0 / denom)
        plsc.store_scatter(w_v, [rows, cols[1]], p1 / denom)
        plsc.store_scatter(i_v, [rows, cols[0]], i0)
        plsc.store_scatter(i_v, [rows, cols[1]], i1)
        return carry

    lax.fori_loop(0, tok_per_w // 16, body, 0)
    pltpu.sync_copy(p_v, p_hbm.at[pl.ds(base, tok_per_w)])
    pltpu.sync_copy(w_v, w_hbm.at[pl.ds(base, tok_per_w)])
    pltpu.sync_copy(i_v, i_hbm.at[pl.ds(base, tok_per_w)])


def _route(noisy):
    n = noisy.shape[0]
    tok_per_w = n // _N_WORKERS
    mesh = plsc.VectorSubcoreMesh(core_axis_name="c", subcore_axis_name="s")
    f = pl.kernel(
        functools.partial(_route_body, tok_per_w),
        out_type=(
            jax.ShapeDtypeStruct((n, 2), jnp.float32),
            jax.ShapeDtypeStruct((n, 2), jnp.int32),
            jax.ShapeDtypeStruct((n, _N_EXPERTS), jnp.float32),
        ),
        mesh=mesh,
        scratch_types=[
            pltpu.VMEM((tok_per_w, _N_EXPERTS), jnp.float32),
            pltpu.VMEM((tok_per_w, _N_EXPERTS), jnp.float32),
            pltpu.VMEM((tok_per_w, 2), jnp.float32),
            pltpu.VMEM((tok_per_w, 2), jnp.int32),
        ],
        compiler_params=pltpu.CompilerParams(needs_layout_passes=False,
                                             use_tc_tiling_on_sc=False),
    )
    return f(noisy)


_GAUSS = None


def _get_gauss():
    global _GAUSS
    if _GAUSS is None:
        _GAUSS = jax.random.normal(jax.random.key(42),
                                   (_N_TOKENS, _N_EXPERTS), dtype=jnp.float32)
    return _GAUSS


def kernel(x, W_route, b_route, W_noise, b_noise):
    gauss = _get_gauss()
    W_cat = jnp.concatenate([W_route, W_noise], axis=1)
    b_cat = jnp.concatenate([b_route, b_noise]).reshape(1, 2 * _N_EXPERTS)
    outs = []
    for c in range(_N_CHUNKS):
        noisy = _noisy_logits(x, W_cat, b_cat, gauss, c * _CHUNK, _CHUNK)
        outs.append(_route(noisy))
    weighted = jnp.concatenate([o[0] for o in outs], axis=0)
    indices = jnp.concatenate([o[1] for o in outs], axis=0)
    softmax_logits = jnp.concatenate([o[2] for o in outs], axis=0)
    return (weighted, indices, softmax_logits)

# --- scband reference (transcript-rebuilt; emitter-appended) ---
"""Pipeline reference for scband-noisy-topk-router-28870770164343 (READ-ONLY COPY).

The authoritative reference and input builder live on the scoring server;
editing this copy changes nothing except your own understanding.
"""

import jax, jax.numpy as jnp
import numpy as np

N_EMBED = 2048
NUM_EXPERTS = 16
TOP_K = 2
N_TOKENS = 16384


def setup_inputs(seed: int = 0) -> dict:
    key = jax.random.key(seed)
    k_x, k_wr, k_br, k_wn, k_bn = jax.random.split(key, 5)
    x = jax.random.normal(k_x, (N_TOKENS, N_EMBED), dtype=jnp.float32)
    # nn.Linear default init: U(-1/sqrt(fan_in), 1/sqrt(fan_in))
    bound = 1.0 / np.sqrt(N_EMBED)
    W_route = jax.random.uniform(k_wr, (N_EMBED, NUM_EXPERTS), dtype=jnp.float32, minval=-bound, maxval=bound)
    b_route = jax.random.uniform(k_br, (NUM_EXPERTS,), dtype=jnp.float32, minval=-bound, maxval=bound)
    W_noise = jax.random.uniform(k_wn, (N_EMBED, NUM_EXPERTS), dtype=jnp.float32, minval=-bound, maxval=bound)
    b_noise = jax.random.uniform(k_bn, (NUM_EXPERTS,), dtype=jnp.float32, minval=-bound, maxval=bound)
    return {"x": x, "W_route": W_route, "b_route": b_route, "W_noise": W_noise, "b_noise": b_noise}


def reference(x, W_route, b_route, W_noise, b_noise):
    logits = x @ W_route + b_route
    noise_logits = x @ W_noise + b_noise
    # torch.randn_like -> fixed-key gaussian noise for determinism
    noise = jax.random.normal(jax.random.key(42), logits.shape, dtype=logits.dtype) * jax.nn.softplus(noise_logits)
    noisy_logits = logits + noise
    softmax_logits = jax.nn.softmax(noisy_logits, axis=-1)
    top_k_logits, indices = jax.lax.top_k(softmax_logits, TOP_K)
    weighted_top_k_logits = top_k_logits / jnp.sum(top_k_logits, axis=-1, keepdims=True)
    return (weighted_top_k_logits, indices, softmax_logits)

if __name__ == "__main__":
    import jax
    _d = setup_inputs()
    print(jax.jit(kernel)(*tuple(_d.values())))

</pallas_src>

<mosaic_0001>
#map = affine_map<(d0, d1) -> (0, 0)>
module attributes {stable_mosaic.version = 14 : i64} {
  func.func @_route_body(%arg0: i32, %arg1: i32, %arg2: memref<8192x16xf32, #tpu.memory_space<hbm>>, %arg3: memref<8192x2xf32, #tpu.memory_space<hbm>>, %arg4: memref<8192x2xi32, #tpu.memory_space<hbm>>, %arg5: memref<8192x16xf32, #tpu.memory_space<hbm>>, %arg6: memref<256x16xf32, #tpu.memory_space<vmem>>, %arg7: memref<256x16xf32, #tpu.memory_space<vmem>>, %arg8: memref<256x2xf32, #tpu.memory_space<vmem>>, %arg9: memref<256x2xi32, #tpu.memory_space<vmem>>) attributes {dimension_semantics = [#tpu.dimension_semantics<core_parallel>, #tpu.dimension_semantics<subcore_parallel>], iteration_bounds = array<i64: 2, 16>, scalar_prefetch = 0 : i64, scratch_operands = 4 : i64, tpu.core_type = #tpu.core_type<sc_vector_subcore>, window_params = [{transform_indices = #map}, {transform_indices = #map}, {transform_indices = #map}, {transform_indices = #map}]} {
    %mul3A = arith.constant 2 : i32
    %mul3A_0 = arith.muli %arg1, %mul3A : i32
    %add3A = arith.addi %mul3A_0, %arg0 : i32
    %mul3A_1 = arith.constant 256 : i32
    %mul3A_2 = arith.muli %add3A, %mul3A_1 : i32
    "tpu.region"() ({
      %run_scoped3A = tpu.sem_alloc : memref<!tpu.dma_semaphore, #tpu.memory_space<semaphore_mem>>
      %dma_start3A = arith.constant 0 : i32
      %dma_start3A_8 = tpu.memref_slice %arg2[%mul3A_2, %dma_start3A] : memref<8192x16xf32, #tpu.memory_space<hbm>> -> memref<256x16xf32, #tpu.memory_space<hbm>>
      %dma_start3A_9 = arith.constant 0 : i32
      %dma_start3A_10 = tpu.memref_slice %arg2[%mul3A_2, %dma_start3A_9] : memref<8192x16xf32, #tpu.memory_space<hbm>> -> memref<256x16xf32, #tpu.memory_space<hbm>>
      tpu.enqueue_dma source(%dma_start3A_10 : memref<256x16xf32, #tpu.memory_space<hbm>>) target(%arg6 : memref<256x16xf32, #tpu.memory_space<vmem>>) target_semaphore(%run_scoped3A : memref<!tpu.dma_semaphore, #tpu.memory_space<semaphore_mem>>)
      %dma_wait3A = arith.constant 0 : i32
      %dma_wait3A_11 = tpu.memref_slice %arg2[%mul3A_2, %dma_wait3A] : memref<8192x16xf32, #tpu.memory_space<hbm>> -> memref<256x16xf32, #tpu.memory_space<hbm>>
      %dma_wait3A_12 = arith.constant 0 : i32
      %dma_wait3A_13 = tpu.memref_slice %arg2[%mul3A_2, %dma_wait3A_12] : memref<8192x16xf32, #tpu.memory_space<hbm>> -> memref<256x16xf32, #tpu.memory_space<hbm>>
      tpu.wait_dma2 semaphore(%run_scoped3A : memref<!tpu.dma_semaphore, #tpu.memory_space<semaphore_mem>>) src(%dma_wait3A_13 : memref<256x16xf32, #tpu.memory_space<hbm>>) dst(%arg6 : memref<256x16xf32, #tpu.memory_space<vmem>>)
      tpu.yield
    }) : () -> ()
    %iota3A = tpu.iota {dimensions = array<i32: 0>} : vector<16xi32>
    %scan3A = arith.constant 0 : i32
    %scan3A_3 = arith.constant 0 : i32
    %scan3A_4 = arith.constant 16 : i32
    %scan3A_5 = arith.addi %scan3A_3, %scan3A_4 : i32
    %scan3A_6 = arith.constant 1 : i32
    scf.for %scan3A_8 = %scan3A_3 to %scan3A_5 step %scan3A_6  : i32 {
      %mul3A_9 = arith.constant 16 : i32
      %mul3A_10 = arith.muli %scan3A_8, %mul3A_9 : i32
      %add3A_11 = vector.broadcast %mul3A_10 : i32 to vector<16xi32>
      %add3A_12 = arith.addi %add3A_11, %iota3A : vector<16xi32>
      %broadcast_in_dim3A = arith.constant 0 : i32
      %broadcast_in_dim3A_13 = vector.broadcast %broadcast_in_dim3A : i32 to vector<16xi32>
      %broadcast_in_dim3A_14 = arith.constant 1 : i32
      %broadcast_in_dim3A_15 = vector.broadcast %broadcast_in_dim3A_14 : i32 to vector<16xi32>
      %broadcast_in_dim3A_16 = arith.constant 2 : i32
      %broadcast_in_dim3A_17 = vector.broadcast %broadcast_in_dim3A_16 : i32 to vector<16xi32>
      %broadcast_in_dim3A_18 = arith.constant 3 : i32
      %broadcast_in_dim3A_19 = vector.broadcast %broadcast_in_dim3A_18 : i32 to vector<16xi32>
      %broadcast_in_dim3A_20 = arith.constant 4 : i32
      %broadcast_in_dim3A_21 = vector.broadcast %broadcast_in_dim3A_20 : i32 to vector<16xi32>
      %broadcast_in_dim3A_22 = arith.constant 5 : i32
      %broadcast_in_dim3A_23 = vector.broadcast %broadcast_in_dim3A_22 : i32 to vector<16xi32>
      %broadcast_in_dim3A_24 = arith.constant 6 : i32
      %broadcast_in_dim3A_25 = vector.broadcast %broadcast_in_dim3A_24 : i32 to vector<16xi32>
      %broadcast_in_dim3A_26 = arith.constant 7 : i32
      %broadcast_in_dim3A_27 = vector.broadcast %broadcast_in_dim3A_26 : i32 to vector<16xi32>
      %broadcast_in_dim3A_28 = arith.constant 8 : i32
      %broadcast_in_dim3A_29 = vector.broadcast %broadcast_in_dim3A_28 : i32 to vector<16xi32>
      %broadcast_in_dim3A_30 = arith.constant 9 : i32
      %broadcast_in_dim3A_31 = vector.broadcast %broadcast_in_dim3A_30 : i32 to vector<16xi32>
      %broadcast_in_dim3A_32 = arith.constant 10 : i32
      %broadcast_in_dim3A_33 = vector.broadcast %broadcast_in_dim3A_32 : i32 to vector<16xi32>
      %broadcast_in_dim3A_34 = arith.constant 11 : i32
      %broadcast_in_dim3A_35 = vector.broadcast %broadcast_in_dim3A_34 : i32 to vector<16xi32>
      %broadcast_in_dim3A_36 = arith.constant 12 : i32
      %broadcast_in_dim3A_37 = vector.broadcast %broadcast_in_dim3A_36 : i32 to vector<16xi32>
      %broadcast_in_dim3A_38 = arith.constant 13 : i32
      %broadcast_in_dim3A_39 = vector.broadcast %broadcast_in_dim3A_38 : i32 to vector<16xi32>
      %broadcast_in_dim3A_40 = arith.constant 14 : i32
      %broadcast_in_dim3A_41 = vector.broadcast %broadcast_in_dim3A_40 : i32 to vector<16xi32>
      %broadcast_in_dim3A_42 = arith.constant 15 : i32
      %broadcast_in_dim3A_43 = vector.broadcast %broadcast_in_dim3A_42 : i32 to vector<16xi32>
      %gather3A = tpu.vector_load_idx %arg6[%add3A_12, %broadcast_in_dim3A_13] : memref<256x16xf32, #tpu.memory_space<vmem>>[vector<16xi32>, vector<16xi32>], vector<16xf32>,
      %gather3A_44 = tpu.vector_load_idx %arg6[%add3A_12, %broadcast_in_dim3A_15] : memref<256x16xf32, #tpu.memory_space<vmem>>[vector<16xi32>, vector<16xi32>], vector<16xf32>,
      %gather3A_45 = tpu.vector_load_idx %arg6[%add3A_12, %broadcast_in_dim3A_17] : memref<256x16xf32, #tpu.memory_space<vmem>>[vector<16xi32>, vector<16xi32>], vector<16xf32>,
      %gather3A_46 = tpu.vector_load_idx %arg6[%add3A_12, %broadcast_in_dim3A_19] : memref<256x16xf32, #tpu.memory_space<vmem>>[vector<16xi32>, vector<16xi32>], vector<16xf32>,
      %gather3A_47 = tpu.vector_load_idx %arg6[%add3A_12, %broadcast_in_dim3A_21] : memref<256x16xf32, #tpu.memory_space<vmem>>[vector<16xi32>, vector<16xi32>], vector<16xf32>,
      %gather3A_48 = tpu.vector_load_idx %arg6[%add3A_12, %broadcast_in_dim3A_23] : memref<256x16xf32, #tpu.memory_space<vmem>>[vector<16xi32>, vector<16xi32>], vector<16xf32>,
      %gather3A_49 = tpu.vector_load_idx %arg6[%add3A_12, %broadcast_in_dim3A_25] : memref<256x16xf32, #tpu.memory_space<vmem>>[vector<16xi32>, vector<16xi32>], vector<16xf32>,
      %gather3A_50 = tpu.vector_load_idx %arg6[%add3A_12, %broadcast_in_dim3A_27] : memref<256x16xf32, #tpu.memory_space<vmem>>[vector<16xi32>, vector<16xi32>], vector<16xf32>,
      %gather3A_51 = tpu.vector_load_idx %arg6[%add3A_12, %broadcast_in_dim3A_29] : memref<256x16xf32, #tpu.memory_space<vmem>>[vector<16xi32>, vector<16xi32>], vector<16xf32>,
      %gather3A_52 = tpu.vector_load_idx %arg6[%add3A_12, %broadcast_in_dim3A_31] : memref<256x16xf32, #tpu.memory_space<vmem>>[vector<16xi32>, vector<16xi32>], vector<16xf32>,
      %gather3A_53 = tpu.vector_load_idx %arg6[%add3A_12, %broadcast_in_dim3A_33] : memref<256x16xf32, #tpu.memory_space<vmem>>[vector<16xi32>, vector<16xi32>], vector<16xf32>,
      %gather3A_54 = tpu.vector_load_idx %arg6[%add3A_12, %broadcast_in_dim3A_35] : memref<256x16xf32, #tpu.memory_space<vmem>>[vector<16xi32>, vector<16xi32>], vector<16xf32>,
      %gather3A_55 = tpu.vector_load_idx %arg6[%add3A_12, %broadcast_in_dim3A_37] : memref<256x16xf32, #tpu.memory_space<vmem>>[vector<16xi32>, vector<16xi32>], vector<16xf32>,
      %gather3A_56 = tpu.vector_load_idx %arg6[%add3A_12, %broadcast_in_dim3A_39] : memref<256x16xf32, #tpu.memory_space<vmem>>[vector<16xi32>, vector<16xi32>], vector<16xf32>,
      %gather3A_57 = tpu.vector_load_idx %arg6[%add3A_12, %broadcast_in_dim3A_41] : memref<256x16xf32, #tpu.memory_space<vmem>>[vector<16xi32>, vector<16xi32>], vector<16xf32>,
      %gather3A_58 = tpu.vector_load_idx %arg6[%add3A_12, %broadcast_in_dim3A_43] : memref<256x16xf32, #tpu.memory_space<vmem>>[vector<16xi32>, vector<16xi32>], vector<16xf32>,
      %max3A = arith.maximumf %gather3A, %gather3A_44 : vector<16xf32>
      %max3A_59 = arith.maximumf %gather3A_45, %gather3A_46 : vector<16xf32>
      %max3A_60 = arith.maximumf %gather3A_47, %gather3A_48 : vector<16xf32>
      %max3A_61 = arith.maximumf %gather3A_49, %gather3A_50 : vector<16xf32>
      %max3A_62 = arith.maximumf %gather3A_51, %gather3A_52 : vector<16xf32>
      %max3A_63 = arith.maximumf %gather3A_53, %gather3A_54 : vector<16xf32>
      %max3A_64 = arith.maximumf %gather3A_55, %gather3A_56 : vector<16xf32>
      %max3A_65 = arith.maximumf %gather3A_57, %gather3A_58 : vector<16xf32>
      %max3A_66 = arith.maximumf %max3A, %max3A_59 : vector<16xf32>
      %max3A_67 = arith.maximumf %max3A_60, %max3A_61 : vector<16xf32>
      %max3A_68 = arith.maximumf %max3A_62, %max3A_63 : vector<16xf32>
      %max3A_69 = arith.maximumf %max3A_64, %max3A_65 : vector<16xf32>
      %max3A_70 = arith.maximumf %max3A_66, %max3A_67 : vector<16xf32>
      %max3A_71 = arith.maximumf %max3A_68, %max3A_69 : vector<16xf32>
      %max3A_72 = arith.maximumf %max3A_70, %max3A_71 : vector<16xf32>
      %sub3A = arith.subf %gather3A, %max3A_72 : vector<16xf32>
      %exp3A = math.exp %sub3A : vector<16xf32>
      %sub3A_73 = arith.subf %gather3A_44, %max3A_72 : vector<16xf32>
      %exp3A_74 = math.exp %sub3A_73 : vector<16xf32>
      %sub3A_75 = arith.subf %gather3A_45, %max3A_72 : vector<16xf32>
      %exp3A_76 = math.exp %sub3A_75 : vector<16xf32>
      %sub3A_77 = arith.subf %gather3A_46, %max3A_72 : vector<16xf32>
      %exp3A_78 = math.exp %sub3A_77 : vector<16xf32>
      %sub3A_79 = arith.subf %gather3A_47, %max3A_72 : vector<16xf32>
      %exp3A_80 = math.exp %sub3A_79 : vector<16xf32>
      %sub3A_81 = arith.subf %gather3A_48, %max3A_72 : vector<16xf32>
      %exp3A_82 = math.exp %sub3A_81 : vector<16xf32>
      %sub3A_83 = arith.subf %gather3A_49, %max3A_72 : vector<16xf32>
      %exp3A_84 = math.exp %sub3A_83 : vector<16xf32>
      %sub3A_85 = arith.subf %gather3A_50, %max3A_72 : vector<16xf32>
      %exp3A_86 = math.exp %sub3A_85 : vector<16xf32>
      %sub3A_87 = arith.subf %gather3A_51, %max3A_72 : vector<16xf32>
      %exp3A_88 = math.exp %sub3A_87 : vector<16xf32>
      %sub3A_89 = arith.subf %gather3A_52, %max3A_72 : vector<16xf32>
      %exp3A_90 = math.exp %sub3A_89 : vector<16xf32>
      %sub3A_91 = arith.subf %gather3A_53, %max3A_72 : vector<16xf32>
      %exp3A_92 = math.exp %sub3A_91 : vector<16xf32>
      %sub3A_93 = arith.subf %gather3A_54, %max3A_72 : vector<16xf32>
      %exp3A_94 = math.exp %sub3A_93 : vector<16xf32>
      %sub3A_95 = arith.subf %gather3A_55, %max3A_72 : vector<16xf32>
      %exp3A_96 = math.exp %sub3A_95 : vector<16xf32>
      %sub3A_97 = arith.subf %gather3A_56, %max3A_72 : vector<16xf32>
      %exp3A_98 = math.exp %sub3A_97 : vector<16xf32>
      %sub3A_99 = arith.subf %gather3A_57, %max3A_72 : vector<16xf32>
      %exp3A_100 = math.exp %sub3A_99 : vector<16xf32>
      %sub3A_101 = arith.subf %gather3A_58, %max3A_72 : vector<16xf32>
      %exp3A_102 = math.exp %sub3A_101 : vector<16xf32>
      %add3A_103 = arith.addf %exp3A, %exp3A_74 : vector<16xf32>
      %add3A_104 = arith.addf %exp3A_76, %exp3A_78 : vector<16xf32>
      %add3A_105 = arith.addf %exp3A_80, %exp3A_82 : vector<16xf32>
      %add3A_106 = arith.addf %exp3A_84, %exp3A_86 : vector<16xf32>
      %add3A_107 = arith.addf %exp3A_88, %exp3A_90 : vector<16xf32>
      %add3A_108 = arith.addf %exp3A_92, %exp3A_94 : vector<16xf32>
      %add3A_109 = arith.addf %exp3A_96, %exp3A_98 : vector<16xf32>
      %add3A_110 = arith.addf %exp3A_100, %exp3A_102 : vector<16xf32>
      %add3A_111 = arith.addf %add3A_103, %add3A_104 : vector<16xf32>
      %add3A_112 = arith.addf %add3A_105, %add3A_106 : vector<16xf32>
      %add3A_113 = arith.addf %add3A_107, %add3A_108 : vector<16xf32>
      %add3A_114 = arith.addf %add3A_109, %add3A_110 : vector<16xf32>
      %add3A_115 = arith.addf %add3A_111, %add3A_112 : vector<16xf32>
      %add3A_116 = arith.addf %add3A_113, %add3A_114 : vector<16xf32>
      %add3A_117 = arith.addf %add3A_115, %add3A_116 : vector<16xf32>
      %div3A = arith.constant 1.000000e+00 : f32
      %div3A_118 = vector.broadcast %div3A : f32 to vector<16xf32>
      %div3A_119 = arith.divf %div3A_118, %add3A_117 : vector<16xf32>
      %mul3A_120 = arith.mulf %exp3A, %div3A_119 : vector<16xf32>
      %mul3A_121 = arith.mulf %exp3A_74, %div3A_119 : vector<16xf32>
      %mul3A_122 = arith.mulf %exp3A_76, %div3A_119 : vector<16xf32>
      %mul3A_123 = arith.mulf %exp3A_78, %div3A_119 : vector<16xf32>
      %mul3A_124 = arith.mulf %exp3A_80, %div3A_119 : vector<16xf32>
      %mul3A_125 = arith.mulf %exp3A_82, %div3A_119 : vector<16xf32>
      %mul3A_126 = arith.mulf %exp3A_84, %div3A_119 : vector<16xf32>
      %mul3A_127 = arith.mulf %exp3A_86, %div3A_119 : vector<16xf32>
      %mul3A_128 = arith.mulf %exp3A_88, %div3A_119 : vector<16xf32>
      %mul3A_129 = arith.mulf %exp3A_90, %div3A_119 : vector<16xf32>
      %mul3A_130 = arith.mulf %exp3A_92, %div3A_119 : vector<16xf32>
      %mul3A_131 = arith.mulf %exp3A_94, %div3A_119 : vector<16xf32>
      %mul3A_132 = arith.mulf %exp3A_96, %div3A_119 : vector<16xf32>
      %mul3A_133 = arith.mulf %exp3A_98, %div3A_119 : vector<16xf32>
      %mul3A_134 = arith.mulf %exp3A_100, %div3A_119 : vector<16xf32>
      %mul3A_135 = arith.mulf %exp3A_102, %div3A_119 : vector<16xf32>
      tpu.vector_store_idx %arg7[%add3A_12, %broadcast_in_dim3A_13], %mul3A_120 : memref<256x16xf32, #tpu.memory_space<vmem>>[vector<16xi32>, vector<16xi32>], vector<16xf32>,
      tpu.vector_store_idx %arg7[%add3A_12, %broadcast_in_dim3A_15], %mul3A_121 : memref<256x16xf32, #tpu.memory_space<vmem>>[vector<16xi32>, vector<16xi32>], vector<16xf32>,
      tpu.vector_store_idx %arg7[%add3A_12, %broadcast_in_dim3A_17], %mul3A_122 : memref<256x16xf32, #tpu.memory_space<vmem>>[vector<16xi32>, vector<16xi32>], vector<16xf32>,
      tpu.vector_store_idx %arg7[%add3A_12, %broadcast_in_dim3A_19], %mul3A_123 : memref<256x16xf32, #tpu.memory_space<vmem>>[vector<16xi32>, vector<16xi32>], vector<16xf32>,
      tpu.vector_store_idx %arg7[%add3A_12, %broadcast_in_dim3A_21], %mul3A_124 : memref<256x16xf32, #tpu.memory_space<vmem>>[vector<16xi32>, vector<16xi32>], vector<16xf32>,
      tpu.vector_store_idx %arg7[%add3A_12, %broadcast_in_dim3A_23], %mul3A_125 : memref<256x16xf32, #tpu.memory_space<vmem>>[vector<16xi32>, vector<16xi32>], vector<16xf32>,
      tpu.vector_store_idx %arg7[%add3A_12, %broadcast_in_dim3A_25], %mul3A_126 : memref<256x16xf32, #tpu.memory_space<vmem>>[vector<16xi32>, vector<16xi32>], vector<16xf32>,
      tpu.vector_store_idx %arg7[%add3A_12, %broadcast_in_dim3A_27], %mul3A_127 : memref<256x16xf32, #tpu.memory_space<vmem>>[vector<16xi32>, vector<16xi32>], vector<16xf32>,
      tpu.vector_store_idx %arg7[%add3A_12, %broadcast_in_dim3A_29], %mul3A_128 : memref<256x16xf32, #tpu.memory_space<vmem>>[vector<16xi32>, vector<16xi32>], vector<16xf32>,
      tpu.vector_store_idx %arg7[%add3A_12, %broadcast_in_dim3A_31], %mul3A_129 : memref<256x16xf32, #tpu.memory_space<vmem>>[vector<16xi32>, vector<16xi32>], vector<16xf32>,
      tpu.vector_store_idx %arg7[%add3A_12, %broadcast_in_dim3A_33], %mul3A_130 : memref<256x16xf32, #tpu.memory_space<vmem>>[vector<16xi32>, vector<16xi32>], vector<16xf32>,
      tpu.vector_store_idx %arg7[%add3A_12, %broadcast_in_dim3A_35], %mul3A_131 : memref<256x16xf32, #tpu.memory_space<vmem>>[vector<16xi32>, vector<16xi32>], vector<16xf32>,
      tpu.vector_store_idx %arg7[%add3A_12, %broadcast_in_dim3A_37], %mul3A_132 : memref<256x16xf32, #tpu.memory_space<vmem>>[vector<16xi32>, vector<16xi32>], vector<16xf32>,
      tpu.vector_store_idx %arg7[%add3A_12, %broadcast_in_dim3A_39], %mul3A_133 : memref<256x16xf32, #tpu.memory_space<vmem>>[vector<16xi32>, vector<16xi32>], vector<16xf32>,
      tpu.vector_store_idx %arg7[%add3A_12, %broadcast_in_dim3A_41], %mul3A_134 : memref<256x16xf32, #tpu.memory_space<vmem>>[vector<16xi32>, vector<16xi32>], vector<16xf32>,
      tpu.vector_store_idx %arg7[%add3A_12, %broadcast_in_dim3A_43], %mul3A_135 : memref<256x16xf32, #tpu.memory_space<vmem>>[vector<16xi32>, vector<16xi32>], vector<16xf32>,
      %max3A_136 = arith.maximumf %mul3A_120, %mul3A_121 : vector<16xf32>
      %max3A_137 = arith.maximumf %mul3A_122, %mul3A_123 : vector<16xf32>
      %max3A_138 = arith.maximumf %mul3A_124, %mul3A_125 : vector<16xf32>
      %max3A_139 = arith.maximumf %mul3A_126, %mul3A_127 : vector<16xf32>
      %max3A_140 = arith.maximumf %mul3A_128, %mul3A_129 : vector<16xf32>
      %max3A_141 = arith.maximumf %mul3A_130, %mul3A_131 : vector<16xf32>
      %max3A_142 = arith.maximumf %mul3A_132, %mul3A_133 : vector<16xf32>
      %max3A_143 = arith.maximumf %mul3A_134, %mul3A_135 : vector<16xf32>
      %max3A_144 = arith.maximumf %max3A_136, %max3A_137 : vector<16xf32>
      %max3A_145 = arith.maximumf %max3A_138, %max3A_139 : vector<16xf32>
      %max3A_146 = arith.maximumf %max3A_140, %max3A_141 : vector<16xf32>
      %max3A_147 = arith.maximumf %max3A_142, %max3A_143 : vector<16xf32>
      %max3A_148 = arith.maximumf %max3A_144, %max3A_145 : vector<16xf32>
      %max3A_149 = arith.maximumf %max3A_146, %max3A_147 : vector<16xf32>
      %max3A_150 = arith.maximumf %max3A_148, %max3A_149 : vector<16xf32>
      %broadcast_in_dim3A_151 = arith.constant 16 : i32
      %broadcast_in_dim3A_152 = vector.broadcast %broadcast_in_dim3A_151 : i32 to vector<16xi32>
      %eq3A = arith.cmpf oeq, %mul3A_135, %max3A_150 : vector<16xf32>
      %jit3A = arith.constant 15 : i32
      %broadcast_in_dim3A_153 = vector.broadcast %jit3A : i32 to vector<16xi32>
      %select_n3A = arith.select %eq3A, %broadcast_in_dim3A_153, %broadcast_in_dim3A_152 : vector<16xi1>, vector<16xi32>
      %eq3A_154 = arith.cmpf oeq, %mul3A_134, %max3A_150 : vector<16xf32>
      %jit3A_155 = arith.constant 14 : i32
      %broadcast_in_dim3A_156 = vector.broadcast %jit3A_155 : i32 to vector<16xi32>
      %select_n3A_157 = arith.select %eq3A_154, %broadcast_in_dim3A_156, %select_n3A : vector<16xi1>, vector<16xi32>
      %eq3A_158 = arith.cmpf oeq, %mul3A_133, %max3A_150 : vector<16xf32>
      %jit3A_159 = arith.constant 13 : i32
      %broadcast_in_dim3A_160 = vector.broadcast %jit3A_159 : i32 to vector<16xi32>
      %select_n3A_161 = arith.select %eq3A_158, %broadcast_in_dim3A_160, %select_n3A_157 : vector<16xi1>, vector<16xi32>
      %eq3A_162 = arith.cmpf oeq, %mul3A_132, %max3A_150 : vector<16xf32>
      %jit3A_163 = arith.constant 12 : i32
      %broadcast_in_dim3A_164 = vector.broadcast %jit3A_163 : i32 to vector<16xi32>
      %select_n3A_165 = arith.select %eq3A_162, %broadcast_in_dim3A_164, %select_n3A_161 : vector<16xi1>, vector<16xi32>
      %eq3A_166 = arith.cmpf oeq, %mul3A_131, %max3A_150 : vector<16xf32>
      %jit3A_167 = arith.constant 11 : i32
      %broadcast_in_dim3A_168 = vector.broadcast %jit3A_167 : i32 to vector<16xi32>
      %select_n3A_169 = arith.select %eq3A_166, %broadcast_in_dim3A_168, %select_n3A_165 : vector<16xi1>, vector<16xi32>
      %eq3A_170 = arith.cmpf oeq, %mul3A_130, %max3A_150 : vector<16xf32>
      %jit3A_171 = arith.constant 10 : i32
      %broadcast_in_dim3A_172 = vector.broadcast %jit3A_171 : i32 to vector<16xi32>
      %select_n3A_173 = arith.select %eq3A_170, %broadcast_in_dim3A_172, %select_n3A_169 : vector<16xi1>, vector<16xi32>
      %eq3A_174 = arith.cmpf oeq, %mul3A_129, %max3A_150 : vector<16xf32>
      %jit3A_175 = arith.constant 9 : i32
      %broadcast_in_dim3A_176 = vector.broadcast %jit3A_175 : i32 to vector<16xi32>
      %select_n3A_177 = arith.select %eq3A_174, %broadcast_in_dim3A_176, %select_n3A_173 : vector<16xi1>, vector<16xi32>
      %eq3A_178 = arith.cmpf oeq, %mul3A_128, %max3A_150 : vector<16xf32>
      %jit3A_179 = arith.constant 8 : i32
      %broadcast_in_dim3A_180 = vector.broadcast %jit3A_179 : i32 to vector<16xi32>
      %select_n3A_181 = arith.select %eq3A_178, %broadcast_in_dim3A_180, %select_n3A_177 : vector<16xi1>, vector<16xi32>
      %eq3A_182 = arith.cmpf oeq, %mul3A_127, %max3A_150 : vector<16xf32>
      %jit3A_183 = arith.constant 7 : i32
      %broadcast_in_dim3A_184 = vector.broadcast %jit3A_183 : i32 to vector<16xi32>
      %select_n3A_185 = arith.select %eq3A_182, %broadcast_in_dim3A_184, %select_n3A_181 : vector<16xi1>, vector<16xi32>
      %eq3A_186 = arith.cmpf oeq, %mul3A_126, %max3A_150 : vector<16xf32>
      %jit3A_187 = arith.constant 6 : i32
      %broadcast_in_dim3A_188 = vector.broadcast %jit3A_187 : i32 to vector<16xi32>
      %select_n3A_189 = arith.select %eq3A_186, %broadcast_in_dim3A_188, %select_n3A_185 : vector<16xi1>, vector<16xi32>
      %eq3A_190 = arith.cmpf oeq, %mul3A_125, %max3A_150 : vector<16xf32>
      %jit3A_191 = arith.constant 5 : i32
      %broadcast_in_dim3A_192 = vector.broadcast %jit3A_191 : i32 to vector<16xi32>
      %select_n3A_193 = arith.select %eq3A_190, %broadcast_in_dim3A_192, %select_n3A_189 : vector<16xi1>, vector<16xi32>
      %eq3A_194 = arith.cmpf oeq, %mul3A_124, %max3A_150 : vector<16xf32>
      %jit3A_195 = arith.constant 4 : i32
      %broadcast_in_dim3A_196 = vector.broadcast %jit3A_195 : i32 to vector<16xi32>
      %select_n3A_197 = arith.select %eq3A_194, %broadcast_in_dim3A_196, %select_n3A_193 : vector<16xi1>, vector<16xi32>
      %eq3A_198 = arith.cmpf oeq, %mul3A_123, %max3A_150 : vector<16xf32>
      %jit3A_199 = arith.constant 3 : i32
      %broadcast_in_dim3A_200 = vector.broadcast %jit3A_199 : i32 to vector<16xi32>
      %select_n3A_201 = arith.select %eq3A_198, %broadcast_in_dim3A_200, %select_n3A_197 : vector<16xi1>, vector<16xi32>
      %eq3A_202 = arith.cmpf oeq, %mul3A_122, %max3A_150 : vector<16xf32>
      %jit3A_203 = arith.constant 2 : i32
      %broadcast_in_dim3A_204 = vector.broadcast %jit3A_203 : i32 to vector<16xi32>
      %select_n3A_205 = arith.select %eq3A_202, %broadcast_in_dim3A_204, %select_n3A_201 : vector<16xi1>, vector<16xi32>
      %eq3A_206 = arith.cmpf oeq, %mul3A_121, %max3A_150 : vector<16xf32>
      %jit3A_207 = arith.constant 1 : i32
      %broadcast_in_dim3A_208 = vector.broadcast %jit3A_207 : i32 to vector<16xi32>
      %select_n3A_209 = arith.select %eq3A_206, %broadcast_in_dim3A_208, %select_n3A_205 : vector<16xi1>, vector<16xi32>
      %eq3A_210 = arith.cmpf oeq, %mul3A_120, %max3A_150 : vector<16xf32>
      %jit3A_211 = arith.constant 0 : i32
      %broadcast_in_dim3A_212 = vector.broadcast %jit3A_211 : i32 to vector<16xi32>
      %select_n3A_213 = arith.select %eq3A_210, %broadcast_in_dim3A_212, %select_n3A_209 : vector<16xi1>, vector<16xi32>
      %eq3A_214 = arith.constant 0 : i32
      %eq3A_215 = vector.broadcast %eq3A_214 : i32 to vector<16xi32>
      %eq3A_216 = arith.cmpi eq, %select_n3A_213, %eq3A_215 : vector<16xi32>
      %jit3A_217 = arith.constant -1.000000e+00 : f32
      %broadcast_in_dim3A_218 = vector.broadcast %jit3A_217 : f32 to vector<16xf32>
      %select_n3A_219 = arith.select %eq3A_216, %broadcast_in_dim3A_218, %mul3A_120 : vector<16xi1>, vector<16xf32>
      %eq3A_220 = arith.constant 1 : i32
      %eq3A_221 = vector.broadcast %eq3A_220 : i32 to vector<16xi32>
      %eq3A_222 = arith.cmpi eq, %select_n3A_213, %eq3A_221 : vector<16xi32>
      %jit3A_223 = arith.constant -1.000000e+00 : f32
      %broadcast_in_dim3A_224 = vector.broadcast %jit3A_223 : f32 to vector<16xf32>
      %select_n3A_225 = arith.select %eq3A_222, %broadcast_in_dim3A_224, %mul3A_121 : vector<16xi1>, vector<16xf32>
      %eq3A_226 = arith.constant 2 : i32
      %eq3A_227 = vector.broadcast %eq3A_226 : i32 to vector<16xi32>
      %eq3A_228 = arith.cmpi eq, %select_n3A_213, %eq3A_227 : vector<16xi32>
      %jit3A_229 = arith.constant -1.000000e+00 : f32
      %broadcast_in_dim3A_230 = vector.broadcast %jit3A_229 : f32 to vector<16xf32>
      %select_n3A_231 = arith.select %eq3A_228, %broadcast_in_dim3A_230, %mul3A_122 : vector<16xi1>, vector<16xf32>
      %eq3A_232 = arith.constant 3 : i32
      %eq3A_233 = vector.broadcast %eq3A_232 : i32 to vector<16xi32>
      %eq3A_234 = arith.cmpi eq, %select_n3A_213, %eq3A_233 : vector<16xi32>
      %jit3A_235 = arith.constant -1.000000e+00 : f32
      %broadcast_in_dim3A_236 = vector.broadcast %jit3A_235 : f32 to vector<16xf32>
      %select_n3A_237 = arith.select %eq3A_234, %broadcast_in_dim3A_236, %mul3A_123 : vector<16xi1>, vector<16xf32>
      %eq3A_238 = arith.constant 4 : i32
      %eq3A_239 = vector.broadcast %eq3A_238 : i32 to vector<16xi32>
      %eq3A_240 = arith.cmpi eq, %select_n3A_213, %eq3A_239 : vector<16xi32>
      %jit3A_241 = arith.constant -1.000000e+00 : f32
      %broadcast_in_dim3A_242 = vector.broadcast %jit3A_241 : f32 to vector<16xf32>
      %select_n3A_243 = arith.select %eq3A_240, %broadcast_in_dim3A_242, %mul3A_124 : vector<16xi1>, vector<16xf32>
      %eq3A_244 = arith.constant 5 : i32
      %eq3A_245 = vector.broadcast %eq3A_244 : i32 to vector<16xi32>
      %eq3A_246 = arith.cmpi eq, %select_n3A_213, %eq3A_245 : vector<16xi32>
      %jit3A_247 = arith.constant -1.000000e+00 : f32
      %broadcast_in_dim3A_248 = vector.broadcast %jit3A_247 : f32 to vector<16xf32>
      %select_n3A_249 = arith.select %eq3A_246, %broadcast_in_dim3A_248, %mul3A_125 : vector<16xi1>, vector<16xf32>
      %eq3A_250 = arith.constant 6 : i32
      %eq3A_251 = vector.broadcast %eq3A_250 : i32 to vector<16xi32>
      %eq3A_252 = arith.cmpi eq, %select_n3A_213, %eq3A_251 : vector<16xi32>
      %jit3A_253 = arith.constant -1.000000e+00 : f32
      %broadcast_in_dim3A_254 = vector.broadcast %jit3A_253 : f32 to vector<16xf32>
      %select_n3A_255 = arith.select %eq3A_252, %broadcast_in_dim3A_254, %mul3A_126 : vector<16xi1>, vector<16xf32>
      %eq3A_256 = arith.constant 7 : i32
      %eq3A_257 = vector.broadcast %eq3A_256 : i32 to vector<16xi32>
      %eq3A_258 = arith.cmpi eq, %select_n3A_213, %eq3A_257 : vector<16xi32>
      %jit3A_259 = arith.constant -1.000000e+00 : f32
      %broadcast_in_dim3A_260 = vector.broadcast %jit3A_259 : f32 to vector<16xf32>
      %select_n3A_261 = arith.select %eq3A_258, %broadcast_in_dim3A_260, %mul3A_127 : vector<16xi1>, vector<16xf32>
      %eq3A_262 = arith.constant 8 : i32
      %eq3A_263 = vector.broadcast %eq3A_262 : i32 to vector<16xi32>
      %eq3A_264 = arith.cmpi eq, %select_n3A_213, %eq3A_263 : vector<16xi32>
      %jit3A_265 = arith.constant -1.000000e+00 : f32
      %broadcast_in_dim3A_266 = vector.broadcast %jit3A_265 : f32 to vector<16xf32>
      %select_n3A_267 = arith.select %eq3A_264, %broadcast_in_dim3A_266, %mul3A_128 : vector<16xi1>, vector<16xf32>
      %eq3A_268 = arith.constant 9 : i32
      %eq3A_269 = vector.broadcast %eq3A_268 : i32 to vector<16xi32>
      %eq3A_270 = arith.cmpi eq, %select_n3A_213, %eq3A_269 : vector<16xi32>
      %jit3A_271 = arith.constant -1.000000e+00 : f32
      %broadcast_in_dim3A_272 = vector.broadcast %jit3A_271 : f32 to vector<16xf32>
      %select_n3A_273 = arith.select %eq3A_270, %broadcast_in_dim3A_272, %mul3A_129 : vector<16xi1>, vector<16xf32>
      %eq3A_274 = arith.constant 10 : i32
      %eq3A_275 = vector.broadcast %eq3A_274 : i32 to vector<16xi32>
      %eq3A_276 = arith.cmpi eq, %select_n3A_213, %eq3A_275 : vector<16xi32>
      %jit3A_277 = arith.constant -1.000000e+00 : f32
      %broadcast_in_dim3A_278 = vector.broadcast %jit3A_277 : f32 to vector<16xf32>
      %select_n3A_279 = arith.select %eq3A_276, %broadcast_in_dim3A_278, %mul3A_130 : vector<16xi1>, vector<16xf32>
      %eq3A_280 = arith.constant 11 : i32
      %eq3A_281 = vector.broadcast %eq3A_280 : i32 to vector<16xi32>
      %eq3A_282 = arith.cmpi eq, %select_n3A_213, %eq3A_281 : vector<16xi32>
      %jit3A_283 = arith.constant -1.000000e+00 : f32
      %broadcast_in_dim3A_284 = vector.broadcast %jit3A_283 : f32 to vector<16xf32>
      %select_n3A_285 = arith.select %eq3A_282, %broadcast_in_dim3A_284, %mul3A_131 : vector<16xi1>, vector<16xf32>
      %eq3A_286 = arith.constant 12 : i32
      %eq3A_287 = vector.broadcast %eq3A_286 : i32 to vector<16xi32>
      %eq3A_288 = arith.cmpi eq, %select_n3A_213, %eq3A_287 : vector<16xi32>
      %jit3A_289 = arith.constant -1.000000e+00 : f32
      %broadcast_in_dim3A_290 = vector.broadcast %jit3A_289 : f32 to vector<16xf32>
      %select_n3A_291 = arith.select %eq3A_288, %broadcast_in_dim3A_290, %mul3A_132 : vector<16xi1>, vector<16xf32>
      %eq3A_292 = arith.constant 13 : i32
      %eq3A_293 = vector.broadcast %eq3A_292 : i32 to vector<16xi32>
      %eq3A_294 = arith.cmpi eq, %select_n3A_213, %eq3A_293 : vector<16xi32>
      %jit3A_295 = arith.constant -1.000000e+00 : f32
      %broadcast_in_dim3A_296 = vector.broadcast %jit3A_295 : f32 to vector<16xf32>
      %select_n3A_297 = arith.select %eq3A_294, %broadcast_in_dim3A_296, %mul3A_133 : vector<16xi1>, vector<16xf32>
      %eq3A_298 = arith.constant 14 : i32
      %eq3A_299 = vector.broadcast %eq3A_298 : i32 to vector<16xi32>
      %eq3A_300 = arith.cmpi eq, %select_n3A_213, %eq3A_299 : vector<16xi32>
      %jit3A_301 = arith.constant -1.000000e+00 : f32
      %broadcast_in_dim3A_302 = vector.broadcast %jit3A_301 : f32 to vector<16xf32>
      %select_n3A_303 = arith.select %eq3A_300, %broadcast_in_dim3A_302, %mul3A_134 : vector<16xi1>, vector<16xf32>
      %eq3A_304 = arith.constant 15 : i32
      %eq3A_305 = vector.broadcast %eq3A_304 : i32 to vector<16xi32>
      %eq3A_306 = arith.cmpi eq, %select_n3A_213, %eq3A_305 : vector<16xi32>
      %jit3A_307 = arith.constant -1.000000e+00 : f32
      %broadcast_in_dim3A_308 = vector.broadcast %jit3A_307 : f32 to vector<16xf32>
      %select_n3A_309 = arith.select %eq3A_306, %broadcast_in_dim3A_308, %mul3A_135 : vector<16xi1>, vector<16xf32>
      %max3A_310 = arith.maximumf %select_n3A_219, %select_n3A_225 : vector<16xf32>
      %max3A_311 = arith.maximumf %select_n3A_231, %select_n3A_237 : vector<16xf32>
      %max3A_312 = arith.maximumf %select_n3A_243, %select_n3A_249 : vector<16xf32>
      %max3A_313 = arith.maximumf %select_n3A_255, %select_n3A_261 : vector<16xf32>
      %max3A_314 = arith.maximumf %select_n3A_267, %select_n3A_273 : vector<16xf32>
      %max3A_315 = arith.maximumf %select_n3A_279, %select_n3A_285 : vector<16xf32>
      %max3A_316 = arith.maximumf %select_n3A_291, %select_n3A_297 : vector<16xf32>
      %max3A_317 = arith.maximumf %select_n3A_303, %select_n3A_309 : vector<16xf32>
      %max3A_318 = arith.maximumf %max3A_310, %max3A_311 : vector<16xf32>
      %max3A_319 = arith.maximumf %max3A_312, %max3A_313 : vector<16xf32>
      %max3A_320 = arith.maximumf %max3A_314, %max3A_315 : vector<16xf32>
      %max3A_321 = arith.maximumf %max3A_316, %max3A_317 : vector<16xf32>
      %max3A_322 = arith.maximumf %max3A_318, %max3A_319 : vector<16xf32>
      %max3A_323 = arith.maximumf %max3A_320, %max3A_321 : vector<16xf32>
      %max3A_324 = arith.maximumf %max3A_322, %max3A_323 : vector<16xf32>
      %broadcast_in_dim3A_325 = arith.constant 16 : i32
      %broadcast_in_dim3A_326 = vector.broadcast %broadcast_in_dim3A_325 : i32 to vector<16xi32>
      %eq3A_327 = arith.cmpf oeq, %select_n3A_309, %max3A_324 : vector<16xf32>
      %jit3A_328 = arith.constant 15 : i32
      %broadcast_in_dim3A_329 = vector.broadcast %jit3A_328 : i32 to vector<16xi32>
      %select_n3A_330 = arith.select %eq3A_327, %broadcast_in_dim3A_329, %broadcast_in_dim3A_326 : vector<16xi1>, vector<16xi32>
      %eq3A_331 = arith.cmpf oeq, %select_n3A_303, %max3A_324 : vector<16xf32>
      %jit3A_332 = arith.constant 14 : i32
      %broadcast_in_dim3A_333 = vector.broadcast %jit3A_332 : i32 to vector<16xi32>
      %select_n3A_334 = arith.select %eq3A_331, %broadcast_in_dim3A_333, %select_n3A_330 : vector<16xi1>, vector<16xi32>
      %eq3A_335 = arith.cmpf oeq, %select_n3A_297, %max3A_324 : vector<16xf32>
      %jit3A_336 = arith.constant 13 : i32
      %broadcast_in_dim3A_337 = vector.broadcast %jit3A_336 : i32 to vector<16xi32>
      %select_n3A_338 = arith.select %eq3A_335, %broadcast_in_dim3A_337, %select_n3A_334 : vector<16xi1>, vector<16xi32>
      %eq3A_339 = arith.cmpf oeq, %select_n3A_291, %max3A_324 : vector<16xf32>
      %jit3A_340 = arith.constant 12 : i32
      %broadcast_in_dim3A_341 = vector.broadcast %jit3A_340 : i32 to vector<16xi32>
      %select_n3A_342 = arith.select %eq3A_339, %broadcast_in_dim3A_341, %select_n3A_338 : vector<16xi1>, vector<16xi32>
      %eq3A_343 = arith.cmpf oeq, %select_n3A_285, %max3A_324 : vector<16xf32>
      %jit3A_344 = arith.constant 11 : i32
      %broadcast_in_dim3A_345 = vector.broadcast %jit3A_344 : i32 to vector<16xi32>
      %select_n3A_346 = arith.select %eq3A_343, %broadcast_in_dim3A_345, %select_n3A_342 : vector<16xi1>, vector<16xi32>
      %eq3A_347 = arith.cmpf oeq, %select_n3A_279, %max3A_324 : vector<16xf32>
      %jit3A_348 = arith.constant 10 : i32
      %broadcast_in_dim3A_349 = vector.broadcast %jit3A_348 : i32 to vector<16xi32>
      %select_n3A_350 = arith.select %eq3A_347, %broadcast_in_dim3A_349, %select_n3A_346 : vector<16xi1>, vector<16xi32>
      %eq3A_351 = arith.cmpf oeq, %select_n3A_273, %max3A_324 : vector<16xf32>
      %jit3A_352 = arith.constant 9 : i32
      %broadcast_in_dim3A_353 = vector.broadcast %jit3A_352 : i32 to vector<16xi32>
      %select_n3A_354 = arith.select %eq3A_351, %broadcast_in_dim3A_353, %select_n3A_350 : vector<16xi1>, vector<16xi32>
      %eq3A_355 = arith.cmpf oeq, %select_n3A_267, %max3A_324 : vector<16xf32>
      %jit3A_356 = arith.constant 8 : i32
      %broadcast_in_dim3A_357 = vector.broadcast %jit3A_356 : i32 to vector<16xi32>
      %select_n3A_358 = arith.select %eq3A_355, %broadcast_in_dim3A_357, %select_n3A_354 : vector<16xi1>, vector<16xi32>
      %eq3A_359 = arith.cmpf oeq, %select_n3A_261, %max3A_324 : vector<16xf32>
      %jit3A_360 = arith.constant 7 : i32
      %broadcast_in_dim3A_361 = vector.broadcast %jit3A_360 : i32 to vector<16xi32>
      %select_n3A_362 = arith.select %eq3A_359, %broadcast_in_dim3A_361, %select_n3A_358 : vector<16xi1>, vector<16xi32>
      %eq3A_363 = arith.cmpf oeq, %select_n3A_255, %max3A_324 : vector<16xf32>
      %jit3A_364 = arith.constant 6 : i32
      %broadcast_in_dim3A_365 = vector.broadcast %jit3A_364 : i32 to vector<16xi32>
      %select_n3A_366 = arith.select %eq3A_363, %broadcast_in_dim3A_365, %select_n3A_362 : vector<16xi1>, vector<16xi32>
      %eq3A_367 = arith.cmpf oeq, %select_n3A_249, %max3A_324 : vector<16xf32>
      %jit3A_368 = arith.constant 5 : i32
      %broadcast_in_dim3A_369 = vector.broadcast %jit3A_368 : i32 to vector<16xi32>
      %select_n3A_370 = arith.select %eq3A_367, %broadcast_in_dim3A_369, %select_n3A_366 : vector<16xi1>, vector<16xi32>
      %eq3A_371 = arith.cmpf oeq, %select_n3A_243, %max3A_324 : vector<16xf32>
      %jit3A_372 = arith.constant 4 : i32
      %broadcast_in_dim3A_373 = vector.broadcast %jit3A_372 : i32 to vector<16xi32>
      %select_n3A_374 = arith.select %eq3A_371, %broadcast_in_dim3A_373, %select_n3A_370 : vector<16xi1>, vector<16xi32>
      %eq3A_375 = arith.cmpf oeq, %select_n3A_237, %max3A_324 : vector<16xf32>
      %jit3A_376 = arith.constant 3 : i32
      %broadcast_in_dim3A_377 = vector.broadcast %jit3A_376 : i32 to vector<16xi32>
      %select_n3A_378 = arith.select %eq3A_375, %broadcast_in_dim3A_377, %select_n3A_374 : vector<16xi1>, vector<16xi32>
      %eq3A_379 = arith.cmpf oeq, %select_n3A_231, %max3A_324 : vector<16xf32>
      %jit3A_380 = arith.constant 2 : i32
      %broadcast_in_dim3A_381 = vector.broadcast %jit3A_380 : i32 to vector<16xi32>
      %select_n3A_382 = arith.select %eq3A_379, %broadcast_in_dim3A_381, %select_n3A_378 : vector<16xi1>, vector<16xi32>
      %eq3A_383 = arith.cmpf oeq, %select_n3A_225, %max3A_324 : vector<16xf32>
      %jit3A_384 = arith.constant 1 : i32
      %broadcast_in_dim3A_385 = vector.broadcast %jit3A_384 : i32 to vector<16xi32>
      %select_n3A_386 = arith.select %eq3A_383, %broadcast_in_dim3A_385, %select_n3A_382 : vector<16xi1>, vector<16xi32>
      %eq3A_387 = arith.cmpf oeq, %select_n3A_219, %max3A_324 : vector<16xf32>
      %jit3A_388 = arith.constant 0 : i32
      %broadcast_in_dim3A_389 = vector.broadcast %jit3A_388 : i32 to vector<16xi32>
      %select_n3A_390 = arith.select %eq3A_387, %broadcast_in_dim3A_389, %select_n3A_386 : vector<16xi1>, vector<16xi32>
      %add3A_391 = arith.addf %max3A_150, %max3A_324 : vector<16xf32>
      %div3A_392 = arith.divf %max3A_150, %add3A_391 : vector<16xf32>
      tpu.vector_store_idx %arg8[%add3A_12, %broadcast_in_dim3A_13], %div3A_392 : memref<256x2xf32, #tpu.memory_space<vmem>>[vector<16xi32>, vector<16xi32>], vector<16xf32>,
      %div3A_393 = arith.divf %max3A_324, %add3A_391 : vector<16xf32>
      tpu.vector_store_idx %arg8[%add3A_12, %broadcast_in_dim3A_15], %div3A_393 : memref<256x2xf32, #tpu.memory_space<vmem>>[vector<16xi32>, vector<16xi32>], vector<16xf32>,
      tpu.vector_store_idx %arg9[%add3A_12, %broadcast_in_dim3A_13], %select_n3A_213 : memref<256x2xi32, #tpu.memory_space<vmem>>[vector<16xi32>, vector<16xi32>], vector<16xi32>,
      tpu.vector_store_idx %arg9[%add3A_12, %broadcast_in_dim3A_15], %select_n3A_390 : memref<256x2xi32, #tpu.memory_space<vmem>>[vector<16xi32>, vector<16xi32>], vector<16xi32>,
    }
    %scan3A_7 = arith.constant 16 : i32
    "tpu.region"() ({
      %run_scoped3A = tpu.sem_alloc : memref<!tpu.dma_semaphore, #tpu.memory_space<semaphore_mem>>
      %dma_start3A = arith.constant 0 : i32
      %dma_start3A_8 = tpu.memref_slice %arg5[%mul3A_2, %dma_start3A] : memref<8192x16xf32, #tpu.memory_space<hbm>> -> memref<256x16xf32, #tpu.memory_space<hbm>>
      %dma_start3A_9 = arith.constant 0 : i32
      %dma_start3A_10 = tpu.memref_slice %arg5[%mul3A_2, %dma_start3A_9] : memref<8192x16xf32, #tpu.memory_space<hbm>> -> memref<256x16xf32, #tpu.memory_space<hbm>>
      tpu.enqueue_dma source(%arg7 : memref<256x16xf32, #tpu.memory_space<vmem>>) target(%dma_start3A_10 : memref<256x16xf32, #tpu.memory_space<hbm>>) target_semaphore(%run_scoped3A : memref<!tpu.dma_semaphore, #tpu.memory_space<semaphore_mem>>)
      %dma_wait3A = arith.constant 0 : i32
      %dma_wait3A_11 = tpu.memref_slice %arg5[%mul3A_2, %dma_wait3A] : memref<8192x16xf32, #tpu.memory_space<hbm>> -> memref<256x16xf32, #tpu.memory_space<hbm>>
      %dma_wait3A_12 = arith.constant 0 : i32
      %dma_wait3A_13 = tpu.memref_slice %arg5[%mul3A_2, %dma_wait3A_12] : memref<8192x16xf32, #tpu.memory_space<hbm>> -> memref<256x16xf32, #tpu.memory_space<hbm>>
      tpu.wait_dma2 semaphore(%run_scoped3A : memref<!tpu.dma_semaphore, #tpu.memory_space<semaphore_mem>>) src(%arg7 : memref<256x16xf32, #tpu.memory_space<vmem>>) dst(%dma_wait3A_13 : memref<256x16xf32, #tpu.memory_space<hbm>>)
      tpu.yield
    }) : () -> ()
    "tpu.region"() ({
      %run_scoped3A = tpu.sem_alloc : memref<!tpu.dma_semaphore, #tpu.memory_space<semaphore_mem>>
      %dma_start3A = arith.constant 0 : i32
      %dma_start3A_8 = tpu.memref_slice %arg3[%mul3A_2, %dma_start3A] : memref<8192x2xf32, #tpu.memory_space<hbm>> -> memref<256x2xf32, #tpu.memory_space<hbm>>
      %dma_start3A_9 = arith.constant 0 : i32
      %dma_start3A_10 = tpu.memref_slice %arg3[%mul3A_2, %dma_start3A_9] : memref<8192x2xf32, #tpu.memory_space<hbm>> -> memref<256x2xf32, #tpu.memory_space<hbm>>
      tpu.enqueue_dma source(%arg8 : memref<256x2xf32, #tpu.memory_space<vmem>>) target(%dma_start3A_10 : memref<256x2xf32, #tpu.memory_space<hbm>>) target_semaphore(%run_scoped3A : memref<!tpu.dma_semaphore, #tpu.memory_space<semaphore_mem>>)
      %dma_wait3A = arith.constant 0 : i32
      %dma_wait3A_11 = tpu.memref_slice %arg3[%mul3A_2, %dma_wait3A] : memref<8192x2xf32, #tpu.memory_space<hbm>> -> memref<256x2xf32, #tpu.memory_space<hbm>>
      %dma_wait3A_12 = arith.constant 0 : i32
      %dma_wait3A_13 = tpu.memref_slice %arg3[%mul3A_2, %dma_wait3A_12] : memref<8192x2xf32, #tpu.memory_space<hbm>> -> memref<256x2xf32, #tpu.memory_space<hbm>>
      tpu.wait_dma2 semaphore(%run_scoped3A : memref<!tpu.dma_semaphore, #tpu.memory_space<semaphore_mem>>) src(%arg8 : memref<256x2xf32, #tpu.memory_space<vmem>>) dst(%dma_wait3A_13 : memref<256x2xf32, #tpu.memory_space<hbm>>)
      tpu.yield
    }) : () -> ()
    "tpu.region"() ({
      %run_scoped3A = tpu.sem_alloc : memref<!tpu.dma_semaphore, #tpu.memory_space<semaphore_mem>>
      %dma_start3A = arith.constant 0 : i32
      %dma_start3A_8 = tpu.memref_slice %arg4[%mul3A_2, %dma_start3A] : memref<8192x2xi32, #tpu.memory_space<hbm>> -> memref<256x2xi32, #tpu.memory_space<hbm>>
      %dma_start3A_9 = arith.constant 0 : i32
      %dma_start3A_10 = tpu.memref_slice %arg4[%mul3A_2, %dma_start3A_9] : memref<8192x2xi32, #tpu.memory_space<hbm>> -> memref<256x2xi32, #tpu.memory_space<hbm>>
      tpu.enqueue_dma source(%arg9 : memref<256x2xi32, #tpu.memory_space<vmem>>) target(%dma_start3A_10 : memref<256x2xi32, #tpu.memory_space<hbm>>) target_semaphore(%run_scoped3A : memref<!tpu.dma_semaphore, #tpu.memory_space<semaphore_mem>>)
      %dma_wait3A = arith.constant 0 : i32
      %dma_wait3A_11 = tpu.memref_slice %arg4[%mul3A_2, %dma_wait3A] : memref<8192x2xi32, #tpu.memory_space<hbm>> -> memref<256x2xi32, #tpu.memory_space<hbm>>
      %dma_wait3A_12 = arith.constant 0 : i32
      %dma_wait3A_13 = tpu.memref_slice %arg4[%mul3A_2, %dma_wait3A_12] : memref<8192x2xi32, #tpu.memory_space<hbm>> -> memref<256x2xi32, #tpu.memory_space<hbm>>
      tpu.wait_dma2 semaphore(%run_scoped3A : memref<!tpu.dma_semaphore, #tpu.memory_space<semaphore_mem>>) src(%arg9 : memref<256x2xi32, #tpu.memory_space<vmem>>) dst(%dma_wait3A_13 : memref<256x2xi32, #tpu.memory_space<hbm>>)
      tpu.yield
    }) : () -> ()
    return
  }
}

#map = affine_map<(d0, d1) -> (0, 0)>
module attributes {stable_mosaic.version = 14 : i64} {
  func.func @_route_body(%arg0: i32, %arg1: i32, %arg2: memref<8192x16xf32, #tpu.memory_space<hbm>>, %arg3: memref<8192x2xf32, #tpu.memory_space<hbm>>, %arg4: memref<8192x2xi32, #tpu.memory_space<hbm>>, %arg5: memref<8192x16xf32, #tpu.memory_space<hbm>>, %arg6: memref<256x16xf32, #tpu.memory_space<vmem>>, %arg7: memref<256x16xf32, #tpu.memory_space<vmem>>, %arg8: memref<256x2xf32, #tpu.memory_space<vmem>>, %arg9: memref<256x2xi32, #tpu.memory_space<vmem>>) attributes {dimension_semantics = [#tpu.dimension_semantics<core_parallel>, #tpu.dimension_semantics<subcore_parallel>], iteration_bounds = array<i64: 2, 16>, scalar_prefetch = 0 : i64, scratch_operands = 4 : i64, tpu.core_type = #tpu.core_type<sc_vector_subcore>, window_params = [{transform_indices = #map}, {transform_indices = #map}, {transform_indices = #map}, {transform_indices = #map}]} {
    %mul3A = arith.constant 2 : i32
    %mul3A_0 = arith.muli %arg1, %mul3A : i32
    %add3A = arith.addi %mul3A_0, %arg0 : i32
    %mul3A_1 = arith.constant 256 : i32
    %mul3A_2 = arith.muli %add3A, %mul3A_1 : i32
    "tpu.region"() ({
      %run_scoped3A = tpu.sem_alloc : memref<!tpu.dma_semaphore, #tpu.memory_space<semaphore_mem>>
      %dma_start3A = arith.constant 0 : i32
      %dma_start3A_8 = tpu.memref_slice %arg2[%mul3A_2, %dma_start3A] : memref<8192x16xf32, #tpu.memory_space<hbm>> -> memref<256x16xf32, #tpu.memory_space<hbm>>
      %dma_start3A_9 = arith.constant 0 : i32
      %dma_start3A_10 = tpu.memref_slice %arg2[%mul3A_2, %dma_start3A_9] : memref<8192x16xf32, #tpu.memory_space<hbm>> -> memref<256x16xf32, #tpu.memory_space<hbm>>
      tpu.enqueue_dma source(%dma_start3A_10 : memref<256x16xf32, #tpu.memory_space<hbm>>) target(%arg6 : memref<256x16xf32, #tpu.memory_space<vmem>>) target_semaphore(%run_scoped3A : memref<!tpu.dma_semaphore, #tpu.memory_space<semaphore_mem>>)
      %dma_wait3A = arith.constant 0 : i32
      %dma_wait3A_11 = tpu.memref_slice %arg2[%mul3A_2, %dma_wait3A] : memref<8192x16xf32, #tpu.memory_space<hbm>> -> memref<256x16xf32, #tpu.memory_space<hbm>>
      %dma_wait3A_12 = arith.constant 0 : i32
      %dma_wait3A_13 = tpu.memref_slice %arg2[%mul3A_2, %dma_wait3A_12] : memref<8192x16xf32, #tpu.memory_space<hbm>> -> memref<256x16xf32, #tpu.memory_space<hbm>>
      tpu.wait_dma2 semaphore(%run_scoped3A : memref<!tpu.dma_semaphore, #tpu.memory_space<semaphore_mem>>) src(%dma_wait3A_13 : memref<256x16xf32, #tpu.memory_space<hbm>>) dst(%arg6 : memref<256x16xf32, #tpu.memory_space<vmem>>)
      tpu.yield
    }) : () -> ()
    %iota3A = tpu.iota {dimensions = array<i32: 0>} : vector<16xi32>
    %scan3A = arith.constant 0 : i32
    %scan3A_3 = arith.constant 0 : i32
    %scan3A_4 = arith.constant 16 : i32
    %scan3A_5 = arith.addi %scan3A_3, %scan3A_4 : i32
    %scan3A_6 = arith.constant 1 : i32
    scf.for %scan3A_8 = %scan3A_3 to %scan3A_5 step %scan3A_6  : i32 {
      %mul3A_9 = arith.constant 16 : i32
      %mul3A_10 = arith.muli %scan3A_8, %mul3A_9 : i32
      %add3A_11 = vector.broadcast %mul3A_10 : i32 to vector<16xi32>
      %add3A_12 = arith.addi %add3A_11, %iota3A : vector<16xi32>
      %broadcast_in_dim3A = arith.constant 0 : i32
      %broadcast_in_dim3A_13 = vector.broadcast %broadcast_in_dim3A : i32 to vector<16xi32>
      %broadcast_in_dim3A_14 = arith.constant 1 : i32
      %broadcast_in_dim3A_15 = vector.broadcast %broadcast_in_dim3A_14 : i32 to vector<16xi32>
      %broadcast_in_dim3A_16 = arith.constant 2 : i32
      %broadcast_in_dim3A_17 = vector.broadcast %broadcast_in_dim3A_16 : i32 to vector<16xi32>
      %broadcast_in_dim3A_18 = arith.constant 3 : i32
      %broadcast_in_dim3A_19 = vector.broadcast %broadcast_in_dim3A_18 : i32 to vector<16xi32>
      %broadcast_in_dim3A_20 = arith.constant 4 : i32
      %broadcast_in_dim3A_21 = vector.broadcast %broadcast_in_dim3A_20 : i32 to vector<16xi32>
      %broadcast_in_dim3A_22 = arith.constant 5 : i32
      %broadcast_in_dim3A_23 = vector.broadcast %broadcast_in_dim3A_22 : i32 to vector<16xi32>
      %broadcast_in_dim3A_24 = arith.constant 6 : i32
      %broadcast_in_dim3A_25 = vector.broadcast %broadcast_in_dim3A_24 : i32 to vector<16xi32>
      %broadcast_in_dim3A_26 = arith.constant 7 : i32
      %broadcast_in_dim3A_27 = vector.broadcast %broadcast_in_dim3A_26 : i32 to vector<16xi32>
      %broadcast_in_dim3A_28 = arith.constant 8 : i32
      %broadcast_in_dim3A_29 = vector.broadcast %broadcast_in_dim3A_28 : i32 to vector<16xi32>
      %broadcast_in_dim3A_30 = arith.constant 9 : i32
      %broadcast_in_dim3A_31 = vector.broadcast %broadcast_in_dim3A_30 : i32 to vector<16xi32>
      %broadcast_in_dim3A_32 = arith.constant 10 : i32
      %broadcast_in_dim3A_33 = vector.broadcast %broadcast_in_dim3A_32 : i32 to vector<16xi32>
      %broadcast_in_dim3A_34 = arith.constant 11 : i32
      %broadcast_in_dim3A_35 = vector.broadcast %broadcast_in_dim3A_34 : i32 to vector<16xi32>
      %broadcast_in_dim3A_36 = arith.constant 12 : i32
      %broadcast_in_dim3A_37 = vector.broadcast %broadcast_in_dim3A_36 : i32 to vector<16xi32>
      %broadcast_in_dim3A_38 = arith.constant 13 : i32
      %broadcast_in_dim3A_39 = vector.broadcast %broadcast_in_dim3A_38 : i32 to vector<16xi32>
      %broadcast_in_dim3A_40 = arith.constant 14 : i32
      %broadcast_in_dim3A_41 = vector.broadcast %broadcast_in_dim3A_40 : i32 to vector<16xi32>
      %broadcast_in_dim3A_42 = arith.constant 15 : i32
      %broadcast_in_dim3A_43 = vector.broadcast %broadcast_in_dim3A_42 : i32 to vector<16xi32>
      %gather3A = tpu.vector_load_idx %arg6[%add3A_12, %broadcast_in_dim3A_13] : memref<256x16xf32, #tpu.memory_space<vmem>>[vector<16xi32>, vector<16xi32>], vector<16xf32>,
      %gather3A_44 = tpu.vector_load_idx %arg6[%add3A_12, %broadcast_in_dim3A_15] : memref<256x16xf32, #tpu.memory_space<vmem>>[vector<16xi32>, vector<16xi32>], vector<16xf32>,
      %gather3A_45 = tpu.vector_load_idx %arg6[%add3A_12, %broadcast_in_dim3A_17] : memref<256x16xf32, #tpu.memory_space<vmem>>[vector<16xi32>, vector<16xi32>], vector<16xf32>,
      %gather3A_46 = tpu.vector_load_idx %arg6[%add3A_12, %broadcast_in_dim3A_19] : memref<256x16xf32, #tpu.memory_space<vmem>>[vector<16xi32>, vector<16xi32>], vector<16xf32>,
      %gather3A_47 = tpu.vector_load_idx %arg6[%add3A_12, %broadcast_in_dim3A_21] : memref<256x16xf32, #tpu.memory_space<vmem>>[vector<16xi32>, vector<16xi32>], vector<16xf32>,
      %gather3A_48 = tpu.vector_load_idx %arg6[%add3A_12, %broadcast_in_dim3A_23] : memref<256x16xf32, #tpu.memory_space<vmem>>[vector<16xi32>, vector<16xi32>], vector<16xf32>,
      %gather3A_49 = tpu.vector_load_idx %arg6[%add3A_12, %broadcast_in_dim3A_25] : memref<256x16xf32, #tpu.memory_space<vmem>>[vector<16xi32>, vector<16xi32>], vector<16xf32>,
      %gather3A_50 = tpu.vector_load_idx %arg6[%add3A_12, %broadcast_in_dim3A_27] : memref<256x16xf32, #tpu.memory_space<vmem>>[vector<16xi32>, vector<16xi32>], vector<16xf32>,
      %gather3A_51 = tpu.vector_load_idx %arg6[%add3A_12, %broadcast_in_dim3A_29] : memref<256x16xf32, #tpu.memory_space<vmem>>[vector<16xi32>, vector<16xi32>], vector<16xf32>,
      %gather3A_52 = tpu.vector_load_idx %arg6[%add3A_12, %broadcast_in_dim3A_31] : memref<256x16xf32, #tpu.memory_space<vmem>>[vector<16xi32>, vector<16xi32>], vector<16xf32>,
      %gather3A_53 = tpu.vector_load_idx %arg6[%add3A_12, %broadcast_in_dim3A_33] : memref<256x16xf32, #tpu.memory_space<vmem>>[vector<16xi32>, vector<16xi32>], vector<16xf32>,
      %gather3A_54 = tpu.vector_load_idx %arg6[%add3A_12, %broadcast_in_dim3A_35] : memref<256x16xf32, #tpu.memory_space<vmem>>[vector<16xi32>, vector<16xi32>], vector<16xf32>,
      %gather3A_55 = tpu.vector_load_idx %arg6[%add3A_12, %broadcast_in_dim3A_37] : memref<256x16xf32, #tpu.memory_space<vmem>>[vector<16xi32>, vector<16xi32>], vector<16xf32>,
      %gather3A_56 = tpu.vector_load_idx %arg6[%add3A_12, %broadcast_in_dim3A_39] : memref<256x16xf32, #tpu.memory_space<vmem>>[vector<16xi32>, vector<16xi32>], vector<16xf32>,
      %gather3A_57 = tpu.vector_load_idx %arg6[%add3A_12, %broadcast_in_dim3A_41] : memref<256x16xf32, #tpu.memory_space<vmem>>[vector<16xi32>, vector<16xi32>], vector<16xf32>,
      %gather3A_58 = tpu.vector_load_idx %arg6[%add3A_12, %broadcast_in_dim3A_43] : memref<256x16xf32, #tpu.memory_space<vmem>>[vector<16xi32>, vector<16xi32>], vector<16xf32>,
      %max3A = arith.maximumf %gather3A, %gather3A_44 : vector<16xf32>
      %max3A_59 = arith.maximumf %gather3A_45, %gather3A_46 : vector<16xf32>
      %max3A_60 = arith.maximumf %gather3A_47, %gather3A_48 : vector<16xf32>
      %max3A_61 = arith.maximumf %gather3A_49, %gather3A_50 : vector<16xf32>
      %max3A_62 = arith.maximumf %gather3A_51, %gather3A_52 : vector<16xf32>
      %max3A_63 = arith.maximumf %gather3A_53, %gather3A_54 : vector<16xf32>
      %max3A_64 = arith.maximumf %gather3A_55, %gather3A_56 : vector<16xf32>
      %max3A_65 = arith.maximumf %gather3A_57, %gather3A_58 : vector<16xf32>
      %max3A_66 = arith.maximumf %max3A, %max3A_59 : vector<16xf32>
      %max3A_67 = arith.maximumf %max3A_60, %max3A_61 : vector<16xf32>
      %max3A_68 = arith.maximumf %max3A_62, %max3A_63 : vector<16xf32>
      %max3A_69 = arith.maximumf %max3A_64, %max3A_65 : vector<16xf32>
      %max3A_70 = arith.maximumf %max3A_66, %max3A_67 : vector<16xf32>
      %max3A_71 = arith.maximumf %max3A_68, %max3A_69 : vector<16xf32>
      %max3A_72 = arith.maximumf %max3A_70, %max3A_71 : vector<16xf32>
      %sub3A = arith.subf %gather3A, %max3A_72 : vector<16xf32>
      %exp3A = math.exp %sub3A : vector<16xf32>
      %sub3A_73 = arith.subf %gather3A_44, %max3A_72 : vector<16xf32>
      %exp3A_74 = math.exp %sub3A_73 : vector<16xf32>
      %sub3A_75 = arith.subf %gather3A_45, %max3A_72 : vector<16xf32>
      %exp3A_76 = math.exp %sub3A_75 : vector<16xf32>
      %sub3A_77 = arith.subf %gather3A_46, %max3A_72 : vector<16xf32>
      %exp3A_78 = math.exp %sub3A_77 : vector<16xf32>
      %sub3A_79 = arith.subf %gather3A_47, %max3A_72 : vector<16xf32>
      %exp3A_80 = math.exp %sub3A_79 : vector<16xf32>
      %sub3A_81 = arith.subf %gather3A_48, %max3A_72 : vector<16xf32>
      %exp3A_82 = math.exp %sub3A_81 : vector<16xf32>
      %sub3A_83 = arith.subf %gather3A_49, %max3A_72 : vector<16xf32>
      %exp3A_84 = math.exp %sub3A_83 : vector<16xf32>
      %sub3A_85 = arith.subf %gather3A_50, %max3A_72 : vector<16xf32>
      %exp3A_86 = math.exp %sub3A_85 : vector<16xf32>
      %sub3A_87 = arith.subf %gather3A_51, %max3A_72 : vector<16xf32>
      %exp3A_88 = math.exp %sub3A_87 : vector<16xf32>
      %sub3A_89 = arith.subf %gather3A_52, %max3A_72 : vector<16xf32>
      %exp3A_90 = math.exp %sub3A_89 : vector<16xf32>
      %sub3A_91 = arith.subf %gather3A_53, %max3A_72 : vector<16xf32>
      %exp3A_92 = math.exp %sub3A_91 : vector<16xf32>
      %sub3A_93 = arith.subf %gather3A_54, %max3A_72 : vector<16xf32>
      %exp3A_94 = math.exp %sub3A_93 : vector<16xf32>
      %sub3A_95 = arith.subf %gather3A_55, %max3A_72 : vector<16xf32>
      %exp3A_96 = math.exp %sub3A_95 : vector<16xf32>
      %sub3A_97 = arith.subf %gather3A_56, %max3A_72 : vector<16xf32>
      %exp3A_98 = math.exp %sub3A_97 : vector<16xf32>
      %sub3A_99 = arith.subf %gather3A_57, %max3A_72 : vector<16xf32>
      %exp3A_100 = math.exp %sub3A_99 : vector<16xf32>
      %sub3A_101 = arith.subf %gather3A_58, %max3A_72 : vector<16xf32>
      %exp3A_102 = math.exp %sub3A_101 : vector<16xf32>
      %add3A_103 = arith.addf %exp3A, %exp3A_74 : vector<16xf32>
      %add3A_104 = arith.addf %exp3A_76, %exp3A_78 : vector<16xf32>
      %add3A_105 = arith.addf %exp3A_80, %exp3A_82 : vector<16xf32>
      %add3A_106 = arith.addf %exp3A_84, %exp3A_86 : vector<16xf32>
      %add3A_107 = arith.addf %exp3A_88, %exp3A_90 : vector<16xf32>
      %add3A_108 = arith.addf %exp3A_92, %exp3A_94 : vector<16xf32>
      %add3A_109 = arith.addf %exp3A_96, %exp3A_98 : vector<16xf32>
      %add3A_110 = arith.addf %exp3A_100, %exp3A_102 : vector<16xf32>
      %add3A_111 = arith.addf %add3A_103, %add3A_104 : vector<16xf32>
      %add3A_112 = arith.addf %add3A_105, %add3A_106 : vector<16xf32>
      %add3A_113 = arith.addf %add3A_107, %add3A_108 : vector<16xf32>
      %add3A_114 = arith.addf %add3A_109, %add3A_110 : vector<16xf32>
      %add3A_115 = arith.addf %add3A_111, %add3A_112 : vector<16xf32>
      %add3A_116 = arith.addf %add3A_113, %add3A_114 : vector<16xf32>
      %add3A_117 = arith.addf %add3A_115, %add3A_116 : vector<16xf32>
      %div3A = arith.constant 1.000000e+00 : f32
      %div3A_118 = vector.broadcast %div3A : f32 to vector<16xf32>
      %div3A_119 = arith.divf %div3A_118, %add3A_117 : vector<16xf32>
      %mul3A_120 = arith.mulf %exp3A, %div3A_119 : vector<16xf32>
      %mul3A_121 = arith.mulf %exp3A_74, %div3A_119 : vector<16xf32>
      %mul3A_122 = arith.mulf %exp3A_76, %div3A_119 : vector<16xf32>
      %mul3A_123 = arith.mulf %exp3A_78, %div3A_119 : vector<16xf32>
      %mul3A_124 = arith.mulf %exp3A_80, %div3A_119 : vector<16xf32>
      %mul3A_125 = arith.mulf %exp3A_82, %div3A_119 : vector<16xf32>
      %mul3A_126 = arith.mulf %exp3A_84, %div3A_119 : vector<16xf32>
      %mul3A_127 = arith.mulf %exp3A_86, %div3A_119 : vector<16xf32>
      %mul3A_128 = arith.mulf %exp3A_88, %div3A_119 : vector<16xf32>
      %mul3A_129 = arith.mulf %exp3A_90, %div3A_119 : vector<16xf32>
      %mul3A_130 = arith.mulf %exp3A_92, %div3A_119 : vector<16xf32>
      %mul3A_131 = arith.mulf %exp3A_94, %div3A_119 : vector<16xf32>
      %mul3A_132 = arith.mulf %exp3A_96, %div3A_119 : vector<16xf32>
      %mul3A_133 = arith.mulf %exp3A_98, %div3A_119 : vector<16xf32>
      %mul3A_134 = arith.mulf %exp3A_100, %div3A_119 : vector<16xf32>
      %mul3A_135 = arith.mulf %exp3A_102, %div3A_119 : vector<16xf32>
      tpu.vector_store_idx %arg7[%add3A_12, %broadcast_in_dim3A_13], %mul3A_120 : memref<256x16xf32, #tpu.memory_space<vmem>>[vector<16xi32>, vector<16xi32>], vector<16xf32>,
      tpu.vector_store_idx %arg7[%add3A_12, %broadcast_in_dim3A_15], %mul3A_121 : memref<256x16xf32, #tpu.memory_space<vmem>>[vector<16xi32>, vector<16xi32>], vector<16xf32>,
      tpu.vector_store_idx %arg7[%add3A_12, %broadcast_in_dim3A_17], %mul3A_122 : memref<256x16xf32, #tpu.memory_space<vmem>>[vector<16xi32>, vector<16xi32>], vector<16xf32>,
      tpu.vector_store_idx %arg7[%add3A_12, %broadcast_in_dim3A_19], %mul3A_123 : memref<256x16xf32, #tpu.memory_space<vmem>>[vector<16xi32>, vector<16xi32>], vector<16xf32>,
      tpu.vector_store_idx %arg7[%add3A_12, %broadcast_in_dim3A_21], %mul3A_124 : memref<256x16xf32, #tpu.memory_space<vmem>>[vector<16xi32>, vector<16xi32>], vector<16xf32>,
      tpu.vector_store_idx %arg7[%add3A_12, %broadcast_in_dim3A_23], %mul3A_125 : memref<256x16xf32, #tpu.memory_space<vmem>>[vector<16xi32>, vector<16xi32>], vector<16xf32>,
      tpu.vector_store_idx %arg7[%add3A_12, %broadcast_in_dim3A_25], %mul3A_126 : memref<256x16xf32, #tpu.memory_space<vmem>>[vector<16xi32>, vector<16xi32>], vector<16xf32>,
      tpu.vector_store_idx %arg7[%add3A_12, %broadcast_in_dim3A_27], %mul3A_127 : memref<256x16xf32, #tpu.memory_space<vmem>>[vector<16xi32>, vector<16xi32>], vector<16xf32>,
      tpu.vector_store_idx %arg7[%add3A_12, %broadcast_in_dim3A_29], %mul3A_128 : memref<256x16xf32, #tpu.memory_space<vmem>>[vector<16xi32>, vector<16xi32>], vector<16xf32>,
      tpu.vector_store_idx %arg7[%add3A_12, %broadcast_in_dim3A_31], %mul3A_129 : memref<256x16xf32, #tpu.memory_space<vmem>>[vector<16xi32>, vector<16xi32>], vector<16xf32>,
      tpu.vector_store_idx %arg7[%add3A_12, %broadcast_in_dim3A_33], %mul3A_130 : memref<256x16xf32, #tpu.memory_space<vmem>>[vector<16xi32>, vector<16xi32>], vector<16xf32>,
      tpu.vector_store_idx %arg7[%add3A_12, %broadcast_in_dim3A_35], %mul3A_131 : memref<256x16xf32, #tpu.memory_space<vmem>>[vector<16xi32>, vector<16xi32>], vector<16xf32>,
      tpu.vector_store_idx %arg7[%add3A_12, %broadcast_in_dim3A_37], %mul3A_132 : memref<256x16xf32, #tpu.memory_space<vmem>>[vector<16xi32>, vector<16xi32>], vector<16xf32>,
      tpu.vector_store_idx %arg7[%add3A_12, %broadcast_in_dim3A_39], %mul3A_133 : memref<256x16xf32, #tpu.memory_space<vmem>>[vector<16xi32>, vector<16xi32>], vector<16xf32>,
      tpu.vector_store_idx %arg7[%add3A_12, %broadcast_in_dim3A_41], %mul3A_134 : memref<256x16xf32, #tpu.memory_space<vmem>>[vector<16xi32>, vector<16xi32>], vector<16xf32>,
      tpu.vector_store_idx %arg7[%add3A_12, %broadcast_in_dim3A_43], %mul3A_135 : memref<256x16xf32, #tpu.memory_space<vmem>>[vector<16xi32>, vector<16xi32>], vector<16xf32>,
      %max3A_136 = arith.maximumf %mul3A_120, %mul3A_121 : vector<16xf32>
      %max3A_137 = arith.maximumf %mul3A_122, %mul3A_123 : vector<16xf32>
      %max3A_138 = arith.maximumf %mul3A_124, %mul3A_125 : vector<16xf32>
      %max3A_139 = arith.maximumf %mul3A_126, %mul3A_127 : vector<16xf32>
      %max3A_140 = arith.maximumf %mul3A_128, %mul3A_129 : vector<16xf32>
      %max3A_141 = arith.maximumf %mul3A_130, %mul3A_131 : vector<16xf32>
      %max3A_142 = arith.maximumf %mul3A_132, %mul3A_133 : vector<16xf32>
      %max3A_143 = arith.maximumf %mul3A_134, %mul3A_135 : vector<16xf32>
      %max3A_144 = arith.maximumf %max3A_136, %max3A_137 : vector<16xf32>
      %max3A_145 = arith.maximumf %max3A_138, %max3A_139 : vector<16xf32>
      %max3A_146 = arith.maximumf %max3A_140, %max3A_141 : vector<16xf32>
      %max3A_147 = arith.maximumf %max3A_142, %max3A_143 : vector<16xf32>
      %max3A_148 = arith.maximumf %max3A_144, %max3A_145 : vector<16xf32>
      %max3A_149 = arith.maximumf %max3A_146, %max3A_147 : vector<16xf32>
      %max3A_150 = arith.maximumf %max3A_148, %max3A_149 : vector<16xf32>
      %broadcast_in_dim3A_151 = arith.constant 16 : i32
      %broadcast_in_dim3A_152 = vector.broadcast %broadcast_in_dim3A_151 : i32 to vector<16xi32>
      %eq3A = arith.cmpf oeq, %mul3A_135, %max3A_150 : vector<16xf32>
      %jit3A = arith.constant 15 : i32
      %broadcast_in_dim3A_153 = vector.broadcast %jit3A : i32 to vector<16xi32>
      %select_n3A = arith.select %eq3A, %broadcast_in_dim3A_153, %broadcast_in_dim3A_152 : vector<16xi1>, vector<16xi32>
      %eq3A_154 = arith.cmpf oeq, %mul3A_134, %max3A_150 : vector<16xf32>
      %jit3A_155 = arith.constant 14 : i32
      %broadcast_in_dim3A_156 = vector.broadcast %jit3A_155 : i32 to vector<16xi32>
      %select_n3A_157 = arith.select %eq3A_154, %broadcast_in_dim3A_156, %select_n3A : vector<16xi1>, vector<16xi32>
      %eq3A_158 = arith.cmpf oeq, %mul3A_133, %max3A_150 : vector<16xf32>
      %jit3A_159 = arith.constant 13 : i32
      %broadcast_in_dim3A_160 = vector.broadcast %jit3A_159 : i32 to vector<16xi32>
      %select_n3A_161 = arith.select %eq3A_158, %broadcast_in_dim3A_160, %select_n3A_157 : vector<16xi1>, vector<16xi32>
      %eq3A_162 = arith.cmpf oeq, %mul3A_132, %max3A_150 : vector<16xf32>
      %jit3A_163 = arith.constant 12 : i32
      %broadcast_in_dim3A_164 = vector.broadcast %jit3A_163 : i32 to vector<16xi32>
      %select_n3A_165 = arith.select %eq3A_162, %broadcast_in_dim3A_164, %select_n3A_161 : vector<16xi1>, vector<16xi32>
      %eq3A_166 = arith.cmpf oeq, %mul3A_131, %max3A_150 : vector<16xf32>
      %jit3A_167 = arith.constant 11 : i32
      %broadcast_in_dim3A_168 = vector.broadcast %jit3A_167 : i32 to vector<16xi32>
      %select_n3A_169 = arith.select %eq3A_166, %broadcast_in_dim3A_168, %select_n3A_165 : vector<16xi1>, vector<16xi32>
      %eq3A_170 = arith.cmpf oeq, %mul3A_130, %max3A_150 : vector<16xf32>
      %jit3A_171 = arith.constant 10 : i32
      %broadcast_in_dim3A_172 = vector.broadcast %jit3A_171 : i32 to vector<16xi32>
      %select_n3A_173 = arith.select %eq3A_170, %broadcast_in_dim3A_172, %select_n3A_169 : vector<16xi1>, vector<16xi32>
      %eq3A_174 = arith.cmpf oeq, %mul3A_129, %max3A_150 : vector<16xf32>
      %jit3A_175 = arith.constant 9 : i32
      %broadcast_in_dim3A_176 = vector.broadcast %jit3A_175 : i32 to vector<16xi32>
      %select_n3A_177 = arith.select %eq3A_174, %broadcast_in_dim3A_176, %select_n3A_173 : vector<16xi1>, vector<16xi32>
      %eq3A_178 = arith.cmpf oeq, %mul3A_128, %max3A_150 : vector<16xf32>
      %jit3A_179 = arith.constant 8 : i32
      %broadcast_in_dim3A_180 = vector.broadcast %jit3A_179 : i32 to vector<16xi32>
      %select_n3A_181 = arith.select %eq3A_178, %broadcast_in_dim3A_180, %select_n3A_177 : vector<16xi1>, vector<16xi32>
      %eq3A_182 = arith.cmpf oeq, %mul3A_127, %max3A_150 : vector<16xf32>
      %jit3A_183 = arith.constant 7 : i32
      %broadcast_in_dim3A_184 = vector.broadcast %jit3A_183 : i32 to vector<16xi32>
      %select_n3A_185 = arith.select %eq3A_182, %broadcast_in_dim3A_184, %select_n3A_181 : vector<16xi1>, vector<16xi32>
      %eq3A_186 = arith.cmpf oeq, %mul3A_126, %max3A_150 : vector<16xf32>
      %jit3A_187 = arith.constant 6 : i32
      %broadcast_in_dim3A_188 = vector.broadcast %jit3A_187 : i32 to vector<16xi32>
      %select_n3A_189 = arith.select %eq3A_186, %broadcast_in_dim3A_188, %select_n3A_185 : vector<16xi1>, vector<16xi32>
      %eq3A_190 = arith.cmpf oeq, %mul3A_125, %max3A_150 : vector<16xf32>
      %jit3A_191 = arith.constant 5 : i32
      %broadcast_in_dim3A_192 = vector.broadcast %jit3A_191 : i32 to vector<16xi32>
      %select_n3A_193 = arith.select %eq3A_190, %broadcast_in_dim3A_192, %select_n3A_189 : vector<16xi1>, vector<16xi32>
      %eq3A_194 = arith.cmpf oeq, %mul3A_124, %max3A_150 : vector<16xf32>
      %jit3A_195 = arith.constant 4 : i32
      %broadcast_in_dim3A_196 = vector.broadcast %jit3A_195 : i32 to vector<16xi32>
      %select_n3A_197 = arith.select %eq3A_194, %broadcast_in_dim3A_196, %select_n3A_193 : vector<16xi1>, vector<16xi32>
      %eq3A_198 = arith.cmpf oeq, %mul3A_123, %max3A_150 : vector<16xf32>
      %jit3A_199 = arith.constant 3 : i32
      %broadcast_in_dim3A_200 = vector.broadcast %jit3A_199 : i32 to vector<16xi32>
      %select_n3A_201 = arith.select %eq3A_198, %broadcast_in_dim3A_200, %select_n3A_197 : vector<16xi1>, vector<16xi32>
      %eq3A_202 = arith.cmpf oeq, %mul3A_122, %max3A_150 : vector<16xf32>
      %jit3A_203 = arith.constant 2 : i32
      %broadcast_in_dim3A_204 = vector.broadcast %jit3A_203 : i32 to vector<16xi32>
      %select_n3A_205 = arith.select %eq3A_202, %broadcast_in_dim3A_204, %select_n3A_201 : vector<16xi1>, vector<16xi32>
      %eq3A_206 = arith.cmpf oeq, %mul3A_121, %max3A_150 : vector<16xf32>
      %jit3A_207 = arith.constant 1 : i32
      %broadcast_in_dim3A_208 = vector.broadcast %jit3A_207 : i32 to vector<16xi32>
      %select_n3A_209 = arith.select %eq3A_206, %broadcast_in_dim3A_208, %select_n3A_205 : vector<16xi1>, vector<16xi32>
      %eq3A_210 = arith.cmpf oeq, %mul3A_120, %max3A_150 : vector<16xf32>
      %jit3A_211 = arith.constant 0 : i32
      %broadcast_in_dim3A_212 = vector.broadcast %jit3A_211 : i32 to vector<16xi32>
      %select_n3A_213 = arith.select %eq3A_210, %broadcast_in_dim3A_212, %select_n3A_209 : vector<16xi1>, vector<16xi32>
      %eq3A_214 = arith.constant 0 : i32
      %eq3A_215 = vector.broadcast %eq3A_214 : i32 to vector<16xi32>
      %eq3A_216 = arith.cmpi eq, %select_n3A_213, %eq3A_215 : vector<16xi32>
      %jit3A_217 = arith.constant -1.000000e+00 : f32
      %broadcast_in_dim3A_218 = vector.broadcast %jit3A_217 : f32 to vector<16xf32>
      %select_n3A_219 = arith.select %eq3A_216, %broadcast_in_dim3A_218, %mul3A_120 : vector<16xi1>, vector<16xf32>
      %eq3A_220 = arith.constant 1 : i32
      %eq3A_221 = vector.broadcast %eq3A_220 : i32 to vector<16xi32>
      %eq3A_222 = arith.cmpi eq, %select_n3A_213, %eq3A_221 : vector<16xi32>
      %jit3A_223 = arith.constant -1.000000e+00 : f32
      %broadcast_in_dim3A_224 = vector.broadcast %jit3A_223 : f32 to vector<16xf32>
      %select_n3A_225 = arith.select %eq3A_222, %broadcast_in_dim3A_224, %mul3A_121 : vector<16xi1>, vector<16xf32>
      %eq3A_226 = arith.constant 2 : i32
      %eq3A_227 = vector.broadcast %eq3A_226 : i32 to vector<16xi32>
      %eq3A_228 = arith.cmpi eq, %select_n3A_213, %eq3A_227 : vector<16xi32>
      %jit3A_229 = arith.constant -1.000000e+00 : f32
      %broadcast_in_dim3A_230 = vector.broadcast %jit3A_229 : f32 to vector<16xf32>
      %select_n3A_231 = arith.select %eq3A_228, %broadcast_in_dim3A_230, %mul3A_122 : vector<16xi1>, vector<16xf32>
      %eq3A_232 = arith.constant 3 : i32
      %eq3A_233 = vector.broadcast %eq3A_232 : i32 to vector<16xi32>
      %eq3A_234 = arith.cmpi eq, %select_n3A_213, %eq3A_233 : vector<16xi32>
      %jit3A_235 = arith.constant -1.000000e+00 : f32
      %broadcast_in_dim3A_236 = vector.broadcast %jit3A_235 : f32 to vector<16xf32>
      %select_n3A_237 = arith.select %eq3A_234, %broadcast_in_dim3A_236, %mul3A_123 : vector<16xi1>, vector<16xf32>
      %eq3A_238 = arith.constant 4 : i32
      %eq3A_239 = vector.broadcast %eq3A_238 : i32 to vector<16xi32>
      %eq3A_240 = arith.cmpi eq, %select_n3A_213, %eq3A_239 : vector<16xi32>
      %jit3A_241 = arith.constant -1.000000e+00 : f32
      %broadcast_in_dim3A_242 = vector.broadcast %jit3A_241 : f32 to vector<16xf32>
      %select_n3A_243 = arith.select %eq3A_240, %broadcast_in_dim3A_242, %mul3A_124 : vector<16xi1>, vector<16xf32>
      %eq3A_244 = arith.constant 5 : i32
      %eq3A_245 = vector.broadcast %eq3A_244 : i32 to vector<16xi32>
      %eq3A_246 = arith.cmpi eq, %select_n3A_213, %eq3A_245 : vector<16xi32>
      %jit3A_247 = arith.constant -1.000000e+00 : f32
      %broadcast_in_dim3A_248 = vector.broadcast %jit3A_247 : f32 to vector<16xf32>
      %select_n3A_249 = arith.select %eq3A_246, %broadcast_in_dim3A_248, %mul3A_125 : vector<16xi1>, vector<16xf32>
      %eq3A_250 = arith.constant 6 : i32
      %eq3A_251 = vector.broadcast %eq3A_250 : i32 to vector<16xi32>
      %eq3A_252 = arith.cmpi eq, %select_n3A_213, %eq3A_251 : vector<16xi32>
      %jit3A_253 = arith.constant -1.000000e+00 : f32
      %broadcast_in_dim3A_254 = vector.broadcast %jit3A_253 : f32 to vector<16xf32>
      %select_n3A_255 = arith.select %eq3A_252, %broadcast_in_dim3A_254, %mul3A_126 : vector<16xi1>, vector<16xf32>
      %eq3A_256 = arith.constant 7 : i32
      %eq3A_257 = vector.broadcast %eq3A_256 : i32 to vector<16xi32>
      %eq3A_258 = arith.cmpi eq, %select_n3A_213, %eq3A_257 : vector<16xi32>
      %jit3A_259 = arith.constant -1.000000e+00 : f32
      %broadcast_in_dim3A_260 = vector.broadcast %jit3A_259 : f32 to vector<16xf32>
      %select_n3A_261 = arith.select %eq3A_258, %broadcast_in_dim3A_260, %mul3A_127 : vector<16xi1>, vector<16xf32>
      %eq3A_262 = arith.constant 8 : i32
      %eq3A_263 = vector.broadcast %eq3A_262 : i32 to vector<16xi32>
      %eq3A_264 = arith.cmpi eq, %select_n3A_213, %eq3A_263 : vector<16xi32>
      %jit3A_265 = arith.constant -1.000000e+00 : f32
      %broadcast_in_dim3A_266 = vector.broadcast %jit3A_265 : f32 to vector<16xf32>
      %select_n3A_267 = arith.select %eq3A_264, %broadcast_in_dim3A_266, %mul3A_128 : vector<16xi1>, vector<16xf32>
      %eq3A_268 = arith.constant 9 : i32
      %eq3A_269 = vector.broadcast %eq3A_268 : i32 to vector<16xi32>
      %eq3A_270 = arith.cmpi eq, %select_n3A_213, %eq3A_269 : vector<16xi32>
      %jit3A_271 = arith.constant -1.000000e+00 : f32
      %broadcast_in_dim3A_272 = vector.broadcast %jit3A_271 : f32 to vector<16xf32>
      %select_n3A_273 = arith.select %eq3A_270, %broadcast_in_dim3A_272, %mul3A_129 : vector<16xi1>, vector<16xf32>
      %eq3A_274 = arith.constant 10 : i32
      %eq3A_275 = vector.broadcast %eq3A_274 : i32 to vector<16xi32>
      %eq3A_276 = arith.cmpi eq, %select_n3A_213, %eq3A_275 : vector<16xi32>
      %jit3A_277 = arith.constant -1.000000e+00 : f32
      %broadcast_in_dim3A_278 = vector.broadcast %jit3A_277 : f32 to vector<16xf32>
      %select_n3A_279 = arith.select %eq3A_276, %broadcast_in_dim3A_278, %mul3A_130 : vector<16xi1>, vector<16xf32>
      %eq3A_280 = arith.constant 11 : i32
      %eq3A_281 = vector.broadcast %eq3A_280 : i32 to vector<16xi32>
      %eq3A_282 = arith.cmpi eq, %select_n3A_213, %eq3A_281 : vector<16xi32>
      %jit3A_283 = arith.constant -1.000000e+00 : f32
      %broadcast_in_dim3A_284 = vector.broadcast %jit3A_283 : f32 to vector<16xf32>
      %select_n3A_285 = arith.select %eq3A_282, %broadcast_in_dim3A_284, %mul3A_131 : vector<16xi1>, vector<16xf32>
      %eq3A_286 = arith.constant 12 : i32
      %eq3A_287 = vector.broadcast %eq3A_286 : i32 to vector<16xi32>
      %eq3A_288 = arith.cmpi eq, %select_n3A_213, %eq3A_287 : vector<16xi32>
      %jit3A_289 = arith.constant -1.000000e+00 : f32
      %broadcast_in_dim3A_290 = vector.broadcast %jit3A_289 : f32 to vector<16xf32>
      %select_n3A_291 = arith.select %eq3A_288, %broadcast_in_dim3A_290, %mul3A_132 : vector<16xi1>, vector<16xf32>
      %eq3A_292 = arith.constant 13 : i32
      %eq3A_293 = vector.broadcast %eq3A_292 : i32 to vector<16xi32>
      %eq3A_294 = arith.cmpi eq, %select_n3A_213, %eq3A_293 : vector<16xi32>
      %jit3A_295 = arith.constant -1.000000e+00 : f32
      %broadcast_in_dim3A_296 = vector.broadcast %jit3A_295 : f32 to vector<16xf32>
      %select_n3A_297 = arith.select %eq3A_294, %broadcast_in_dim3A_296, %mul3A_133 : vector<16xi1>, vector<16xf32>
      %eq3A_298 = arith.constant 14 : i32
      %eq3A_299 = vector.broadcast %eq3A_298 : i32 to vector<16xi32>
      %eq3A_300 = arith.cmpi eq, %select_n3A_213, %eq3A_299 : vector<16xi32>
      %jit3A_301 = arith.constant -1.000000e+00 : f32
      %broadcast_in_dim3A_302 = vector.broadcast %jit3A_301 : f32 to vector<16xf32>
      %select_n3A_303 = arith.select %eq3A_300, %broadcast_in_dim3A_302, %mul3A_134 : vector<16xi1>, vector<16xf32>
      %eq3A_304 = arith.constant 15 : i32
      %eq3A_305 = vector.broadcast %eq3A_304 : i32 to vector<16xi32>
      %eq3A_306 = arith.cmpi eq, %select_n3A_213, %eq3A_305 : vector<16xi32>
      %jit3A_307 = arith.constant -1.000000e+00 : f32
      %broadcast_in_dim3A_308 = vector.broadcast %jit3A_307 : f32 to vector<16xf32>
      %select_n3A_309 = arith.select %eq3A_306, %broadcast_in_dim3A_308, %mul3A_135 : vector<16xi1>, vector<16xf32>
      %max3A_310 = arith.maximumf %select_n3A_219, %select_n3A_225 : vector<16xf32>
      %max3A_311 = arith.maximumf %select_n3A_231, %select_n3A_237 : vector<16xf32>
      %max3A_312 = arith.maximumf %select_n3A_243, %select_n3A_249 : vector<16xf32>
      %max3A_313 = arith.maximumf %select_n3A_255, %select_n3A_261 : vector<16xf32>
      %max3A_314 = arith.maximumf %select_n3A_267, %select_n3A_273 : vector<16xf32>
      %max3A_315 = arith.maximumf %select_n3A_279, %select_n3A_285 : vector<16xf32>
      %max3A_316 = arith.maximumf %select_n3A_291, %select_n3A_297 : vector<16xf32>
      %max3A_317 = arith.maximumf %select_n3A_303, %select_n3A_309 : vector<16xf32>
      %max3A_318 = arith.maximumf %max3A_310, %max3A_311 : vector<16xf32>
      %max3A_319 = arith.maximumf %max3A_312, %max3A_313 : vector<16xf32>
      %max3A_320 = arith.maximumf %max3A_314, %max3A_315 : vector<16xf32>
      %max3A_321 = arith.maximumf %max3A_316, %max3A_317 : vector<16xf32>
      %max3A_322 = arith.maximumf %max3A_318, %max3A_319 : vector<16xf32>
      %max3A_323 = arith.maximumf %max3A_320, %max3A_321 : vector<16xf32>
      %max3A_324 = arith.maximumf %max3A_322, %max3A_323 : vector<16xf32>
      %broadcast_in_dim3A_325 = arith.constant 16 : i32
      %broadcast_in_dim3A_326 = vector.broadcast %broadcast_in_dim3A_325 : i32 to vector<16xi32>
      %eq3A_327 = arith.cmpf oeq, %select_n3A_309, %max3A_324 : vector<16xf32>
      %jit3A_328 = arith.constant 15 : i32
      %broadcast_in_dim3A_329 = vector.broadcast %jit3A_328 : i32 to vector<16xi32>
      %select_n3A_330 = arith.select %eq3A_327, %broadcast_in_dim3A_329, %broadcast_in_dim3A_326 : vector<16xi1>, vector<16xi32>
      %eq3A_331 = arith.cmpf oeq, %select_n3A_303, %max3A_324 : vector<16xf32>
      %jit3A_332 = arith.constant 14 : i32
      %broadcast_in_dim3A_333 = vector.broadcast %jit3A_332 : i32 to vector<16xi32>
      %select_n3A_334 = arith.select %eq3A_331, %broadcast_in_dim3A_333, %select_n3A_330 : vector<16xi1>, vector<16xi32>
      %eq3A_335 = arith.cmpf oeq, %select_n3A_297, %max3A_324 : vector<16xf32>
      %jit3A_336 = arith.constant 13 : i32
      %broadcast_in_dim3A_337 = vector.broadcast %jit3A_336 : i32 to vector<16xi32>
      %select_n3A_338 = arith.select %eq3A_335, %broadcast_in_dim3A_337, %select_n3A_334 : vector<16xi1>, vector<16xi32>
      %eq3A_339 = arith.cmpf oeq, %select_n3A_291, %max3A_324 : vector<16xf32>
      %jit3A_340 = arith.constant 12 : i32
      %broadcast_in_dim3A_341 = vector.broadcast %jit3A_340 : i32 to vector<16xi32>
      %select_n3A_342 = arith.select %eq3A_339, %broadcast_in_dim3A_341, %select_n3A_338 : vector<16xi1>, vector<16xi32>
      %eq3A_343 = arith.cmpf oeq, %select_n3A_285, %max3A_324 : vector<16xf32>
      %jit3A_344 = arith.constant 11 : i32
      %broadcast_in_dim3A_345 = vector.broadcast %jit3A_344 : i32 to vector<16xi32>
      %select_n3A_346 = arith.select %eq3A_343, %broadcast_in_dim3A_345, %select_n3A_342 : vector<16xi1>, vector<16xi32>
      %eq3A_347 = arith.cmpf oeq, %select_n3A_279, %max3A_324 : vector<16xf32>
      %jit3A_348 = arith.constant 10 : i32
      %broadcast_in_dim3A_349 = vector.broadcast %jit3A_348 : i32 to vector<16xi32>
      %select_n3A_350 = arith.select %eq3A_347, %broadcast_in_dim3A_349, %select_n3A_346 : vector<16xi1>, vector<16xi32>
      %eq3A_351 = arith.cmpf oeq, %select_n3A_273, %max3A_324 : vector<16xf32>
      %jit3A_352 = arith.constant 9 : i32
      %broadcast_in_dim3A_353 = vector.broadcast %jit3A_352 : i32 to vector<16xi32>
      %select_n3A_354 = arith.select %eq3A_351, %broadcast_in_dim3A_353, %select_n3A_350 : vector<16xi1>, vector<16xi32>
      %eq3A_355 = arith.cmpf oeq, %select_n3A_267, %max3A_324 : vector<16xf32>
      %jit3A_356 = arith.constant 8 : i32
      %broadcast_in_dim3A_357 = vector.broadcast %jit3A_356 : i32 to vector<16xi32>
      %select_n3A_358 = arith.select %eq3A_355, %broadcast_in_dim3A_357, %select_n3A_354 : vector<16xi1>, vector<16xi32>
      %eq3A_359 = arith.cmpf oeq, %select_n3A_261, %max3A_324 : vector<16xf32>
      %jit3A_360 = arith.constant 7 : i32
      %broadcast_in_dim3A_361 = vector.broadcast %jit3A_360 : i32 to vector<16xi32>
      %select_n3A_362 = arith.select %eq3A_359, %broadcast_in_dim3A_361, %select_n3A_358 : vector<16xi1>, vector<16xi32>
      %eq3A_363 = arith.cmpf oeq, %select_n3A_255, %max3A_324 : vector<16xf32>
      %jit3A_364 = arith.constant 6 : i32
      %broadcast_in_dim3A_365 = vector.broadcast %jit3A_364 : i32 to vector<16xi32>
      %select_n3A_366 = arith.select %eq3A_363, %broadcast_in_dim3A_365, %select_n3A_362 : vector<16xi1>, vector<16xi32>
      %eq3A_367 = arith.cmpf oeq, %select_n3A_249, %max3A_324 : vector<16xf32>
      %jit3A_368 = arith.constant 5 : i32
      %broadcast_in_dim3A_369 = vector.broadcast %jit3A_368 : i32 to vector<16xi32>
      %select_n3A_370 = arith.select %eq3A_367, %broadcast_in_dim3A_369, %select_n3A_366 : vector<16xi1>, vector<16xi32>
      %eq3A_371 = arith.cmpf oeq, %select_n3A_243, %max3A_324 : vector<16xf32>
      %jit3A_372 = arith.constant 4 : i32
      %broadcast_in_dim3A_373 = vector.broadcast %jit3A_372 : i32 to vector<16xi32>
      %select_n3A_374 = arith.select %eq3A_371, %broadcast_in_dim3A_373, %select_n3A_370 : vector<16xi1>, vector<16xi32>
      %eq3A_375 = arith.cmpf oeq, %select_n3A_237, %max3A_324 : vector<16xf32>
      %jit3A_376 = arith.constant 3 : i32
      %broadcast_in_dim3A_377 = vector.broadcast %jit3A_376 : i32 to vector<16xi32>
      %select_n3A_378 = arith.select %eq3A_375, %broadcast_in_dim3A_377, %select_n3A_374 : vector<16xi1>, vector<16xi32>
      %eq3A_379 = arith.cmpf oeq, %select_n3A_231, %max3A_324 : vector<16xf32>
      %jit3A_380 = arith.constant 2 : i32
      %broadcast_in_dim3A_381 = vector.broadcast %jit3A_380 : i32 to vector<16xi32>
      %select_n3A_382 = arith.select %eq3A_379, %broadcast_in_dim3A_381, %select_n3A_378 : vector<16xi1>, vector<16xi32>
      %eq3A_383 = arith.cmpf oeq, %select_n3A_225, %max3A_324 : vector<16xf32>
      %jit3A_384 = arith.constant 1 : i32
      %broadcast_in_dim3A_385 = vector.broadcast %jit3A_384 : i32 to vector<16xi32>
      %select_n3A_386 = arith.select %eq3A_383, %broadcast_in_dim3A_385, %select_n3A_382 : vector<16xi1>, vector<16xi32>
      %eq3A_387 = arith.cmpf oeq, %select_n3A_219, %max3A_324 : vector<16xf32>
      %jit3A_388 = arith.constant 0 : i32
      %broadcast_in_dim3A_389 = vector.broadcast %jit3A_388 : i32 to vector<16xi32>
      %select_n3A_390 = arith.select %eq3A_387, %broadcast_in_dim3A_389, %select_n3A_386 : vector<16xi1>, vector<16xi32>
      %add3A_391 = arith.addf %max3A_150, %max3A_324 : vector<16xf32>
      %div3A_392 = arith.divf %max3A_150, %add3A_391 : vector<16xf32>
      tpu.vector_store_idx %arg8[%add3A_12, %broadcast_in_dim3A_13], %div3A_392 : memref<256x2xf32, #tpu.memory_space<vmem>>[vector<16xi32>, vector<16xi32>], vector<16xf32>,
      %div3A_393 = arith.divf %max3A_324, %add3A_391 : vector<16xf32>
      tpu.vector_store_idx %arg8[%add3A_12, %broadcast_in_dim3A_15], %div3A_393 : memref<256x2xf32, #tpu.memory_space<vmem>>[vector<16xi32>, vector<16xi32>], vector<16xf32>,
      tpu.vector_store_idx %arg9[%add3A_12, %broadcast_in_dim3A_13], %select_n3A_213 : memref<256x2xi32, #tpu.memory_space<vmem>>[vector<16xi32>, vector<16xi32>], vector<16xi32>,
      tpu.vector_store_idx %arg9[%add3A_12, %broadcast_in_dim3A_15], %select_n3A_390 : memref<256x2xi32, #tpu.memory_space<vmem>>[vector<16xi32>, vector<16xi32>], vector<16xi32>,
    }
    %scan3A_7 = arith.constant 16 : i32
    "tpu.region"() ({
      %run_scoped3A = tpu.sem_alloc : memref<!tpu.dma_semaphore, #tpu.memory_space<semaphore_mem>>
      %dma_start3A = arith.constant 0 : i32
      %dma_start3A_8 = tpu.memref_slice %arg5[%mul3A_2, %dma_start3A] : memref<8192x16xf32, #tpu.memory_space<hbm>> -> memref<256x16xf32, #tpu.memory_space<hbm>>
      %dma_start3A_9 = arith.constant 0 : i32
      %dma_start3A_10 = tpu.memref_slice %arg5[%mul3A_2, %dma_start3A_9] : memref<8192x16xf32, #tpu.memory_space<hbm>> -> memref<256x16xf32, #tpu.memory_space<hbm>>
      tpu.enqueue_dma source(%arg7 : memref<256x16xf32, #tpu.memory_space<vmem>>) target(%dma_start3A_10 : memref<256x16xf32, #tpu.memory_space<hbm>>) target_semaphore(%run_scoped3A : memref<!tpu.dma_semaphore, #tpu.memory_space<semaphore_mem>>)
      %dma_wait3A = arith.constant 0 : i32
      %dma_wait3A_11 = tpu.memref_slice %arg5[%mul3A_2, %dma_wait3A] : memref<8192x16xf32, #tpu.memory_space<hbm>> -> memref<256x16xf32, #tpu.memory_space<hbm>>
      %dma_wait3A_12 = arith.constant 0 : i32
      %dma_wait3A_13 = tpu.memref_slice %arg5[%mul3A_2, %dma_wait3A_12] : memref<8192x16xf32, #tpu.memory_space<hbm>> -> memref<256x16xf32, #tpu.memory_space<hbm>>
      tpu.wait_dma2 semaphore(%run_scoped3A : memref<!tpu.dma_semaphore, #tpu.memory_space<semaphore_mem>>) src(%arg7 : memref<256x16xf32, #tpu.memory_space<vmem>>) dst(%dma_wait3A_13 : memref<256x16xf32, #tpu.memory_space<hbm>>)
      tpu.yield
    }) : () -> ()
    "tpu.region"() ({
      %run_scoped3A = tpu.sem_alloc : memref<!tpu.dma_semaphore, #tpu.memory_space<semaphore_mem>>
      %dma_start3A = arith.constant 0 : i32
      %dma_start3A_8 = tpu.memref_slice %arg3[%mul3A_2, %dma_start3A] : memref<8192x2xf32, #tpu.memory_space<hbm>> -> memref<256x2xf32, #tpu.memory_space<hbm>>
      %dma_start3A_9 = arith.constant 0 : i32
      %dma_start3A_10 = tpu.memref_slice %arg3[%mul3A_2, %dma_start3A_9] : memref<8192x2xf32, #tpu.memory_space<hbm>> -> memref<256x2xf32, #tpu.memory_space<hbm>>
      tpu.enqueue_dma source(%arg8 : memref<256x2xf32, #tpu.memory_space<vmem>>) target(%dma_start3A_10 : memref<256x2xf32, #tpu.memory_space<hbm>>) target_semaphore(%run_scoped3A : memref<!tpu.dma_semaphore, #tpu.memory_space<semaphore_mem>>)
      %dma_wait3A = arith.constant 0 : i32
      %dma_wait3A_11 = tpu.memref_slice %arg3[%mul3A_2, %dma_wait3A] : memref<8192x2xf32, #tpu.memory_space<hbm>> -> memref<256x2xf32, #tpu.memory_space<hbm>>
      %dma_wait3A_12 = arith.constant 0 : i32
      %dma_wait3A_13 = tpu.memref_slice %arg3[%mul3A_2, %dma_wait3A_12] : memref<8192x2xf32, #tpu.memory_space<hbm>> -> memref<256x2xf32, #tpu.memory_space<hbm>>
      tpu.wait_dma2 semaphore(%run_scoped3A : memref<!tpu.dma_semaphore, #tpu.memory_space<semaphore_mem>>) src(%arg8 : memref<256x2xf32, #tpu.memory_space<vmem>>) dst(%dma_wait3A_13 : memref<256x2xf32, #tpu.memory_space<hbm>>)
      tpu.yield
    }) : () -> ()
    "tpu.region"() ({
      %run_scoped3A = tpu.sem_alloc : memref<!tpu.dma_semaphore, #tpu.memory_space<semaphore_mem>>
      %dma_start3A = arith.constant 0 : i32
      %dma_start3A_8 = tpu.memref_slice %arg4[%mul3A_2, %dma_start3A] : memref<8192x2xi32, #tpu.memory_space<hbm>> -> memref<256x2xi32, #tpu.memory_space<hbm>>
      %dma_start3A_9 = arith.constant 0 : i32
      %dma_start3A_10 = tpu.memref_slice %arg4[%mul3A_2, %dma_start3A_9] : memref<8192x2xi32, #tpu.memory_space<hbm>> -> memref<256x2xi32, #tpu.memory_space<hbm>>
      tpu.enqueue_dma source(%arg9 : memref<256x2xi32, #tpu.memory_space<vmem>>) target(%dma_start3A_10 : memref<256x2xi32, #tpu.memory_space<hbm>>) target_semaphore(%run_scoped3A : memref<!tpu.dma_semaphore, #tpu.memory_space<semaphore_mem>>)
      %dma_wait3A = arith.constant 0 : i32
      %dma_wait3A_11 = tpu.memref_slice %arg4[%mul3A_2, %dma_wait3A] : memref<8192x2xi32, #tpu.memory_space<hbm>> -> memref<256x2xi32, #tpu.memory_space<hbm>>
      %dma_wait3A_12 = arith.constant 0 : i32
      %dma_wait3A_13 = tpu.memref_slice %arg4[%mul3A_2, %dma_wait3A_12] : memref<8192x2xi32, #tpu.memory_space<hbm>> -> memref<256x2xi32, #tpu.memory_space<hbm>>
      tpu.wait_dma2 semaphore(%run_scoped3A : memref<!tpu.dma_semaphore, #tpu.memory_space<semaphore_mem>>) src(%arg9 : memref<256x2xi32, #tpu.memory_space<vmem>>) dst(%dma_wait3A_13 : memref<256x2xi32, #tpu.memory_space<hbm>>)
      tpu.yield
    }) : () -> ()
    return
  }
}

module attributes {stable_mosaic.version = 14 : i64} {
  func.func @_dense_body(%arg0: i32, %arg1: memref<16384x2048xf32, #tpu.memory_space<any>>, %arg2: memref<2048x32xf32, #tpu.memory_space<vmem>>, %arg3: memref<1x32xf32, #tpu.memory_space<vmem>>, %arg4: memref<1024x16xf32, #tpu.memory_space<vmem>>, %arg5: memref<1024x16xf32, #tpu.memory_space<vmem>>, %arg6: memref<3x1024x2048xf32, #tpu.memory_space<vmem>>, %arg7: memref<3x4x!tpu.dma_semaphore, #tpu.memory_space<semaphore_mem>>) attributes {dimension_semantics = [#tpu.dimension_semantics<arbitrary>], iteration_bounds = array<i64: 8>, scalar_prefetch = 0 : i64, scratch_operands = 2 : i64, tpu.core_type = #tpu.core_type<tc>, window_params = [{}, {pipeline_mode = #tpu.pipeline_mode<synchronous>, transform_indices = @transform_1, window_bounds = array<i64: 2048, 32>}, {pipeline_mode = #tpu.pipeline_mode<synchronous>, transform_indices = @transform_2, window_bounds = array<i64: 1, 32>}, {transform_indices = @transform_3, window_bounds = array<i64: 1024, 16>}, {transform_indices = @transform_4, window_bounds = array<i64: 1024, 16>}]} {
    %eq3A = arith.constant 0 : i32
    %eq3A_0 = arith.cmpi eq, %arg0, %eq3A : i32
    %convert_element_type3A = arith.extui %eq3A_0 : i1 to i32
    %cond3A = arith.constant 0 : i32
    %cond3A_1 = arith.cmpi ne, %convert_element_type3A, %cond3A : i32
    scf.if %cond3A_1 {
      %dma_start3A = arith.constant 0 : i32
      %dma_start3A_83 = arith.constant 0 : i32
      %dma_start3A_84 = arith.constant 0 : i32
      %dma_start3A_85 = tpu.memref_slice %arg7[%dma_start3A_83, %dma_start3A_84] : memref<3x4x!tpu.dma_semaphore, #tpu.memory_space<semaphore_mem>> -> memref<1x1x!tpu.dma_semaphore, #tpu.memory_space<semaphore_mem>>
      %dma_start3A_86 = tpu.memref_squeeze %dma_start3A_85 : memref<1x1x!tpu.dma_semaphore, #tpu.memory_space<semaphore_mem>> -> memref<!tpu.dma_semaphore, #tpu.memory_space<semaphore_mem>>
      %dma_start3A_87 = arith.constant 0 : i32
      %dma_start3A_88 = arith.constant 0 : i32
      %dma_start3A_89 = tpu.memref_slice %arg6[%dma_start3A, %dma_start3A_87, %dma_start3A_88] : memref<3x1024x2048xf32, #tpu.memory_space<vmem>> -> memref<1x256x2048xf32, #tpu.memory_space<vmem>>
      %dma_start3A_90 = tpu.memref_squeeze %dma_start3A_89 : memref<1x256x2048xf32, #tpu.memory_space<vmem>> -> memref<256x2048xf32, #tpu.memory_space<vmem>>
      %dma_start3A_91 = arith.constant 0 : i32
      %dma_start3A_92 = arith.constant 0 : i32
      %dma_start3A_93 = tpu.memref_slice %arg1[%dma_start3A_91, %dma_start3A_92] : memref<16384x2048xf32, #tpu.memory_space<any>> -> memref<256x2048xf32, #tpu.memory_space<any>>
      tpu.enqueue_dma source(%dma_start3A_93 : memref<256x2048xf32, #tpu.memory_space<any>>) target(%dma_start3A_90 : memref<256x2048xf32, #tpu.memory_space<vmem>>) target_semaphore(%dma_start3A_86 : memref<!tpu.dma_semaphore, #tpu.memory_space<semaphore_mem>>)
      %dma_start3A_94 = arith.constant 0 : i32
      %dma_start3A_95 = arith.constant 0 : i32
      %dma_start3A_96 = arith.constant 1 : i32
      %dma_start3A_97 = tpu.memref_slice %arg7[%dma_start3A_95, %dma_start3A_96] : memref<3x4x!tpu.dma_semaphore, #tpu.memory_space<semaphore_mem>> -> memref<1x1x!tpu.dma_semaphore, #tpu.memory_space<semaphore_mem>>
      %dma_start3A_98 = tpu.memref_squeeze %dma_start3A_97 : memref<1x1x!tpu.dma_semaphore, #tpu.memory_space<semaphore_mem>> -> memref<!tpu.dma_semaphore, #tpu.memory_space<semaphore_mem>>
      %dma_start3A_99 = arith.constant 256 : i32
      %dma_start3A_100 = arith.constant 0 : i32
      %dma_start3A_101 = tpu.memref_slice %arg6[%dma_start3A_94, %dma_start3A_99, %dma_start3A_100] : memref<3x1024x2048xf32, #tpu.memory_space<vmem>> -> memref<1x256x2048xf32, #tpu.memory_space<vmem>>
      %dma_start3A_102 = tpu.memref_squeeze %dma_start3A_101 : memref<1x256x2048xf32, #tpu.memory_space<vmem>> -> memref<256x2048xf32, #tpu.memory_space<vmem>>
      %dma_start3A_103 = arith.constant 256 : i32
      %dma_start3A_104 = arith.constant 0 : i32
      %dma_start3A_105 = tpu.memref_slice %arg1[%dma_start3A_103, %dma_start3A_104] : memref<16384x2048xf32, #tpu.memory_space<any>> -> memref<256x2048xf32, #tpu.memory_space<any>>
      tpu.enqueue_dma source(%dma_start3A_105 : memref<256x2048xf32, #tpu.memory_space<any>>) target(%dma_start3A_102 : memref<256x2048xf32, #tpu.memory_space<vmem>>) target_semaphore(%dma_start3A_98 : memref<!tpu.dma_semaphore, #tpu.memory_space<semaphore_mem>>)
      %dma_start3A_106 = arith.constant 0 : i32
      %dma_start3A_107 = arith.constant 0 : i32
      %dma_start3A_108 = arith.constant 2 : i32
      %dma_start3A_109 = tpu.memref_slice %arg7[%dma_start3A_107, %dma_start3A_108] : memref<3x4x!tpu.dma_semaphore, #tpu.memory_space<semaphore_mem>> -> memref<1x1x!tpu.dma_semaphore, #tpu.memory_space<semaphore_mem>>
      %dma_start3A_110 = tpu.memref_squeeze %dma_start3A_109 : memref<1x1x!tpu.dma_semaphore, #tpu.memory_space<semaphore_mem>> -> memref<!tpu.dma_semaphore, #tpu.memory_space<semaphore_mem>>
      %dma_start3A_111 = arith.constant 512 : i32
      %dma_start3A_112 = arith.constant 0 : i32
      %dma_start3A_113 = tpu.memref_slice %arg6[%dma_start3A_106, %dma_start3A_111, %dma_start3A_112] : memref<3x1024x2048xf32, #tpu.memory_space<vmem>> -> memref<1x256x2048xf32, #tpu.memory_space<vmem>>
      %dma_start3A_114 = tpu.memref_squeeze %dma_start3A_113 : memref<1x256x2048xf32, #tpu.memory_space<vmem>> -> memref<256x2048xf32, #tpu.memory_space<vmem>>
      %dma_start3A_115 = arith.constant 512 : i32
      %dma_start3A_116 = arith.constant 0 : i32
      %dma_start3A_117 = tpu.memref_slice %arg1[%dma_start3A_115, %dma_start3A_116] : memref<16384x2048xf32, #tpu.memory_space<any>> -> memref<256x2048xf32, #tpu.memory_space<any>>
      tpu.enqueue_dma source(%dma_start3A_117 : memref<256x2048xf32, #tpu.memory_space<any>>) target(%dma_start3A_114 : memref<256x2048xf32, #tpu.memory_space<vmem>>) target_semaphore(%dma_start3A_110 : memref<!tpu.dma_semaphore, #tpu.memory_space<semaphore_mem>>)
      %dma_start3A_118 = arith.constant 0 : i32
      %dma_start3A_119 = arith.constant 0 : i32
      %dma_start3A_120 = arith.constant 3 : i32
      %dma_start3A_121 = tpu.memref_slice %arg7[%dma_start3A_119, %dma_start3A_120] : memref<3x4x!tpu.dma_semaphore, #tpu.memory_space<semaphore_mem>> -> memref<1x1x!tpu.dma_semaphore, #tpu.memory_space<semaphore_mem>>
      %dma_start3A_122 = tpu.memref_squeeze %dma_start3A_121 : memref<1x1x!tpu.dma_semaphore, #tpu.memory_space<semaphore_mem>> -> memref<!tpu.dma_semaphore, #tpu.memory_space<semaphore_mem>>
      %dma_start3A_123 = arith.constant 768 : i32
      %dma_start3A_124 = arith.constant 0 : i32
      %dma_start3A_125 = tpu.memref_slice %arg6[%dma_start3A_118, %dma_start3A_123, %dma_start3A_124] : memref<3x1024x2048xf32, #tpu.memory_space<vmem>> -> memref<1x256x2048xf32, #tpu.memory_space<vmem>>
      %dma_start3A_126 = tpu.memref_squeeze %dma_start3A_125 : memref<1x256x2048xf32, #tpu.memory_space<vmem>> -> memref<256x2048xf32, #tpu.memory_space<vmem>>
      %dma_start3A_127 = arith.constant 768 : i32
      %dma_start3A_128 = arith.constant 0 : i32
      %dma_start3A_129 = tpu.memref_slice %arg1[%dma_start3A_127, %dma_start3A_128] : memref<16384x2048xf32, #tpu.memory_space<any>> -> memref<256x2048xf32, #tpu.memory_space<any>>
      tpu.enqueue_dma source(%dma_start3A_129 : memref<256x2048xf32, #tpu.memory_space<any>>) target(%dma_start3A_126 : memref<256x2048xf32, #tpu.memory_space<vmem>>) target_semaphore(%dma_start3A_122 : memref<!tpu.dma_semaphore, #tpu.memory_space<semaphore_mem>>)
      %dma_start3A_130 = arith.constant 1 : i32
      %dma_start3A_131 = arith.constant 1 : i32
      %dma_start3A_132 = arith.constant 0 : i32
      %dma_start3A_133 = tpu.memref_slice %arg7[%dma_start3A_131, %dma_start3A_132] : memref<3x4x!tpu.dma_semaphore, #tpu.memory_space<semaphore_mem>> -> memref<1x1x!tpu.dma_semaphore, #tpu.memory_space<semaphore_mem>>
      %dma_start3A_134 = tpu.memref_squeeze %dma_start3A_133 : memref<1x1x!tpu.dma_semaphore, #tpu.memory_space<semaphore_mem>> -> memref<!tpu.dma_semaphore, #tpu.memory_space<semaphore_mem>>
      %dma_start3A_135 = arith.constant 0 : i32
      %dma_start3A_136 = arith.constant 0 : i32
      %dma_start3A_137 = tpu.memref_slice %arg6[%dma_start3A_130, %dma_start3A_135, %dma_start3A_136] : memref<3x1024x2048xf32, #tpu.memory_space<vmem>> -> memref<1x256x2048xf32, #tpu.memory_space<vmem>>
      %dma_start3A_138 = tpu.memref_squeeze %dma_start3A_137 : memref<1x256x2048xf32, #tpu.memory_space<vmem>> -> memref<256x2048xf32, #tpu.memory_space<vmem>>
      %dma_start3A_139 = arith.constant 1024 : i32
      %dma_start3A_140 = arith.constant 0 : i32
      %dma_start3A_141 = tpu.memref_slice %arg1[%dma_start3A_139, %dma_start3A_140] : memref<16384x2048xf32, #tpu.memory_space<any>> -> memref<256x2048xf32, #tpu.memory_space<any>>
      tpu.enqueue_dma source(%dma_start3A_141 : memref<256x2048xf32, #tpu.memory_space<any>>) target(%dma_start3A_138 : memref<256x2048xf32, #tpu.memory_space<vmem>>) target_semaphore(%dma_start3A_134 : memref<!tpu.dma_semaphore, #tpu.memory_space<semaphore_mem>>)
      %dma_start3A_142 = arith.constant 1 : i32
      %dma_start3A_143 = arith.constant 1 : i32
      %dma_start3A_144 = arith.constant 1 : i32
      %dma_start3A_145 = tpu.memref_slice %arg7[%dma_start3A_143, %dma_start3A_144] : memref<3x4x!tpu.dma_semaphore, #tpu.memory_space<semaphore_mem>> -> memref<1x1x!tpu.dma_semaphore, #tpu.memory_space<semaphore_mem>>
      %dma_start3A_146 = tpu.memref_squeeze %dma_start3A_145 : memref<1x1x!tpu.dma_semaphore, #tpu.memory_space<semaphore_mem>> -> memref<!tpu.dma_semaphore, #tpu.memory_space<semaphore_mem>>
      %dma_start3A_147 = arith.constant 256 : i32
      %dma_start3A_148 = arith.constant 0 : i32
      %dma_start3A_149 = tpu.memref_slice %arg6[%dma_start3A_142, %dma_start3A_147, %dma_start3A_148] : memref<3x1024x2048xf32, #tpu.memory_space<vmem>> -> memref<1x256x2048xf32, #tpu.memory_space<vmem>>
      %dma_start3A_150 = tpu.memref_squeeze %dma_start3A_149 : memref<1x256x2048xf32, #tpu.memory_space<vmem>> -> memref<256x2048xf32, #tpu.memory_space<vmem>>
      %dma_start3A_151 = arith.constant 1280 : i32
      %dma_start3A_152 = arith.constant 0 : i32
      %dma_start3A_153 = tpu.memref_slice %arg1[%dma_start3A_151, %dma_start3A_152] : memref<16384x2048xf32, #tpu.memory_space<any>> -> memref<256x2048xf32, #tpu.memory_space<any>>
      tpu.enqueue_dma source(%dma_start3A_153 : memref<256x2048xf32, #tpu.memory_space<any>>) target(%dma_start3A_150 : memref<256x2048xf32, #tpu.memory_space<vmem>>) target_semaphore(%dma_start3A_146 : memref<!tpu.dma_semaphore, #tpu.memory_space<semaphore_mem>>)
      %dma_start3A_154 = arith.constant 1 : i32
      %dma_start3A_155 = arith.constant 1 : i32
      %dma_start3A_156 = arith.constant 2 : i32
      %dma_start3A_157 = tpu.memref_slice %arg7[%dma_start3A_155, %dma_start3A_156] : memref<3x4x!tpu.dma_semaphore, #tpu.memory_space<semaphore_mem>> -> memref<1x1x!tpu.dma_semaphore, #tpu.memory_space<semaphore_mem>>
      %dma_start3A_158 = tpu.memref_squeeze %dma_start3A_157 : memref<1x1x!tpu.dma_semaphore, #tpu.memory_space<semaphore_mem>> -> memref<!tpu.dma_semaphore, #tpu.memory_space<semaphore_mem>>
      %dma_start3A_159 = arith.constant 512 : i32
      %dma_start3A_160 = arith.constant 0 : i32
      %dma_start3A_161 = tpu.memref_slice %arg6[%dma_start3A_154, %dma_start3A_159, %dma_start3A_160] : memref<3x1024x2048xf32, #tpu.memory_space<vmem>> -> memref<1x256x2048xf32, #tpu.memory_space<vmem>>
      %dma_start3A_162 = tpu.memref_squeeze %dma_start3A_161 : memref<1x256x2048xf32, #tpu.memory_space<vmem>> -> memref<256x2048xf32, #tpu.memory_space<vmem>>
      %dma_start3A_163 = arith.constant 1536 : i32
      %dma_start3A_164 = arith.constant 0 : i32
      %dma_start3A_165 = tpu.memref_slice %arg1[%dma_start3A_163, %dma_start3A_164] : memref<16384x2048xf32, #tpu.memory_space<any>> -> memref<256x2048xf32, #tpu.memory_space<any>>
      tpu.enqueue_dma source(%dma_start3A_165 : memref<256x2048xf32, #tpu.memory_space<any>>) target(%dma_start3A_162 : memref<256x2048xf32, #tpu.memory_space<vmem>>) target_semaphore(%dma_start3A_158 : memref<!tpu.dma_semaphore, #tpu.memory_space<semaphore_mem>>)
      %dma_start3A_166 = arith.constant 1 : i32
      %dma_start3A_167 = arith.constant 1 : i32
      %dma_start3A_168 = arith.constant 3 : i32
      %dma_start3A_169 = tpu.memref_slice %arg7[%dma_start3A_167, %dma_start3A_168] : memref<3x4x!tpu.dma_semaphore, #tpu.memory_space<semaphore_mem>> -> memref<1x1x!tpu.dma_semaphore, #tpu.memory_space<semaphore_mem>>
      %dma_start3A_170 = tpu.memref_squeeze %dma_start3A_169 : memref<1x1x!tpu.dma_semaphore, #tpu.memory_space<semaphore_mem>> -> memref<!tpu.dma_semaphore, #tpu.memory_space<semaphore_mem>>
      %dma_start3A_171 = arith.constant 768 : i32
      %dma_start3A_172 = arith.constant 0 : i32
      %dma_start3A_173 = tpu.memref_slice %arg6[%dma_start3A_166, %dma_start3A_171, %dma_start3A_172] : memref<3x1024x2048xf32, #tpu.memory_space<vmem>> -> memref<1x256x2048xf32, #tpu.memory_space<vmem>>
      %dma_start3A_174 = tpu.memref_squeeze %dma_start3A_173 : memref<1x256x2048xf32, #tpu.memory_space<vmem>> -> memref<256x2048xf32, #tpu.memory_space<vmem>>
      %dma_start3A_175 = arith.constant 1792 : i32
      %dma_start3A_176 = arith.constant 0 : i32
      %dma_start3A_177 = tpu.memref_slice %arg1[%dma_start3A_175, %dma_start3A_176] : memref<16384x2048xf32, #tpu.memory_space<any>> -> memref<256x2048xf32, #tpu.memory_space<any>>
      tpu.enqueue_dma source(%dma_start3A_177 : memref<256x2048xf32, #tpu.memory_space<any>>) target(%dma_start3A_174 : memref<256x2048xf32, #tpu.memory_space<vmem>>) target_semaphore(%dma_start3A_170 : memref<!tpu.dma_semaphore, #tpu.memory_space<semaphore_mem>>)
    } else {
    }
    %add3A = arith.constant 3 : i32
    %add3A_2 = arith.addi %arg0, %add3A : i32
    %sub3A = arith.constant 1 : i32
    %sub3A_3 = arith.subi %add3A_2, %sub3A : i32
    %lt3A = arith.constant 8 : i32
    %lt3A_4 = arith.cmpi slt, %sub3A_3, %lt3A : i32
    %convert_element_type3A_5 = arith.extui %lt3A_4 : i1 to i32
    %cond3A_6 = arith.constant 0 : i32
    %cond3A_7 = arith.cmpi ne, %convert_element_type3A_5, %cond3A_6 : i32
    scf.if %cond3A_7 {
      %add3A_83 = arith.constant 3 : i32
      %add3A_84 = arith.addi %arg0, %add3A_83 : i32
      %sub3A_85 = arith.constant 1 : i32
      %sub3A_86 = arith.subi %add3A_84, %sub3A_85 : i32
      %add3A_87 = arith.constant 3 : i32
      %add3A_88 = arith.addi %arg0, %add3A_87 : i32
      %sub3A_89 = arith.constant 1 : i32
      %sub3A_90 = arith.subi %add3A_88, %sub3A_89 : i32
      %jit3A_91 = arith.constant 3 : i32
      %eq3A_92 = arith.constant 0 : i32
      %eq3A_93 = arith.cmpi eq, %jit3A_91, %eq3A_92 : i32
      %jit3A_94 = arith.constant 1 : i32
      %select_n3A_95 = arith.select %eq3A_93, %jit3A_94, %jit3A_91 : i32
      %rem3A_96 = arith.remsi %sub3A_90, %select_n3A_95 : i32
      %ne3A_97 = arith.constant 0 : i32
      %ne3A_98 = arith.cmpi ne, %rem3A_96, %ne3A_97 : i32
      %lt3A_99 = arith.constant 0 : i32
      %lt3A_100 = arith.cmpi slt, %rem3A_96, %lt3A_99 : i32
      %lt3A_101 = arith.constant 0 : i32
      %lt3A_102 = arith.cmpi slt, %select_n3A_95, %lt3A_101 : i32
      %ne3A_103 = arith.xori %lt3A_100, %lt3A_102 : i1
      %and3A_104 = arith.andi %ne3A_103, %ne3A_98 : i1
      %add3A_105 = arith.addi %rem3A_96, %select_n3A_95 : i32
      %select_n3A_106 = arith.select %and3A_104, %add3A_105, %rem3A_96 : i32
      %add3A_107 = arith.constant 0 : i32
      %add3A_108 = arith.addi %add3A_107, %sub3A_86 : i32
      %mul3A_109 = arith.constant 1024 : i32
      %mul3A_110 = arith.muli %add3A_108, %mul3A_109 : i32
      %add3A_111 = arith.constant 0 : i32
      %add3A_112 = arith.addi %mul3A_110, %add3A_111 : i32
      %dma_start3A = arith.constant 0 : i32
      %dma_start3A_113 = tpu.memref_slice %arg7[%select_n3A_106, %dma_start3A] : memref<3x4x!tpu.dma_semaphore, #tpu.memory_space<semaphore_mem>> -> memref<1x1x!tpu.dma_semaphore, #tpu.memory_space<semaphore_mem>>
      %dma_start3A_114 = tpu.memref_squeeze %dma_start3A_113 : memref<1x1x!tpu.dma_semaphore, #tpu.memory_space<semaphore_mem>> -> memref<!tpu.dma_semaphore, #tpu.memory_space<semaphore_mem>>
      %dma_start3A_115 = arith.constant 0 : i32
      %dma_start3A_116 = arith.constant 0 : i32
      %dma_start3A_117 = tpu.memref_slice %arg6[%select_n3A_106, %dma_start3A_115, %dma_start3A_116] : memref<3x1024x2048xf32, #tpu.memory_space<vmem>> -> memref<1x256x2048xf32, #tpu.memory_space<vmem>>
      %dma_start3A_118 = tpu.memref_squeeze %dma_start3A_117 : memref<1x256x2048xf32, #tpu.memory_space<vmem>> -> memref<256x2048xf32, #tpu.memory_space<vmem>>
      %dma_start3A_119 = arith.constant 0 : i32
      %dma_start3A_120 = tpu.memref_slice %arg1[%add3A_112, %dma_start3A_119] : memref<16384x2048xf32, #tpu.memory_space<any>> -> memref<256x2048xf32, #tpu.memory_space<any>>
      tpu.enqueue_dma source(%dma_start3A_120 : memref<256x2048xf32, #tpu.memory_space<any>>) target(%dma_start3A_118 : memref<256x2048xf32, #tpu.memory_space<vmem>>) target_semaphore(%dma_start3A_114 : memref<!tpu.dma_semaphore, #tpu.memory_space<semaphore_mem>>)
      %add3A_121 = arith.constant 0 : i32
      %add3A_122 = arith.addi %add3A_121, %sub3A_86 : i32
      %mul3A_123 = arith.constant 1024 : i32
      %mul3A_124 = arith.muli %add3A_122, %mul3A_123 : i32
      %add3A_125 = arith.constant 256 : i32
      %add3A_126 = arith.addi %mul3A_124, %add3A_125 : i32
      %dma_start3A_127 = arith.constant 1 : i32
      %dma_start3A_128 = tpu.memref_slice %arg7[%select_n3A_106, %dma_start3A_127] : memref<3x4x!tpu.dma_semaphore, #tpu.memory_space<semaphore_mem>> -> memref<1x1x!tpu.dma_semaphore, #tpu.memory_space<semaphore_mem>>
      %dma_start3A_129 = tpu.memref_squeeze %dma_start3A_128 : memref<1x1x!tpu.dma_semaphore, #tpu.memory_space<semaphore_mem>> -> memref<!tpu.dma_semaphore, #tpu.memory_space<semaphore_mem>>
      %dma_start3A_130 = arith.constant 256 : i32
      %dma_start3A_131 = arith.constant 0 : i32
      %dma_start3A_132 = tpu.memref_slice %arg6[%select_n3A_106, %dma_start3A_130, %dma_start3A_131] : memref<3x1024x2048xf32, #tpu.memory_space<vmem>> -> memref<1x256x2048xf32, #tpu.memory_space<vmem>>
      %dma_start3A_133 = tpu.memref_squeeze %dma_start3A_132 : memref<1x256x2048xf32, #tpu.memory_space<vmem>> -> memref<256x2048xf32, #tpu.memory_space<vmem>>
      %dma_start3A_134 = arith.constant 0 : i32
      %dma_start3A_135 = tpu.memref_slice %arg1[%add3A_126, %dma_start3A_134] : memref<16384x2048xf32, #tpu.memory_space<any>> -> memref<256x2048xf32, #tpu.memory_space<any>>
      tpu.enqueue_dma source(%dma_start3A_135 : memref<256x2048xf32, #tpu.memory_space<any>>) target(%dma_start3A_133 : memref<256x2048xf32, #tpu.memory_space<vmem>>) target_semaphore(%dma_start3A_129 : memref<!tpu.dma_semaphore, #tpu.memory_space<semaphore_mem>>)
      %add3A_136 = arith.constant 0 : i32
      %add3A_137 = arith.addi %add3A_136, %sub3A_86 : i32
      %mul3A_138 = arith.constant 1024 : i32
      %mul3A_139 = arith.muli %add3A_137, %mul3A_138 : i32
      %add3A_140 = arith.constant 512 : i32
      %add3A_141 = arith.addi %mul3A_139, %add3A_140 : i32
      %dma_start3A_142 = arith.constant 2 : i32
      %dma_start3A_143 = tpu.memref_slice %arg7[%select_n3A_106, %dma_start3A_142] : memref<3x4x!tpu.dma_semaphore, #tpu.memory_space<semaphore_mem>> -> memref<1x1x!tpu.dma_semaphore, #tpu.memory_space<semaphore_mem>>
      %dma_start3A_144 = tpu.memref_squeeze %dma_start3A_143 : memref<1x1x!tpu.dma_semaphore, #tpu.memory_space<semaphore_mem>> -> memref<!tpu.dma_semaphore, #tpu.memory_space<semaphore_mem>>
      %dma_start3A_145 = arith.constant 512 : i32
      %dma_start3A_146 = arith.constant 0 : i32
      %dma_start3A_147 = tpu.memref_slice %arg6[%select_n3A_106, %dma_start3A_145, %dma_start3A_146] : memref<3x1024x2048xf32, #tpu.memory_space<vmem>> -> memref<1x256x2048xf32, #tpu.memory_space<vmem>>
      %dma_start3A_148 = tpu.memref_squeeze %dma_start3A_147 : memref<1x256x2048xf32, #tpu.memory_space<vmem>> -> memref<256x2048xf32, #tpu.memory_space<vmem>>
      %dma_start3A_149 = arith.constant 0 : i32
      %dma_start3A_150 = tpu.memref_slice %arg1[%add3A_141, %dma_start3A_149] : memref<16384x2048xf32, #tpu.memory_space<any>> -> memref<256x2048xf32, #tpu.memory_space<any>>
      tpu.enqueue_dma source(%dma_start3A_150 : memref<256x2048xf32, #tpu.memory_space<any>>) target(%dma_start3A_148 : memref<256x2048xf32, #tpu.memory_space<vmem>>) target_semaphore(%dma_start3A_144 : memref<!tpu.dma_semaphore, #tpu.memory_space<semaphore_mem>>)
      %add3A_151 = arith.constant 0 : i32
      %add3A_152 = arith.addi %add3A_151, %sub3A_86 : i32
      %mul3A_153 = arith.constant 1024 : i32
      %mul3A_154 = arith.muli %add3A_152, %mul3A_153 : i32
      %add3A_155 = arith.constant 768 : i32
      %add3A_156 = arith.addi %mul3A_154, %add3A_155 : i32
      %dma_start3A_157 = arith.constant 3 : i32
      %dma_start3A_158 = tpu.memref_slice %arg7[%select_n3A_106, %dma_start3A_157] : memref<3x4x!tpu.dma_semaphore, #tpu.memory_space<semaphore_mem>> -> memref<1x1x!tpu.dma_semaphore, #tpu.memory_space<semaphore_mem>>
      %dma_start3A_159 = tpu.memref_squeeze %dma_start3A_158 : memref<1x1x!tpu.dma_semaphore, #tpu.memory_space<semaphore_mem>> -> memref<!tpu.dma_semaphore, #tpu.memory_space<semaphore_mem>>
      %dma_start3A_160 = arith.constant 768 : i32
      %dma_start3A_161 = arith.constant 0 : i32
      %dma_start3A_162 = tpu.memref_slice %arg6[%select_n3A_106, %dma_start3A_160, %dma_start3A_161] : memref<3x1024x2048xf32, #tpu.memory_space<vmem>> -> memref<1x256x2048xf32, #tpu.memory_space<vmem>>
      %dma_start3A_163 = tpu.memref_squeeze %dma_start3A_162 : memref<1x256x2048xf32, #tpu.memory_space<vmem>> -> memref<256x2048xf32, #tpu.memory_space<vmem>>
      %dma_start3A_164 = arith.constant 0 : i32
      %dma_start3A_165 = tpu.memref_slice %arg1[%add3A_156, %dma_start3A_164] : memref<16384x2048xf32, #tpu.memory_space<any>> -> memref<256x2048xf32, #tpu.memory_space<any>>
      tpu.enqueue_dma source(%dma_start3A_165 : memref<256x2048xf32, #tpu.memory_space<any>>) target(%dma_start3A_163 : memref<256x2048xf32, #tpu.memory_space<vmem>>) target_semaphore(%dma_start3A_159 : memref<!tpu.dma_semaphore, #tpu.memory_space<semaphore_mem>>)
    } else {
    }
    %jit3A = arith.constant 3 : i32
    %eq3A_8 = arith.constant 0 : i32
    %eq3A_9 = arith.cmpi eq, %jit3A, %eq3A_8 : i32
    %jit3A_10 = arith.constant 1 : i32
    %select_n3A = arith.select %eq3A_9, %jit3A_10, %jit3A : i32
    %rem3A = arith.remsi %arg0, %select_n3A : i32
    %ne3A = arith.constant 0 : i32
    %ne3A_11 = arith.cmpi ne, %rem3A, %ne3A : i32
    %lt3A_12 = arith.constant 0 : i32
    %lt3A_13 = arith.cmpi slt, %rem3A, %lt3A_12 : i32
    %lt3A_14 = arith.constant 0 : i32
    %lt3A_15 = arith.cmpi slt, %select_n3A, %lt3A_14 : i32
    %ne3A_16 = arith.xori %lt3A_13, %lt3A_15 : i1
    %and3A = arith.andi %ne3A_16, %ne3A_11 : i1
    %add3A_17 = arith.addi %rem3A, %select_n3A : i32
    %select_n3A_18 = arith.select %and3A, %add3A_17, %rem3A : i32
    %dma_wait3A = arith.constant 0 : i32
    %dma_wait3A_19 = tpu.memref_slice %arg7[%select_n3A_18, %dma_wait3A] : memref<3x4x!tpu.dma_semaphore, #tpu.memory_space<semaphore_mem>> -> memref<1x1x!tpu.dma_semaphore, #tpu.memory_space<semaphore_mem>>
    %dma_wait3A_20 = tpu.memref_squeeze %dma_wait3A_19 : memref<1x1x!tpu.dma_semaphore, #tpu.memory_space<semaphore_mem>> -> memref<!tpu.dma_semaphore, #tpu.memory_space<semaphore_mem>>
    %dma_wait3A_21 = arith.constant 0 : i32
    %dma_wait3A_22 = arith.constant 0 : i32
    %dma_wait3A_23 = tpu.memref_slice %arg6[%select_n3A_18, %dma_wait3A_21, %dma_wait3A_22] : memref<3x1024x2048xf32, #tpu.memory_space<vmem>> -> memref<1x256x2048xf32, #tpu.memory_space<vmem>>
    %dma_wait3A_24 = tpu.memref_squeeze %dma_wait3A_23 : memref<1x256x2048xf32, #tpu.memory_space<vmem>> -> memref<256x2048xf32, #tpu.memory_space<vmem>>
    %dma_wait3A_25 = arith.constant 0 : i32
    %dma_wait3A_26 = arith.constant 0 : i32
    %dma_wait3A_27 = tpu.memref_slice %arg1[%dma_wait3A_25, %dma_wait3A_26] : memref<16384x2048xf32, #tpu.memory_space<any>> -> memref<256x2048xf32, #tpu.memory_space<any>>
    tpu.wait_dma2 semaphore(%dma_wait3A_20 : memref<!tpu.dma_semaphore, #tpu.memory_space<semaphore_mem>>) src(%dma_wait3A_27 : memref<256x2048xf32, #tpu.memory_space<any>>) dst(%dma_wait3A_24 : memref<256x2048xf32, #tpu.memory_space<vmem>>)
    %dma_wait3A_28 = arith.constant 1 : i32
    %dma_wait3A_29 = tpu.memref_slice %arg7[%select_n3A_18, %dma_wait3A_28] : memref<3x4x!tpu.dma_semaphore, #tpu.memory_space<semaphore_mem>> -> memref<1x1x!tpu.dma_semaphore, #tpu.memory_space<semaphore_mem>>
    %dma_wait3A_30 = tpu.memref_squeeze %dma_wait3A_29 : memref<1x1x!tpu.dma_semaphore, #tpu.memory_space<semaphore_mem>> -> memref<!tpu.dma_semaphore, #tpu.memory_space<semaphore_mem>>
    %dma_wait3A_31 = arith.constant 0 : i32
    %dma_wait3A_32 = arith.constant 0 : i32
    %dma_wait3A_33 = tpu.memref_slice %arg6[%select_n3A_18, %dma_wait3A_31, %dma_wait3A_32] : memref<3x1024x2048xf32, #tpu.memory_space<vmem>> -> memref<1x256x2048xf32, #tpu.memory_space<vmem>>
    %dma_wait3A_34 = tpu.memref_squeeze %dma_wait3A_33 : memref<1x256x2048xf32, #tpu.memory_space<vmem>> -> memref<256x2048xf32, #tpu.memory_space<vmem>>
    %dma_wait3A_35 = arith.constant 0 : i32
    %dma_wait3A_36 = arith.constant 0 : i32
    %dma_wait3A_37 = tpu.memref_slice %arg1[%dma_wait3A_35, %dma_wait3A_36] : memref<16384x2048xf32, #tpu.memory_space<any>> -> memref<256x2048xf32, #tpu.memory_space<any>>
    tpu.wait_dma2 semaphore(%dma_wait3A_30 : memref<!tpu.dma_semaphore, #tpu.memory_space<semaphore_mem>>) src(%dma_wait3A_37 : memref<256x2048xf32, #tpu.memory_space<any>>) dst(%dma_wait3A_34 : memref<256x2048xf32, #tpu.memory_space<vmem>>)
    %dma_wait3A_38 = arith.constant 2 : i32
    %dma_wait3A_39 = tpu.memref_slice %arg7[%select_n3A_18, %dma_wait3A_38] : memref<3x4x!tpu.dma_semaphore, #tpu.memory_space<semaphore_mem>> -> memref<1x1x!tpu.dma_semaphore, #tpu.memory_space<semaphore_mem>>
    %dma_wait3A_40 = tpu.memref_squeeze %dma_wait3A_39 : memref<1x1x!tpu.dma_semaphore, #tpu.memory_space<semaphore_mem>> -> memref<!tpu.dma_semaphore, #tpu.memory_space<semaphore_mem>>
    %dma_wait3A_41 = arith.constant 0 : i32
    %dma_wait3A_42 = arith.constant 0 : i32
    %dma_wait3A_43 = tpu.memref_slice %arg6[%select_n3A_18, %dma_wait3A_41, %dma_wait3A_42] : memref<3x1024x2048xf32, #tpu.memory_space<vmem>> -> memref<1x256x2048xf32, #tpu.memory_space<vmem>>
    %dma_wait3A_44 = tpu.memref_squeeze %dma_wait3A_43 : memref<1x256x2048xf32, #tpu.memory_space<vmem>> -> memref<256x2048xf32, #tpu.memory_space<vmem>>
    %dma_wait3A_45 = arith.constant 0 : i32
    %dma_wait3A_46 = arith.constant 0 : i32
    %dma_wait3A_47 = tpu.memref_slice %arg1[%dma_wait3A_45, %dma_wait3A_46] : memref<16384x2048xf32, #tpu.memory_space<any>> -> memref<256x2048xf32, #tpu.memory_space<any>>
    tpu.wait_dma2 semaphore(%dma_wait3A_40 : memref<!tpu.dma_semaphore, #tpu.memory_space<semaphore_mem>>) src(%dma_wait3A_47 : memref<256x2048xf32, #tpu.memory_space<any>>) dst(%dma_wait3A_44 : memref<256x2048xf32, #tpu.memory_space<vmem>>)
    %dma_wait3A_48 = arith.constant 3 : i32
    %dma_wait3A_49 = tpu.memref_slice %arg7[%select_n3A_18, %dma_wait3A_48] : memref<3x4x!tpu.dma_semaphore, #tpu.memory_space<semaphore_mem>> -> memref<1x1x!tpu.dma_semaphore, #tpu.memory_space<semaphore_mem>>
    %dma_wait3A_50 = tpu.memref_squeeze %dma_wait3A_49 : memref<1x1x!tpu.dma_semaphore, #tpu.memory_space<semaphore_mem>> -> memref<!tpu.dma_semaphore, #tpu.memory_space<semaphore_mem>>
    %dma_wait3A_51 = arith.constant 0 : i32
    %dma_wait3A_52 = arith.constant 0 : i32
    %dma_wait3A_53 = tpu.memref_slice %arg6[%select_n3A_18, %dma_wait3A_51, %dma_wait3A_52] : memref<3x1024x2048xf32, #tpu.memory_space<vmem>> -> memref<1x256x2048xf32, #tpu.memory_space<vmem>>
    %dma_wait3A_54 = tpu.memref_squeeze %dma_wait3A_53 : memref<1x256x2048xf32, #tpu.memory_space<vmem>> -> memref<256x2048xf32, #tpu.memory_space<vmem>>
    %dma_wait3A_55 = arith.constant 0 : i32
    %dma_wait3A_56 = arith.constant 0 : i32
    %dma_wait3A_57 = tpu.memref_slice %arg1[%dma_wait3A_55, %dma_wait3A_56] : memref<16384x2048xf32, #tpu.memory_space<any>> -> memref<256x2048xf32, #tpu.memory_space<any>>
    tpu.wait_dma2 semaphore(%dma_wait3A_50 : memref<!tpu.dma_semaphore, #tpu.memory_space<semaphore_mem>>) src(%dma_wait3A_57 : memref<256x2048xf32, #tpu.memory_space<any>>) dst(%dma_wait3A_54 : memref<256x2048xf32, #tpu.memory_space<vmem>>)
    %get3A = arith.index_cast %select_n3A_18 : i32 to index
    %get3A_58 = arith.constant 0 : index
    %get3A_59 = arith.constant 0 : index
    %get3A_60 = vector.load %arg6[%get3A, %get3A_58, %get3A_59] : memref<3x1024x2048xf32, #tpu.memory_space<vmem>>, vector<1x1024x2048xf32>
    %get3A_61 = vector.shape_cast %get3A_60 : vector<1x1024x2048xf32> to vector<1024x2048xf32>
    %get3A_62 = arith.constant 0 : index
    %get3A_63 = arith.constant 0 : index
    %get3A_64 = vector.load %arg2[%get3A_62, %get3A_63] : memref<2048x32xf32, #tpu.memory_space<vmem>>, vector<2048x32xf32>
    %dot_general3A = arith.constant dense<0.000000e+00> : vector<1024x32xf32>
    %dot_general3A_65 = tpu.matmul %get3A_61, %get3A_64, %dot_general3A {dimension_numbers = #tpu.dot_dimension_numbers<[1], [0], [0], [1], [0, 0, 1, 1], [], []>, transpose_lhs_hint = false} : vector<1024x2048xf32>, vector<2048x32xf32>, vector<1024x32xf32> -> vector<1024x32xf32>
    %get3A_66 = arith.constant 0 : index
    %get3A_67 = arith.constant 0 : index
    %get3A_68 = vector.load %arg3[%get3A_66, %get3A_67] : memref<1x32xf32, #tpu.memory_space<vmem>>, vector<1x32xf32>
    %add3A_69 = vector.broadcast %get3A_68 : vector<1x32xf32> to vector<1024x32xf32>
    %add3A_70 = arith.addf %dot_general3A_65, %add3A_69 : vector<1024x32xf32>
    %slice3A = vector.extract_strided_slice %add3A_70 {offsets = [0, 0], sizes = [1024, 16], strides = [1, 1]} : vector<1024x32xf32> to vector<1024x16xf32>
    %slice3A_71 = vector.extract_strided_slice %add3A_70 {offsets = [0, 16], sizes = [1024, 16], strides = [1, 1]} : vector<1024x32xf32> to vector<1024x16xf32>
    %max3A = arith.constant 0.000000e+00 : f32
    %max3A_72 = vector.broadcast %max3A : f32 to vector<1024x16xf32>
    %max3A_73 = arith.maximumf %slice3A_71, %max3A_72 : vector<1024x16xf32>
    %abs3A = math.absf %slice3A_71 : vector<1024x16xf32>
    %neg3A = arith.constant 0.000000e+00 : f32
    %neg3A_74 = vector.broadcast %neg3A : f32 to vector<1024x16xf32>
    %neg3A_75 = arith.subf %neg3A_74, %abs3A : vector<1024x16xf32>
    %exp3A = math.exp %neg3A_75 : vector<1024x16xf32>
    %log1p3A = math.log1p %exp3A : vector<1024x16xf32>
    %add3A_76 = arith.addf %max3A_73, %log1p3A : vector<1024x16xf32>
    %get3A_77 = arith.constant 0 : index
    %get3A_78 = arith.constant 0 : index
    %get3A_79 = vector.load %arg4[%get3A_77, %get3A_78] : memref<1024x16xf32, #tpu.memory_space<vmem>>, vector<1024x16xf32>
    %mul3A = arith.mulf %get3A_79, %add3A_76 : vector<1024x16xf32>
    %add3A_80 = arith.addf %slice3A, %mul3A : vector<1024x16xf32>
    %swap3A = arith.constant 0 : index
    %swap3A_81 = arith.constant 0 : index
    %swap3A_82 = vector.load %arg5[%swap3A, %swap3A_81] : memref<1024x16xf32, #tpu.memory_space<vmem>>, vector<1024x16xf32>
    tpu.vector_store %arg5[%swap3A, %swap3A_81], %add3A_80 {strides = array<i32>} : memref<1024x16xf32, #tpu.memory_space<vmem>>, vector<1024x16xf32>,
    return
  }
  func.func @transform_1(%arg0: i32) -> (i32, i32) {
    %c0_i32 = arith.constant 0 : i32
    %c0_i32_0 = arith.constant 0 : i32
    %c0_i32_1 = arith.constant 0 : i32
    return %c0_i32, %c0_i32_0 : i32, i32
  }
  func.func @transform_2(%arg0: i32) -> (i32, i32) {
    %c0_i32 = arith.constant 0 : i32
    %c0_i32_0 = arith.constant 0 : i32
    %c0_i32_1 = arith.constant 0 : i32
    return %c0_i32, %c0_i32_0 : i32, i32
  }
  func.func @transform_3(%arg0: i32) -> (i32, i32) {
    %add3A = arith.constant 0 : i32
    %add3A_0 = arith.addi %add3A, %arg0 : i32
    %c0_i32 = arith.constant 0 : i32
    %c0_i32_1 = arith.constant 0 : i32
    return %add3A_0, %c0_i32 : i32, i32
  }
  func.func @transform_4(%arg0: i32) -> (i32, i32) {
    %c0_i32 = arith.constant 0 : i32
    %c0_i32_0 = arith.constant 0 : i32
    return %arg0, %c0_i32 : i32, i32
  }
}

module attributes {stable_mosaic.version = 14 : i64} {
  func.func @_dense_body(%arg0: i32, %arg1: memref<16384x2048xf32, #tpu.memory_space<any>>, %arg2: memref<2048x32xf32, #tpu.memory_space<vmem>>, %arg3: memref<1x32xf32, #tpu.memory_space<vmem>>, %arg4: memref<1024x16xf32, #tpu.memory_space<vmem>>, %arg5: memref<1024x16xf32, #tpu.memory_space<vmem>>, %arg6: memref<3x1024x2048xf32, #tpu.memory_space<vmem>>, %arg7: memref<3x4x!tpu.dma_semaphore, #tpu.memory_space<semaphore_mem>>) attributes {dimension_semantics = [#tpu.dimension_semantics<arbitrary>], iteration_bounds = array<i64: 8>, scalar_prefetch = 0 : i64, scratch_operands = 2 : i64, tpu.core_type = #tpu.core_type<tc>, window_params = [{}, {pipeline_mode = #tpu.pipeline_mode<synchronous>, transform_indices = @transform_1, window_bounds = array<i64: 2048, 32>}, {pipeline_mode = #tpu.pipeline_mode<synchronous>, transform_indices = @transform_2, window_bounds = array<i64: 1, 32>}, {transform_indices = @transform_3, window_bounds = array<i64: 1024, 16>}, {transform_indices = @transform_4, window_bounds = array<i64: 1024, 16>}]} {
    %eq3A = arith.constant 0 : i32
    %eq3A_0 = arith.cmpi eq, %arg0, %eq3A : i32
    %convert_element_type3A = arith.extui %eq3A_0 : i1 to i32
    %cond3A = arith.constant 0 : i32
    %cond3A_1 = arith.cmpi ne, %convert_element_type3A, %cond3A : i32
    scf.if %cond3A_1 {
      %dma_start3A = arith.constant 0 : i32
      %dma_start3A_83 = arith.constant 0 : i32
      %dma_start3A_84 = arith.constant 0 : i32
      %dma_start3A_85 = tpu.memref_slice %arg7[%dma_start3A_83, %dma_start3A_84] : memref<3x4x!tpu.dma_semaphore, #tpu.memory_space<semaphore_mem>> -> memref<1x1x!tpu.dma_semaphore, #tpu.memory_space<semaphore_mem>>
      %dma_start3A_86 = tpu.memref_squeeze %dma_start3A_85 : memref<1x1x!tpu.dma_semaphore, #tpu.memory_space<semaphore_mem>> -> memref<!tpu.dma_semaphore, #tpu.memory_space<semaphore_mem>>
      %dma_start3A_87 = arith.constant 0 : i32
      %dma_start3A_88 = arith.constant 0 : i32
      %dma_start3A_89 = tpu.memref_slice %arg6[%dma_start3A, %dma_start3A_87, %dma_start3A_88] : memref<3x1024x2048xf32, #tpu.memory_space<vmem>> -> memref<1x256x2048xf32, #tpu.memory_space<vmem>>
      %dma_start3A_90 = tpu.memref_squeeze %dma_start3A_89 : memref<1x256x2048xf32, #tpu.memory_space<vmem>> -> memref<256x2048xf32, #tpu.memory_space<vmem>>
      %dma_start3A_91 = arith.constant 8192 : i32
      %dma_start3A_92 = arith.constant 0 : i32
      %dma_start3A_93 = tpu.memref_slice %arg1[%dma_start3A_91, %dma_start3A_92] : memref<16384x2048xf32, #tpu.memory_space<any>> -> memref<256x2048xf32, #tpu.memory_space<any>>
      tpu.enqueue_dma source(%dma_start3A_93 : memref<256x2048xf32, #tpu.memory_space<any>>) target(%dma_start3A_90 : memref<256x2048xf32, #tpu.memory_space<vmem>>) target_semaphore(%dma_start3A_86 : memref<!tpu.dma_semaphore, #tpu.memory_space<semaphore_mem>>)
      %dma_start3A_94 = arith.constant 0 : i32
      %dma_start3A_95 = arith.constant 0 : i32
      %dma_start3A_96 = arith.constant 1 : i32
      %dma_start3A_97 = tpu.memref_slice %arg7[%dma_start3A_95, %dma_start3A_96] : memref<3x4x!tpu.dma_semaphore, #tpu.memory_space<semaphore_mem>> -> memref<1x1x!tpu.dma_semaphore, #tpu.memory_space<semaphore_mem>>
      %dma_start3A_98 = tpu.memref_squeeze %dma_start3A_97 : memref<1x1x!tpu.dma_semaphore, #tpu.memory_space<semaphore_mem>> -> memref<!tpu.dma_semaphore, #tpu.memory_space<semaphore_mem>>
      %dma_start3A_99 = arith.constant 256 : i32
      %dma_start3A_100 = arith.constant 0 : i32
      %dma_start3A_101 = tpu.memref_slice %arg6[%dma_start3A_94, %dma_start3A_99, %dma_start3A_100] : memref<3x1024x2048xf32, #tpu.memory_space<vmem>> -> memref<1x256x2048xf32, #tpu.memory_space<vmem>>
      %dma_start3A_102 = tpu.memref_squeeze %dma_start3A_101 : memref<1x256x2048xf32, #tpu.memory_space<vmem>> -> memref<256x2048xf32, #tpu.memory_space<vmem>>
      %dma_start3A_103 = arith.constant 8448 : i32
      %dma_start3A_104 = arith.constant 0 : i32
      %dma_start3A_105 = tpu.memref_slice %arg1[%dma_start3A_103, %dma_start3A_104] : memref<16384x2048xf32, #tpu.memory_space<any>> -> memref<256x2048xf32, #tpu.memory_space<any>>
      tpu.enqueue_dma source(%dma_start3A_105 : memref<256x2048xf32, #tpu.memory_space<any>>) target(%dma_start3A_102 : memref<256x2048xf32, #tpu.memory_space<vmem>>) target_semaphore(%dma_start3A_98 : memref<!tpu.dma_semaphore, #tpu.memory_space<semaphore_mem>>)
      %dma_start3A_106 = arith.constant 0 : i32
      %dma_start3A_107 = arith.constant 0 : i32
      %dma_start3A_108 = arith.constant 2 : i32
      %dma_start3A_109 = tpu.memref_slice %arg7[%dma_start3A_107, %dma_start3A_108] : memref<3x4x!tpu.dma_semaphore, #tpu.memory_space<semaphore_mem>> -> memref<1x1x!tpu.dma_semaphore, #tpu.memory_space<semaphore_mem>>
      %dma_start3A_110 = tpu.memref_squeeze %dma_start3A_109 : memref<1x1x!tpu.dma_semaphore, #tpu.memory_space<semaphore_mem>> -> memref<!tpu.dma_semaphore, #tpu.memory_space<semaphore_mem>>
      %dma_start3A_111 = arith.constant 512 : i32
      %dma_start3A_112 = arith.constant 0 : i32
      %dma_start3A_113 = tpu.memref_slice %arg6[%dma_start3A_106, %dma_start3A_111, %dma_start3A_112] : memref<3x1024x2048xf32, #tpu.memory_space<vmem>> -> memref<1x256x2048xf32, #tpu.memory_space<vmem>>
      %dma_start3A_114 = tpu.memref_squeeze %dma_start3A_113 : memref<1x256x2048xf32, #tpu.memory_space<vmem>> -> memref<256x2048xf32, #tpu.memory_space<vmem>>
      %dma_start3A_115 = arith.constant 8704 : i32
      %dma_start3A_116 = arith.constant 0 : i32
      %dma_start3A_117 = tpu.memref_slice %arg1[%dma_start3A_115, %dma_start3A_116] : memref<16384x2048xf32, #tpu.memory_space<any>> -> memref<256x2048xf32, #tpu.memory_space<any>>
      tpu.enqueue_dma source(%dma_start3A_117 : memref<256x2048xf32, #tpu.memory_space<any>>) target(%dma_start3A_114 : memref<256x2048xf32, #tpu.memory_space<vmem>>) target_semaphore(%dma_start3A_110 : memref<!tpu.dma_semaphore, #tpu.memory_space<semaphore_mem>>)
      %dma_start3A_118 = arith.constant 0 : i32
      %dma_start3A_119 = arith.constant 0 : i32
      %dma_start3A_120 = arith.constant 3 : i32
      %dma_start3A_121 = tpu.memref_slice %arg7[%dma_start3A_119, %dma_start3A_120] : memref<3x4x!tpu.dma_semaphore, #tpu.memory_space<semaphore_mem>> -> memref<1x1x!tpu.dma_semaphore, #tpu.memory_space<semaphore_mem>>
      %dma_start3A_122 = tpu.memref_squeeze %dma_start3A_121 : memref<1x1x!tpu.dma_semaphore, #tpu.memory_space<semaphore_mem>> -> memref<!tpu.dma_semaphore, #tpu.memory_space<semaphore_mem>>
      %dma_start3A_123 = arith.constant 768 : i32
      %dma_start3A_124 = arith.constant 0 : i32
      %dma_start3A_125 = tpu.memref_slice %arg6[%dma_start3A_118, %dma_start3A_123, %dma_start3A_124] : memref<3x1024x2048xf32, #tpu.memory_space<vmem>> -> memref<1x256x2048xf32, #tpu.memory_space<vmem>>
      %dma_start3A_126 = tpu.memref_squeeze %dma_start3A_125 : memref<1x256x2048xf32, #tpu.memory_space<vmem>> -> memref<256x2048xf32, #tpu.memory_space<vmem>>
      %dma_start3A_127 = arith.constant 8960 : i32
      %dma_start3A_128 = arith.constant 0 : i32
      %dma_start3A_129 = tpu.memref_slice %arg1[%dma_start3A_127, %dma_start3A_128] : memref<16384x2048xf32, #tpu.memory_space<any>> -> memref<256x2048xf32, #tpu.memory_space<any>>
      tpu.enqueue_dma source(%dma_start3A_129 : memref<256x2048xf32, #tpu.memory_space<any>>) target(%dma_start3A_126 : memref<256x2048xf32, #tpu.memory_space<vmem>>) target_semaphore(%dma_start3A_122 : memref<!tpu.dma_semaphore, #tpu.memory_space<semaphore_mem>>)
      %dma_start3A_130 = arith.constant 1 : i32
      %dma_start3A_131 = arith.constant 1 : i32
      %dma_start3A_132 = arith.constant 0 : i32
      %dma_start3A_133 = tpu.memref_slice %arg7[%dma_start3A_131, %dma_start3A_132] : memref<3x4x!tpu.dma_semaphore, #tpu.memory_space<semaphore_mem>> -> memref<1x1x!tpu.dma_semaphore, #tpu.memory_space<semaphore_mem>>
      %dma_start3A_134 = tpu.memref_squeeze %dma_start3A_133 : memref<1x1x!tpu.dma_semaphore, #tpu.memory_space<semaphore_mem>> -> memref<!tpu.dma_semaphore, #tpu.memory_space<semaphore_mem>>
      %dma_start3A_135 = arith.constant 0 : i32
      %dma_start3A_136 = arith.constant 0 : i32
      %dma_start3A_137 = tpu.memref_slice %arg6[%dma_start3A_130, %dma_start3A_135, %dma_start3A_136] : memref<3x1024x2048xf32, #tpu.memory_space<vmem>> -> memref<1x256x2048xf32, #tpu.memory_space<vmem>>
      %dma_start3A_138 = tpu.memref_squeeze %dma_start3A_137 : memref<1x256x2048xf32, #tpu.memory_space<vmem>> -> memref<256x2048xf32, #tpu.memory_space<vmem>>
      %dma_start3A_139 = arith.constant 9216 : i32
      %dma_start3A_140 = arith.constant 0 : i32
      %dma_start3A_141 = tpu.memref_slice %arg1[%dma_start3A_139, %dma_start3A_140] : memref<16384x2048xf32, #tpu.memory_space<any>> -> memref<256x2048xf32, #tpu.memory_space<any>>
      tpu.enqueue_dma source(%dma_start3A_141 : memref<256x2048xf32, #tpu.memory_space<any>>) target(%dma_start3A_138 : memref<256x2048xf32, #tpu.memory_space<vmem>>) target_semaphore(%dma_start3A_134 : memref<!tpu.dma_semaphore, #tpu.memory_space<semaphore_mem>>)
      %dma_start3A_142 = arith.constant 1 : i32
      %dma_start3A_143 = arith.constant 1 : i32
      %dma_start3A_144 = arith.constant 1 : i32
      %dma_start3A_145 = tpu.memref_slice %arg7[%dma_start3A_143, %dma_start3A_144] : memref<3x4x!tpu.dma_semaphore, #tpu.memory_space<semaphore_mem>> -> memref<1x1x!tpu.dma_semaphore, #tpu.memory_space<semaphore_mem>>
      %dma_start3A_146 = tpu.memref_squeeze %dma_start3A_145 : memref<1x1x!tpu.dma_semaphore, #tpu.memory_space<semaphore_mem>> -> memref<!tpu.dma_semaphore, #tpu.memory_space<semaphore_mem>>
      %dma_start3A_147 = arith.constant 256 : i32
      %dma_start3A_148 = arith.constant 0 : i32
      %dma_start3A_149 = tpu.memref_slice %arg6[%dma_start3A_142, %dma_start3A_147, %dma_start3A_148] : memref<3x1024x2048xf32, #tpu.memory_space<vmem>> -> memref<1x256x2048xf32, #tpu.memory_space<vmem>>
      %dma_start3A_150 = tpu.memref_squeeze %dma_start3A_149 : memref<1x256x2048xf32, #tpu.memory_space<vmem>> -> memref<256x2048xf32, #tpu.memory_space<vmem>>
      %dma_start3A_151 = arith.constant 9472 : i32
      %dma_start3A_152 = arith.constant 0 : i32
      %dma_start3A_153 = tpu.memref_slice %arg1[%dma_start3A_151, %dma_start3A_152] : memref<16384x2048xf32, #tpu.memory_space<any>> -> memref<256x2048xf32, #tpu.memory_space<any>>
      tpu.enqueue_dma source(%dma_start3A_153 : memref<256x2048xf32, #tpu.memory_space<any>>) target(%dma_start3A_150 : memref<256x2048xf32, #tpu.memory_space<vmem>>) target_semaphore(%dma_start3A_146 : memref<!tpu.dma_semaphore, #tpu.memory_space<semaphore_mem>>)
      %dma_start3A_154 = arith.constant 1 : i32
      %dma_start3A_155 = arith.constant 1 : i32
      %dma_start3A_156 = arith.constant 2 : i32
      %dma_start3A_157 = tpu.memref_slice %arg7[%dma_start3A_155, %dma_start3A_156] : memref<3x4x!tpu.dma_semaphore, #tpu.memory_space<semaphore_mem>> -> memref<1x1x!tpu.dma_semaphore, #tpu.memory_space<semaphore_mem>>
      %dma_start3A_158 = tpu.memref_squeeze %dma_start3A_157 : memref<1x1x!tpu.dma_semaphore, #tpu.memory_space<semaphore_mem>> -> memref<!tpu.dma_semaphore, #tpu.memory_space<semaphore_mem>>
      %dma_start3A_159 = arith.constant 512 : i32
      %dma_start3A_160 = arith.constant 0 : i32
      %dma_start3A_161 = tpu.memref_slice %arg6[%dma_start3A_154, %dma_start3A_159, %dma_start3A_160] : memref<3x1024x2048xf32, #tpu.memory_space<vmem>> -> memref<1x256x2048xf32, #tpu.memory_space<vmem>>
      %dma_start3A_162 = tpu.memref_squeeze %dma_start3A_161 : memref<1x256x2048xf32, #tpu.memory_space<vmem>> -> memref<256x2048xf32, #tpu.memory_space<vmem>>
      %dma_start3A_163 = arith.constant 9728 : i32
      %dma_start3A_164 = arith.constant 0 : i32
      %dma_start3A_165 = tpu.memref_slice %arg1[%dma_start3A_163, %dma_start3A_164] : memref<16384x2048xf32, #tpu.memory_space<any>> -> memref<256x2048xf32, #tpu.memory_space<any>>
      tpu.enqueue_dma source(%dma_start3A_165 : memref<256x2048xf32, #tpu.memory_space<any>>) target(%dma_start3A_162 : memref<256x2048xf32, #tpu.memory_space<vmem>>) target_semaphore(%dma_start3A_158 : memref<!tpu.dma_semaphore, #tpu.memory_space<semaphore_mem>>)
      %dma_start3A_166 = arith.constant 1 : i32
      %dma_start3A_167 = arith.constant 1 : i32
      %dma_start3A_168 = arith.constant 3 : i32
      %dma_start3A_169 = tpu.memref_slice %arg7[%dma_start3A_167, %dma_start3A_168] : memref<3x4x!tpu.dma_semaphore, #tpu.memory_space<semaphore_mem>> -> memref<1x1x!tpu.dma_semaphore, #tpu.memory_space<semaphore_mem>>
      %dma_start3A_170 = tpu.memref_squeeze %dma_start3A_169 : memref<1x1x!tpu.dma_semaphore, #tpu.memory_space<semaphore_mem>> -> memref<!tpu.dma_semaphore, #tpu.memory_space<semaphore_mem>>
      %dma_start3A_171 = arith.constant 768 : i32
      %dma_start3A_172 = arith.constant 0 : i32
      %dma_start3A_173 = tpu.memref_slice %arg6[%dma_start3A_166, %dma_start3A_171, %dma_start3A_172] : memref<3x1024x2048xf32, #tpu.memory_space<vmem>> -> memref<1x256x2048xf32, #tpu.memory_space<vmem>>
      %dma_start3A_174 = tpu.memref_squeeze %dma_start3A_173 : memref<1x256x2048xf32, #tpu.memory_space<vmem>> -> memref<256x2048xf32, #tpu.memory_space<vmem>>
      %dma_start3A_175 = arith.constant 9984 : i32
      %dma_start3A_176 = arith.constant 0 : i32
      %dma_start3A_177 = tpu.memref_slice %arg1[%dma_start3A_175, %dma_start3A_176] : memref<16384x2048xf32, #tpu.memory_space<any>> -> memref<256x2048xf32, #tpu.memory_space<any>>
      tpu.enqueue_dma source(%dma_start3A_177 : memref<256x2048xf32, #tpu.memory_space<any>>) target(%dma_start3A_174 : memref<256x2048xf32, #tpu.memory_space<vmem>>) target_semaphore(%dma_start3A_170 : memref<!tpu.dma_semaphore, #tpu.memory_space<semaphore_mem>>)
    } else {
    }
    %add3A = arith.constant 3 : i32
    %add3A_2 = arith.addi %arg0, %add3A : i32
    %sub3A = arith.constant 1 : i32
    %sub3A_3 = arith.subi %add3A_2, %sub3A : i32
    %lt3A = arith.constant 8 : i32
    %lt3A_4 = arith.cmpi slt, %sub3A_3, %lt3A : i32
    %convert_element_type3A_5 = arith.extui %lt3A_4 : i1 to i32
    %cond3A_6 = arith.constant 0 : i32
    %cond3A_7 = arith.cmpi ne, %convert_element_type3A_5, %cond3A_6 : i32
    scf.if %cond3A_7 {
      %add3A_83 = arith.constant 3 : i32
      %add3A_84 = arith.addi %arg0, %add3A_83 : i32
      %sub3A_85 = arith.constant 1 : i32
      %sub3A_86 = arith.subi %add3A_84, %sub3A_85 : i32
      %add3A_87 = arith.constant 3 : i32
      %add3A_88 = arith.addi %arg0, %add3A_87 : i32
      %sub3A_89 = arith.constant 1 : i32
      %sub3A_90 = arith.subi %add3A_88, %sub3A_89 : i32
      %jit3A_91 = arith.constant 3 : i32
      %eq3A_92 = arith.constant 0 : i32
      %eq3A_93 = arith.cmpi eq, %jit3A_91, %eq3A_92 : i32
      %jit3A_94 = arith.constant 1 : i32
      %select_n3A_95 = arith.select %eq3A_93, %jit3A_94, %jit3A_91 : i32
      %rem3A_96 = arith.remsi %sub3A_90, %select_n3A_95 : i32
      %ne3A_97 = arith.constant 0 : i32
      %ne3A_98 = arith.cmpi ne, %rem3A_96, %ne3A_97 : i32
      %lt3A_99 = arith.constant 0 : i32
      %lt3A_100 = arith.cmpi slt, %rem3A_96, %lt3A_99 : i32
      %lt3A_101 = arith.constant 0 : i32
      %lt3A_102 = arith.cmpi slt, %select_n3A_95, %lt3A_101 : i32
      %ne3A_103 = arith.xori %lt3A_100, %lt3A_102 : i1
      %and3A_104 = arith.andi %ne3A_103, %ne3A_98 : i1
      %add3A_105 = arith.addi %rem3A_96, %select_n3A_95 : i32
      %select_n3A_106 = arith.select %and3A_104, %add3A_105, %rem3A_96 : i32
      %add3A_107 = arith.constant 8 : i32
      %add3A_108 = arith.addi %add3A_107, %sub3A_86 : i32
      %mul3A_109 = arith.constant 1024 : i32
      %mul3A_110 = arith.muli %add3A_108, %mul3A_109 : i32
      %add3A_111 = arith.constant 0 : i32
      %add3A_112 = arith.addi %mul3A_110, %add3A_111 : i32
      %dma_start3A = arith.constant 0 : i32
      %dma_start3A_113 = tpu.memref_slice %arg7[%select_n3A_106, %dma_start3A] : memref<3x4x!tpu.dma_semaphore, #tpu.memory_space<semaphore_mem>> -> memref<1x1x!tpu.dma_semaphore, #tpu.memory_space<semaphore_mem>>
      %dma_start3A_114 = tpu.memref_squeeze %dma_start3A_113 : memref<1x1x!tpu.dma_semaphore, #tpu.memory_space<semaphore_mem>> -> memref<!tpu.dma_semaphore, #tpu.memory_space<semaphore_mem>>
      %dma_start3A_115 = arith.constant 0 : i32
      %dma_start3A_116 = arith.constant 0 : i32
      %dma_start3A_117 = tpu.memref_slice %arg6[%select_n3A_106, %dma_start3A_115, %dma_start3A_116] : memref<3x1024x2048xf32, #tpu.memory_space<vmem>> -> memref<1x256x2048xf32, #tpu.memory_space<vmem>>
      %dma_start3A_118 = tpu.memref_squeeze %dma_start3A_117 : memref<1x256x2048xf32, #tpu.memory_space<vmem>> -> memref<256x2048xf32, #tpu.memory_space<vmem>>
      %dma_start3A_119 = arith.constant 0 : i32
      %dma_start3A_120 = tpu.memref_slice %arg1[%add3A_112, %dma_start3A_119] : memref<16384x2048xf32, #tpu.memory_space<any>> -> memref<256x2048xf32, #tpu.memory_space<any>>
      tpu.enqueue_dma source(%dma_start3A_120 : memref<256x2048xf32, #tpu.memory_space<any>>) target(%dma_start3A_118 : memref<256x2048xf32, #tpu.memory_space<vmem>>) target_semaphore(%dma_start3A_114 : memref<!tpu.dma_semaphore, #tpu.memory_space<semaphore_mem>>)
      %add3A_121 = arith.constant 8 : i32
      %add3A_122 = arith.addi %add3A_121, %sub3A_86 : i32
      %mul3A_123 = arith.constant 1024 : i32
      %mul3A_124 = arith.muli %add3A_122, %mul3A_123 : i32
      %add3A_125 = arith.constant 256 : i32
      %add3A_126 = arith.addi %mul3A_124, %add3A_125 : i32
      %dma_start3A_127 = arith.constant 1 : i32
      %dma_start3A_128 = tpu.memref_slice %arg7[%select_n3A_106, %dma_start3A_127] : memref<3x4x!tpu.dma_semaphore, #tpu.memory_space<semaphore_mem>> -> memref<1x1x!tpu.dma_semaphore, #tpu.memory_space<semaphore_mem>>
      %dma_start3A_129 = tpu.memref_squeeze %dma_start3A_128 : memref<1x1x!tpu.dma_semaphore, #tpu.memory_space<semaphore_mem>> -> memref<!tpu.dma_semaphore, #tpu.memory_space<semaphore_mem>>
      %dma_start3A_130 = arith.constant 256 : i32
      %dma_start3A_131 = arith.constant 0 : i32
      %dma_start3A_132 = tpu.memref_slice %arg6[%select_n3A_106, %dma_start3A_130, %dma_start3A_131] : memref<3x1024x2048xf32, #tpu.memory_space<vmem>> -> memref<1x256x2048xf32, #tpu.memory_space<vmem>>
      %dma_start3A_133 = tpu.memref_squeeze %dma_start3A_132 : memref<1x256x2048xf32, #tpu.memory_space<vmem>> -> memref<256x2048xf32, #tpu.memory_space<vmem>>
      %dma_start3A_134 = arith.constant 0 : i32
      %dma_start3A_135 = tpu.memref_slice %arg1[%add3A_126, %dma_start3A_134] : memref<16384x2048xf32, #tpu.memory_space<any>> -> memref<256x2048xf32, #tpu.memory_space<any>>
      tpu.enqueue_dma source(%dma_start3A_135 : memref<256x2048xf32, #tpu.memory_space<any>>) target(%dma_start3A_133 : memref<256x2048xf32, #tpu.memory_space<vmem>>) target_semaphore(%dma_start3A_129 : memref<!tpu.dma_semaphore, #tpu.memory_space<semaphore_mem>>)
      %add3A_136 = arith.constant 8 : i32
      %add3A_137 = arith.addi %add3A_136, %sub3A_86 : i32
      %mul3A_138 = arith.constant 1024 : i32
      %mul3A_139 = arith.muli %add3A_137, %mul3A_138 : i32
      %add3A_140 = arith.constant 512 : i32
      %add3A_141 = arith.addi %mul3A_139, %add3A_140 : i32
      %dma_start3A_142 = arith.constant 2 : i32
      %dma_start3A_143 = tpu.memref_slice %arg7[%select_n3A_106, %dma_start3A_142] : memref<3x4x!tpu.dma_semaphore, #tpu.memory_space<semaphore_mem>> -> memref<1x1x!tpu.dma_semaphore, #tpu.memory_space<semaphore_mem>>
      %dma_start3A_144 = tpu.memref_squeeze %dma_start3A_143 : memref<1x1x!tpu.dma_semaphore, #tpu.memory_space<semaphore_mem>> -> memref<!tpu.dma_semaphore, #tpu.memory_space<semaphore_mem>>
      %dma_start3A_145 = arith.constant 512 : i32
      %dma_start3A_146 = arith.constant 0 : i32
      %dma_start3A_147 = tpu.memref_slice %arg6[%select_n3A_106, %dma_start3A_145, %dma_start3A_146] : memref<3x1024x2048xf32, #tpu.memory_space<vmem>> -> memref<1x256x2048xf32, #tpu.memory_space<vmem>>
      %dma_start3A_148 = tpu.memref_squeeze %dma_start3A_147 : memref<1x256x2048xf32, #tpu.memory_space<vmem>> -> memref<256x2048xf32, #tpu.memory_space<vmem>>
      %dma_start3A_149 = arith.constant 0 : i32
      %dma_start3A_150 = tpu.memref_slice %arg1[%add3A_141, %dma_start3A_149] : memref<16384x2048xf32, #tpu.memory_space<any>> -> memref<256x2048xf32, #tpu.memory_space<any>>
      tpu.enqueue_dma source(%dma_start3A_150 : memref<256x2048xf32, #tpu.memory_space<any>>) target(%dma_start3A_148 : memref<256x2048xf32, #tpu.memory_space<vmem>>) target_semaphore(%dma_start3A_144 : memref<!tpu.dma_semaphore, #tpu.memory_space<semaphore_mem>>)
      %add3A_151 = arith.constant 8 : i32
      %add3A_152 = arith.addi %add3A_151, %sub3A_86 : i32
      %mul3A_153 = arith.constant 1024 : i32
      %mul3A_154 = arith.muli %add3A_152, %mul3A_153 : i32
      %add3A_155 = arith.constant 768 : i32
      %add3A_156 = arith.addi %mul3A_154, %add3A_155 : i32
      %dma_start3A_157 = arith.constant 3 : i32
      %dma_start3A_158 = tpu.memref_slice %arg7[%select_n3A_106, %dma_start3A_157] : memref<3x4x!tpu.dma_semaphore, #tpu.memory_space<semaphore_mem>> -> memref<1x1x!tpu.dma_semaphore, #tpu.memory_space<semaphore_mem>>
      %dma_start3A_159 = tpu.memref_squeeze %dma_start3A_158 : memref<1x1x!tpu.dma_semaphore, #tpu.memory_space<semaphore_mem>> -> memref<!tpu.dma_semaphore, #tpu.memory_space<semaphore_mem>>
      %dma_start3A_160 = arith.constant 768 : i32
      %dma_start3A_161 = arith.constant 0 : i32
      %dma_start3A_162 = tpu.memref_slice %arg6[%select_n3A_106, %dma_start3A_160, %dma_start3A_161] : memref<3x1024x2048xf32, #tpu.memory_space<vmem>> -> memref<1x256x2048xf32, #tpu.memory_space<vmem>>
      %dma_start3A_163 = tpu.memref_squeeze %dma_start3A_162 : memref<1x256x2048xf32, #tpu.memory_space<vmem>> -> memref<256x2048xf32, #tpu.memory_space<vmem>>
      %dma_start3A_164 = arith.constant 0 : i32
      %dma_start3A_165 = tpu.memref_slice %arg1[%add3A_156, %dma_start3A_164] : memref<16384x2048xf32, #tpu.memory_space<any>> -> memref<256x2048xf32, #tpu.memory_space<any>>
      tpu.enqueue_dma source(%dma_start3A_165 : memref<256x2048xf32, #tpu.memory_space<any>>) target(%dma_start3A_163 : memref<256x2048xf32, #tpu.memory_space<vmem>>) target_semaphore(%dma_start3A_159 : memref<!tpu.dma_semaphore, #tpu.memory_space<semaphore_mem>>)
    } else {
    }
    %jit3A = arith.constant 3 : i32
    %eq3A_8 = arith.constant 0 : i32
    %eq3A_9 = arith.cmpi eq, %jit3A, %eq3A_8 : i32
    %jit3A_10 = arith.constant 1 : i32
    %select_n3A = arith.select %eq3A_9, %jit3A_10, %jit3A : i32
    %rem3A = arith.remsi %arg0, %select_n3A : i32
    %ne3A = arith.constant 0 : i32
    %ne3A_11 = arith.cmpi ne, %rem3A, %ne3A : i32
    %lt3A_12 = arith.constant 0 : i32
    %lt3A_13 = arith.cmpi slt, %rem3A, %lt3A_12 : i32
    %lt3A_14 = arith.constant 0 : i32
    %lt3A_15 = arith.cmpi slt, %select_n3A, %lt3A_14 : i32
    %ne3A_16 = arith.xori %lt3A_13, %lt3A_15 : i1
    %and3A = arith.andi %ne3A_16, %ne3A_11 : i1
    %add3A_17 = arith.addi %rem3A, %select_n3A : i32
    %select_n3A_18 = arith.select %and3A, %add3A_17, %rem3A : i32
    %dma_wait3A = arith.constant 0 : i32
    %dma_wait3A_19 = tpu.memref_slice %arg7[%select_n3A_18, %dma_wait3A] : memref<3x4x!tpu.dma_semaphore, #tpu.memory_space<semaphore_mem>> -> memref<1x1x!tpu.dma_semaphore, #tpu.memory_space<semaphore_mem>>
    %dma_wait3A_20 = tpu.memref_squeeze %dma_wait3A_19 : memref<1x1x!tpu.dma_semaphore, #tpu.memory_space<semaphore_mem>> -> memref<!tpu.dma_semaphore, #tpu.memory_space<semaphore_mem>>
    %dma_wait3A_21 = arith.constant 0 : i32
    %dma_wait3A_22 = arith.constant 0 : i32
    %dma_wait3A_23 = tpu.memref_slice %arg6[%select_n3A_18, %dma_wait3A_21, %dma_wait3A_22] : memref<3x1024x2048xf32, #tpu.memory_space<vmem>> -> memref<1x256x2048xf32, #tpu.memory_space<vmem>>
    %dma_wait3A_24 = tpu.memref_squeeze %dma_wait3A_23 : memref<1x256x2048xf32, #tpu.memory_space<vmem>> -> memref<256x2048xf32, #tpu.memory_space<vmem>>
    %dma_wait3A_25 = arith.constant 0 : i32
    %dma_wait3A_26 = arith.constant 0 : i32
    %dma_wait3A_27 = tpu.memref_slice %arg1[%dma_wait3A_25, %dma_wait3A_26] : memref<16384x2048xf32, #tpu.memory_space<any>> -> memref<256x2048xf32, #tpu.memory_space<any>>
    tpu.wait_dma2 semaphore(%dma_wait3A_20 : memref<!tpu.dma_semaphore, #tpu.memory_space<semaphore_mem>>) src(%dma_wait3A_27 : memref<256x2048xf32, #tpu.memory_space<any>>) dst(%dma_wait3A_24 : memref<256x2048xf32, #tpu.memory_space<vmem>>)
    %dma_wait3A_28 = arith.constant 1 : i32
    %dma_wait3A_29 = tpu.memref_slice %arg7[%select_n3A_18, %dma_wait3A_28] : memref<3x4x!tpu.dma_semaphore, #tpu.memory_space<semaphore_mem>> -> memref<1x1x!tpu.dma_semaphore, #tpu.memory_space<semaphore_mem>>
    %dma_wait3A_30 = tpu.memref_squeeze %dma_wait3A_29 : memref<1x1x!tpu.dma_semaphore, #tpu.memory_space<semaphore_mem>> -> memref<!tpu.dma_semaphore, #tpu.memory_space<semaphore_mem>>
    %dma_wait3A_31 = arith.constant 0 : i32
    %dma_wait3A_32 = arith.constant 0 : i32
    %dma_wait3A_33 = tpu.memref_slice %arg6[%select_n3A_18, %dma_wait3A_31, %dma_wait3A_32] : memref<3x1024x2048xf32, #tpu.memory_space<vmem>> -> memref<1x256x2048xf32, #tpu.memory_space<vmem>>
    %dma_wait3A_34 = tpu.memref_squeeze %dma_wait3A_33 : memref<1x256x2048xf32, #tpu.memory_space<vmem>> -> memref<256x2048xf32, #tpu.memory_space<vmem>>
    %dma_wait3A_35 = arith.constant 0 : i32
    %dma_wait3A_36 = arith.constant 0 : i32
    %dma_wait3A_37 = tpu.memref_slice %arg1[%dma_wait3A_35, %dma_wait3A_36] : memref<16384x2048xf32, #tpu.memory_space<any>> -> memref<256x2048xf32, #tpu.memory_space<any>>
    tpu.wait_dma2 semaphore(%dma_wait3A_30 : memref<!tpu.dma_semaphore, #tpu.memory_space<semaphore_mem>>) src(%dma_wait3A_37 : memref<256x2048xf32, #tpu.memory_space<any>>) dst(%dma_wait3A_34 : memref<256x2048xf32, #tpu.memory_space<vmem>>)
    %dma_wait3A_38 = arith.constant 2 : i32
    %dma_wait3A_39 = tpu.memref_slice %arg7[%select_n3A_18, %dma_wait3A_38] : memref<3x4x!tpu.dma_semaphore, #tpu.memory_space<semaphore_mem>> -> memref<1x1x!tpu.dma_semaphore, #tpu.memory_space<semaphore_mem>>
    %dma_wait3A_40 = tpu.memref_squeeze %dma_wait3A_39 : memref<1x1x!tpu.dma_semaphore, #tpu.memory_space<semaphore_mem>> -> memref<!tpu.dma_semaphore, #tpu.memory_space<semaphore_mem>>
    %dma_wait3A_41 = arith.constant 0 : i32
    %dma_wait3A_42 = arith.constant 0 : i32
    %dma_wait3A_43 = tpu.memref_slice %arg6[%select_n3A_18, %dma_wait3A_41, %dma_wait3A_42] : memref<3x1024x2048xf32, #tpu.memory_space<vmem>> -> memref<1x256x2048xf32, #tpu.memory_space<vmem>>
    %dma_wait3A_44 = tpu.memref_squeeze %dma_wait3A_43 : memref<1x256x2048xf32, #tpu.memory_space<vmem>> -> memref<256x2048xf32, #tpu.memory_space<vmem>>
    %dma_wait3A_45 = arith.constant 0 : i32
    %dma_wait3A_46 = arith.constant 0 : i32
    %dma_wait3A_47 = tpu.memref_slice %arg1[%dma_wait3A_45, %dma_wait3A_46] : memref<16384x2048xf32, #tpu.memory_space<any>> -> memref<256x2048xf32, #tpu.memory_space<any>>
    tpu.wait_dma2 semaphore(%dma_wait3A_40 : memref<!tpu.dma_semaphore, #tpu.memory_space<semaphore_mem>>) src(%dma_wait3A_47 : memref<256x2048xf32, #tpu.memory_space<any>>) dst(%dma_wait3A_44 : memref<256x2048xf32, #tpu.memory_space<vmem>>)
    %dma_wait3A_48 = arith.constant 3 : i32
    %dma_wait3A_49 = tpu.memref_slice %arg7[%select_n3A_18, %dma_wait3A_48] : memref<3x4x!tpu.dma_semaphore, #tpu.memory_space<semaphore_mem>> -> memref<1x1x!tpu.dma_semaphore, #tpu.memory_space<semaphore_mem>>
    %dma_wait3A_50 = tpu.memref_squeeze %dma_wait3A_49 : memref<1x1x!tpu.dma_semaphore, #tpu.memory_space<semaphore_mem>> -> memref<!tpu.dma_semaphore, #tpu.memory_space<semaphore_mem>>
    %dma_wait3A_51 = arith.constant 0 : i32
    %dma_wait3A_52 = arith.constant 0 : i32
    %dma_wait3A_53 = tpu.memref_slice %arg6[%select_n3A_18, %dma_wait3A_51, %dma_wait3A_52] : memref<3x1024x2048xf32, #tpu.memory_space<vmem>> -> memref<1x256x2048xf32, #tpu.memory_space<vmem>>
    %dma_wait3A_54 = tpu.memref_squeeze %dma_wait3A_53 : memref<1x256x2048xf32, #tpu.memory_space<vmem>> -> memref<256x2048xf32, #tpu.memory_space<vmem>>
    %dma_wait3A_55 = arith.constant 0 : i32
    %dma_wait3A_56 = arith.constant 0 : i32
    %dma_wait3A_57 = tpu.memref_slice %arg1[%dma_wait3A_55, %dma_wait3A_56] : memref<16384x2048xf32, #tpu.memory_space<any>> -> memref<256x2048xf32, #tpu.memory_space<any>>
    tpu.wait_dma2 semaphore(%dma_wait3A_50 : memref<!tpu.dma_semaphore, #tpu.memory_space<semaphore_mem>>) src(%dma_wait3A_57 : memref<256x2048xf32, #tpu.memory_space<any>>) dst(%dma_wait3A_54 : memref<256x2048xf32, #tpu.memory_space<vmem>>)
    %get3A = arith.index_cast %select_n3A_18 : i32 to index
    %get3A_58 = arith.constant 0 : index
    %get3A_59 = arith.constant 0 : index
    %get3A_60 = vector.load %arg6[%get3A, %get3A_58, %get3A_59] : memref<3x1024x2048xf32, #tpu.memory_space<vmem>>, vector<1x1024x2048xf32>
    %get3A_61 = vector.shape_cast %get3A_60 : vector<1x1024x2048xf32> to vector<1024x2048xf32>
    %get3A_62 = arith.constant 0 : index
    %get3A_63 = arith.constant 0 : index
    %get3A_64 = vector.load %arg2[%get3A_62, %get3A_63] : memref<2048x32xf32, #tpu.memory_space<vmem>>, vector<2048x32xf32>
    %dot_general3A = arith.constant dense<0.000000e+00> : vector<1024x32xf32>
    %dot_general3A_65 = tpu.matmul %get3A_61, %get3A_64, %dot_general3A {dimension_numbers = #tpu.dot_dimension_numbers<[1], [0], [0], [1], [0, 0, 1, 1], [], []>, transpose_lhs_hint = false} : vector<1024x2048xf32>, vector<2048x32xf32>, vector<1024x32xf32> -> vector<1024x32xf32>
    %get3A_66 = arith.constant 0 : index
    %get3A_67 = arith.constant 0 : index
    %get3A_68 = vector.load %arg3[%get3A_66, %get3A_67] : memref<1x32xf32, #tpu.memory_space<vmem>>, vector<1x32xf32>
    %add3A_69 = vector.broadcast %get3A_68 : vector<1x32xf32> to vector<1024x32xf32>
    %add3A_70 = arith.addf %dot_general3A_65, %add3A_69 : vector<1024x32xf32>
    %slice3A = vector.extract_strided_slice %add3A_70 {offsets = [0, 0], sizes = [1024, 16], strides = [1, 1]} : vector<1024x32xf32> to vector<1024x16xf32>
    %slice3A_71 = vector.extract_strided_slice %add3A_70 {offsets = [0, 16], sizes = [1024, 16], strides = [1, 1]} : vector<1024x32xf32> to vector<1024x16xf32>
    %max3A = arith.constant 0.000000e+00 : f32
    %max3A_72 = vector.broadcast %max3A : f32 to vector<1024x16xf32>
    %max3A_73 = arith.maximumf %slice3A_71, %max3A_72 : vector<1024x16xf32>
    %abs3A = math.absf %slice3A_71 : vector<1024x16xf32>
    %neg3A = arith.constant 0.000000e+00 : f32
    %neg3A_74 = vector.broadcast %neg3A : f32 to vector<1024x16xf32>
    %neg3A_75 = arith.subf %neg3A_74, %abs3A : vector<1024x16xf32>
    %exp3A = math.exp %neg3A_75 : vector<1024x16xf32>
    %log1p3A = math.log1p %exp3A : vector<1024x16xf32>
    %add3A_76 = arith.addf %max3A_73, %log1p3A : vector<1024x16xf32>
    %get3A_77 = arith.constant 0 : index
    %get3A_78 = arith.constant 0 : index
    %get3A_79 = vector.load %arg4[%get3A_77, %get3A_78] : memref<1024x16xf32, #tpu.memory_space<vmem>>, vector<1024x16xf32>
    %mul3A = arith.mulf %get3A_79, %add3A_76 : vector<1024x16xf32>
    %add3A_80 = arith.addf %slice3A, %mul3A : vector<1024x16xf32>
    %swap3A = arith.constant 0 : index
    %swap3A_81 = arith.constant 0 : index
    %swap3A_82 = vector.load %arg5[%swap3A, %swap3A_81] : memref<1024x16xf32, #tpu.memory_space<vmem>>, vector<1024x16xf32>
    tpu.vector_store %arg5[%swap3A, %swap3A_81], %add3A_80 {strides = array<i32>} : memref<1024x16xf32, #tpu.memory_space<vmem>>, vector<1024x16xf32>,
    return
  }
  func.func @transform_1(%arg0: i32) -> (i32, i32) {
    %c0_i32 = arith.constant 0 : i32
    %c0_i32_0 = arith.constant 0 : i32
    %c0_i32_1 = arith.constant 0 : i32
    return %c0_i32, %c0_i32_0 : i32, i32
  }
  func.func @transform_2(%arg0: i32) -> (i32, i32) {
    %c0_i32 = arith.constant 0 : i32
    %c0_i32_0 = arith.constant 0 : i32
    %c0_i32_1 = arith.constant 0 : i32
    return %c0_i32, %c0_i32_0 : i32, i32
  }
  func.func @transform_3(%arg0: i32) -> (i32, i32) {
    %add3A = arith.constant 8 : i32
    %add3A_0 = arith.addi %add3A, %arg0 : i32
    %c0_i32 = arith.constant 0 : i32
    %c0_i32_1 = arith.constant 0 : i32
    return %add3A_0, %c0_i32 : i32, i32
  }
  func.func @transform_4(%arg0: i32) -> (i32, i32) {
    %c0_i32 = arith.constant 0 : i32
    %c0_i32_0 = arith.constant 0 : i32
    return %arg0, %c0_i32 : i32, i32
  }
}

</mosaic_0001>

<sc_bundles>
// kernel: kernel.6.cloned.1.call-start
scs
__scs_entry_jumppad:
0x0: {  	(pc) =	sbr.rel $0x88, $3  }
0x1: {  	(tag) =	ssettag $0x0;
	lr =	simm.s32 $0x1  }
0x2: {  	[smem:$0x3F9C] =	sst lr;
	_ =	strace $0xD0000000  }
0x3: {  	_ = 	snop  }
0x4: {  	_ = 	snop  }
0x5: {  	_ = 	snop  }
0x6: {  	_ = 	snop  }
0x7: {  	_ = 	snop  }
__scs_overlays_trampoline_lowered:
0x8: {  	[smem:$0x3FAB] =	sst s0  }
0x9: {  	[smem:$0x3FAC] =	sst s1  }
0xa: {  	[smem:$0x3FAD] =	sst s2  }
0xb: {  	[smem:$0x3FAE] =	sst s3  }
0xc: {  	[smem:$0x3FAF] =	sst s4  }
0xd: {  	[smem:$0x3FB0] =	sst s5  }
0xe: {  	[smem:$0x3FB1] =	sst s6  }
0xf: {  	[smem:$0x3FB2] =	sst s7  }
0x10: {  	[smem:$0x3FB3] =	sst s8  }
0x11: {  	[smem:$0x3FB4] =	sst s9;
	s0 =	simm.s32 @!p0 $0x0  }
0x12: {  	s1 =	sld [smem:$0x3F9A];
	s0 =	simm.s32 @p0 $0x1  }
0x13: {  	[smem:$0x3FB5] =	sst s0;
	s0 =	simm.s32 @!p1 $0x0  }
0x14: {  	s2 =	sld [smem:$0x3F99];
	s0 =	simm.s32 @p1 $0x1  }
0x15: {  	[smem:$0x3FB6] =	sst s0;
	s0 =	simm.s32 @!p2 $0x0  }
0x16: {  	s3 =	sld [smem:$0x3FDB];
	s0 =	simm.s32 @p2 $0x1  }
0x17: {  	s4 =	simm.s32 $0x1BF5;
	[smem:$0x3FB8] =	sst s0  }
0x18: {  	s0 =	sld [smem:$0x3F9B];
	_ =	swait.ge [sflag:s4], $0x0  }
0x19: {  	s7 =	sld [smem:$0x3F9C]  }
0x1a: {  	s8 =	sadd.s32 $0xFFFFE003, lr  }
0x1b: {  	s9 =	sadd.s32 $0xFFFFFEF7, lr;
	s5 =	simm.s32 $0xFFFFFFFF;
	p2 =	slt.u32 s8, $0xFFFFF086  }
0x1c: {  	p1 =	slt.u32 s9, $0xF7A;
	s5 =	simm.s32 @!p2 $0x0  }
0x1d: {  	s5 =	simm.s32 @p1 $0x1;
	p0 =	seq.s32 s7, s2  }
0x1e: {  	s7 =	smul.u32 @!p0 $0xF7A, s2;
	p2 =	seq.s32 @!p0 s5, $0x0  }
0x1f: {  	s9 =	smul.u32 $0xF7A, s1;
	s8 =	simm.s32 @!p0 $0x1BF5;
	p2 =	por !p2, p0  }
0x20: {  	[sflag:s8] =	ssyncset.s32 @!p0 $0xFFFFF086;
	s6 =	sadd.s32 @!p0 s3, s7;
	s7 =	simm.s32 @!p0 $0x108  }
0x21: {  	s3 =	sadd.s32 s3, s9;
	s6 =	sadd.s32 @!p0 $0x88, s6;
	s7 =	simm.s32 @p2 $0x1082  }
0x22: {  	[simem:s7], [sflag:s8] =	dma.local @!p0 [hbm:s6], $0xF7A  }
0x23: {  	s9 =	sor.u32 $0xD0000000, s2;
	s6 =	simm.s32 $0x108;
	_ =	swait.ge @!p0 [sflag:s8], $0x0  }
0x24: {  	s3 =	sadd.s32 $0x88, s3;
	s6 =	simm.s32 @!p1 $0x1082;
	[sflag:s4] =	ssyncset.s32 $0xFFFFF086  }
0x25: {  	[simem:s6], [sflag:s4] =	dma.local [hbm:s3], $0xF7A  }
0x26: {  	[smem:$0x3F9C] =	sst s1;
	(tag) =	ssettag s2;
	_ =	strace s9  }
0x27: {  	s1 =	sld [smem:$0x3FAC]  }
0x28: {  	s2 =	sld [smem:$0x3FAD]  }
0x29: {  	s4 =	sld [smem:$0x3FAF]  }
0x2a: {  	p0 =	seq.s32 s5, $0x0;
	s5 =	sld [smem:$0x3FB0]  }
0x2b: {  	s6 =	sld [smem:$0x3FB1]  }
0x2c: {  	s7 =	sld [smem:$0x3FB2]  }
0x2d: {  	s3 =	simm.s32 $0x108;
	s8 =	sld [smem:$0x3FB3]  }
0x2e: {  	s3 =	simm.s32 @!p0 $0x1082;
	s9 =	sld [smem:$0x3FB4]  }
0x2f: {  	lr =	sadd.s32 s0, s3;
	s0 =	sld [smem:$0x3FAB]  }
0x30: {  	s3 =	sld [smem:$0x3FAE]  }
0x31: {  	[smem:$0x3FB7] =	sst s10  }
0x32: {  	s10 =	sld [smem:$0x3FB5];
	_ =	sdelay $0x3  }
0x33: {  	p0 =	seq.s32 s10, $0x1;
	s10 =	sld [smem:$0x3FB7];
	_ =	sdelay $0x3  }
0x34: {  	[smem:$0x3FB7] =	sst s10  }
0x35: {  	s10 =	sld [smem:$0x3FB6];
	_ =	sdelay $0x3  }
0x36: {  	p1 =	seq.s32 s10, $0x1;
	s10 =	sld [smem:$0x3FB7];
	_ =	sdelay $0x3  }
0x37: {  	[smem:$0x3FB7] =	sst s10  }
0x38: {  	s10 =	sld [smem:$0x3FB8]  }
0x39: {  	_ = 	snop;
	(pc) =	sbr.ind lr, $3  }
0x3a: {  	_ = 	snop  }
0x3b: {  	_ = 	snop  }
0x3c: {  	p2 =	seq.s32 s10, $0x1;
	s10 =	sld [smem:$0x3FB7]  }
0x3d: {  	_ =	shalt  }
0x3e: {  	_ =	shalt  }
0x3f: {  	_ =	shalt  }
0x40: {  	_ =	shalt  }
0x41: {  	_ =	shalt  }
0x42: {  	_ =	shalt  }
0x43: {  	_ =	shalt  }
0x44: {  	_ =	shalt  }
0x45: {  	_ =	shalt  }
0x46: {  	_ =	shalt  }
0x47: {  	_ =	shalt  }
0x48: {  	_ =	shalt  }
0x49: {  	_ =	shalt  }
0x4a: {  	_ =	shalt  }
0x4b: {  	_ =	shalt  }
0x4c: {  	_ =	shalt  }
0x4d: {  	_ =	shalt  }
0x4e: {  	_ =	shalt  }
0x4f: {  	_ =	shalt  }
0x50: {  	_ =	shalt  }
0x51: {  	_ =	shalt  }
0x52: {  	_ =	shalt  }
0x53: {  	_ =	shalt  }
0x54: {  	_ =	shalt  }
0x55: {  	_ =	shalt  }
0x56: {  	_ =	shalt  }
0x57: {  	_ =	shalt  }
0x58: {  	_ =	shalt  }
0x59: {  	_ =	shalt  }
0x5a: {  	_ =	shalt  }
0x5b: {  	_ =	shalt  }
0x5c: {  	_ =	shalt  }
0x5d: {  	_ =	shalt  }
0x5e: {  	_ =	shalt  }
0x5f: {  	_ =	shalt  }
0x60: {  	_ =	shalt  }
0x61: {  	_ =	shalt  }
0x62: {  	_ =	shalt  }
0x63: {  	_ =	shalt  }
0x64: {  	_ =	shalt  }
0x65: {  	_ =	shalt  }
0x66: {  	_ =	shalt  }
0x67: {  	_ =	shalt  }
0x68: {  	_ =	shalt  }
0x69: {  	_ =	shalt  }
0x6a: {  	_ =	shalt  }
0x6b: {  	_ =	shalt  }
0x6c: {  	_ =	shalt  }
0x6d: {  	_ =	shalt  }
0x6e: {  	_ =	shalt  }
0x6f: {  	_ =	shalt  }
0x70: {  	_ =	shalt  }
0x71: {  	_ =	shalt  }
0x72: {  	_ =	shalt  }
0x73: {  	_ =	shalt  }
0x74: {  	_ =	shalt  }
0x75: {  	_ =	shalt  }
0x76: {  	_ =	shalt  }
0x77: {  	_ =	shalt  }
0x78: {  	_ =	shalt  }
0x79: {  	_ =	shalt  }
0x7a: {  	_ =	shalt  }
0x7b: {  	_ =	shalt  }
0x7c: {  	_ =	shalt  }
0x7d: {  	_ =	shalt  }
0x7e: {  	_ =	shalt  }
0x7f: {  	_ =	shalt  }
0x80: {  	_ =	shalt  }
0x81: {  	_ =	shalt  }
0x82: {  	_ =	shalt  }
0x83: {  	_ =	shalt  }
0x84: {  	_ =	shalt  }
0x85: {  	_ =	shalt  }
0x86: {  	_ =	shalt  }
0x87: {  	_ =	shalt  }
.Lfunc_end0:
.L_simem_size_0:
called_computation_lowered:
.L_overlay_start_0:
0x88: {  	s2 =	sld [smem:$0x3FD9]  }
0x89: {  	s3 =	sld [smem:$0x3FFE];
	_ =	sdelay $0x1  }
0x8a: {  	s1 =	srdreg.scid  }
0x8b: {  	s0 =	sand.u32 $0x1, s1  }
0x8c: {  	s16 =	sshll.u32 s0, $0xA;
	s2 =	sadd.s32 s3, s2  }
0x8d: {  	s2 =	sadd.s32 s2, s16  }
0x8e: {  	[smem:$0x3FC3] =	sst s2  }
0x8f: {  	_ = 	snop  }
0x90: {  	(tm) =	ssettm $0x1  }
0x91: {  	s17 =	sld [smem:$0x3FFB];
	_ =	sdelay $0x3  }
0x92: {  	_ =	strace s17  }
0x93: {  	s2 =	sld [smem:$0x3FFC];
	_ =	sdelay $0x3  }
0x94: {  	_ =	strace s2  }
0x95: {  	s2 =	sld [smem:$0x3FFD];
	_ =	sdelay $0x3  }
0x96: {  	_ =	strace s2  }
0x97: {  	_ =	strace $0x8FFFFFFF  }
0x98: {  	s18 =	sld [smem:$0x3FDB];
	_ =	sdelay $0x1  }
0x99: {  	s19 =	simm.s32 $_scs_section_size  }
0x9a: {  	s4 =	simm.s32 $_size__tile_overlayer_lowered;
	s5 =	simm.s32 $_tile_overlayer_lowered  }
0x9b: {  	s22 =	simm.s32 $0x1BFF;
	s21 =	sshll.u32 s5, $0x1;
	s2 =	sadd.s32 s19, s18  }
0x9c: {  	s6 =	simm.s32 $0x0;
	s20 =	sshll.u32 s4, $0x1;
	s4 =	sadd.s32 s21, s2  }
0x9d: {  	[timem:s6], [sflag:s22] =	dma.local [hbm:s4], s20  }
0x9e: {  	_ =	swait.ge [sflag:s22], s20  }
0x9f: {  	s3 =	ssub.s32 $0x0, s20;
	[sflag:s22] =	ssyncset.done $0x0  }
0xa0: {  	[sflag:s22] =	ssyncadd.s32 s3;
	_ =	sdelay $0x1  }
0xa1: {  	s23 =	simm.s32 $0x1B8B  }
0xa2: {  	_ =	swait.ge [sflag:s23], $0x1  }
0xa3: {  	[sflag:s23] =	ssyncset.done $0x0  }
0xa4: {  	s25 =	simm.s32 $0x1B8E;
	s24 =	sld [smem:$0x3FFE];
	[sflag:s23] =	ssyncadd.s32 $0xFFFFFFFF  }
0xa5: {  	s26 =	simm.s32 $execute0_lowered;
	[smem:$0x3FD2] =	sst s25  }
0xa6: {  	s4 =	sshll.u32 s26, $0x1;
	_ =	strace $0x80000046;
	[dreg:$0x1] =	wrdreg $0xFFFFFFFF  }
0xa7: {  	s28 =	simm.s32 $_size_execute0_lowered;
	s2 =	sadd.s32 s2, s4;
	[dreg:$0x0] =	wrdreg $0x0  }
0xa8: {  	s4 =	sshll.u32 s28, $0x1;
	[dreg:$0x2] =	wrdreg s2  }
0xa9: {  	[dreg:$0x3] =	wrdreg s4  }
0xaa: {  	[dreg:$0x4] =	wrdreg $0xC0  }
0xab: {  	_ =	task [dreg:s6], $0x5FFFF  }
0xac: {  	[dreg:$0x1] =	wrdreg $0xFFFFFFFF  }
0xad: {  	[dreg:$0x0] =	wrdreg $0x60  }
0xae: {  	[dreg:$0x2] =	wrdreg s24  }
0xaf: {  	[dreg:$0x3] =	wrdreg $0x9  }
0xb0: {  	_ =	task.clear_ibuf [dreg:s6], $0x4FFFF;
	_ =	strace $0x90000046  }
0xb1: {  	s29 =	simm.s32 $0x9;
	_ =	strace $0x80000048  }
0xb2: {  	_ =	swait.ge [sflag:s29], $0x1  }
0xb3: {  	[sflag:s29] =	ssyncadd.s32 $0xFFFFFFFF  }
0xb4: {  	_ =	strace $0x90000048  }
0xb5: {  	_ =	sfence  }
0xb6: {  	s30 =	sld [smem:$0x0];
	_ =	sdelay $0x2  }
0xb7: {  	s31 =	sshll.u32 s1, $0xD;
	s1 =	sshrl.u32 s1, $0x2  }
0xb8: {  	s3 =	sand.u32 $0x4000, s31;
	s1 =	sadd.s32 s1, s30  }
0xb9: {  	s0 =	sor.u32 s3, s0;
	s1 =	sshll.u32 s1, $0x11  }
0xba: {  	s0 =	sor.u32 s1, s0  }
0xbb: {  	s0 =	sadd.s32 $0x8F2B, s0  }
0xbc: {  	[sflag:s0] =	ssyncadd.remote.s32 $0x1  }
0xbd: {  	_ =	sfence.sel $0xFFFF  }
0xbe: {  	[dreg:$0x0] =	wrdreg $0xFFFFFFFF;
	(pc) =	sbr.abs _section_cstart, $3  }
0xbf: {  	[dreg:$0x1] =	wrdreg $0xFFFFFFFF  }
0xc0: {  	_ =	task.clear_ibuf [dreg:s6], $0x2FFFF;
	_ =	strace $0x9FFFFFFF  }
0xc1: {  	(tm) =	ssettm $0x7FFFFFFF  }
tec
execute0_lowered:
.L_overlay_start_1:
0x0: {  	(tag) =	ssettag $0x1  }
0x1: {  	s1 =	srdreg.scid  }
0x2: {  	s0 =	stileid.u32;
	s4 =	rddreg [dreg:$0x0]  }
0x3: {  	s2 =	simm.s32 $0x0;
	s9 =	simm.s32 $0x1000;
	s10 =	simm.s32 $0x2000  }
0x4: {  	s11 =	simm.s32 $0x2800;
	s12 =	simm.s32 $0x0;
	s3 =	sand.u32 $0x1, s1  }
0x5: {  	s5 =	sshll.u32 s0, $0x9;
	s1 =	rddreg [dreg:$0x1];
	s6 =	sshll.u32 s3, $0x8  }
0x6: {  	[smem:$0x7FF] =	sst s2;
	s3 =	ssub.s32 $0x2, s3;
	s5 =	sor.u32 s6, s5  }
0x7: {  	_ =	strace $0x80000047;
	s7 =	sshrl.u32 s3, $0x1;
	s6 =	sshll.u32 s5, $0x1  }
0x8: {  	s8 =	sadd.s32 s5, s4;
	s7 =	ssub.s32 s3, s7;
	s6 =	sadd.s32 s6, s4  }
0x9: {  	s5 =	sadd.s32 $0xBA00, s8;
	s7 =	smax.u32 s7, $0x1;
	s3 =	sadd.s32 $0x1A00, s6  }
0xa: {  	v0 =	vlaneseq.u32;
	v1 =	vimm.s32 $0x10;
	s4 =	sadd.s32 $0x5A00, s6;
	s6 =	sadd.s32 $0x9A00, s8;
	s8 =	simm.s32 $0x1  }
.LBB2_1:
0xb: {  	[tilespmem:s2], [sflag:$0x1] =	stream.linear.gather [hbm4b:s3+s2], $0x1000, $0x38;
	[tilespmem:$0x3000] =	vst v63  }
0xc: {  	_ =	swait.ge [sflag:s8], $0x1000  }
0xd: {  	[sflag:s8] =	ssyncset.done $0x0  }
0xe: {  	s13 =	simm.s32 $0x0;
	[sflag:s8] =	ssyncadd.s32 $0xFFFFF000  }
.LBB2_2:
0xf: {  	v2 =	vor.u32 s13, v0  }
0x10: {  	v18 =	vshll.u32 v2, $0x4  }
0x11: {  	v17 =	vor.u32 $0x1, v18  }
0x12: {  	v16 =	vor.u32 $0x2, v18  }
0x13: {  	v15 =	vor.u32 $0x3, v18  }
0x14: {  	v14 =	vor.u32 $0x4, v18  }
0x15: {  	v13 =	vor.u32 $0x5, v18;
	v19 =	vld.idx.msk [tilespmem:v18+s2+$0x0], $0xffff  }
0x16: {  	v12 =	vor.u32 $0x6, v18;
	v20 =	vld.idx.msk [tilespmem:v17+s2+$0x0], $0xffff  }
0x17: {  	v11 =	vor.u32 $0x7, v18;
	v21 =	vld.idx.msk [tilespmem:v16+s2+$0x0], $0xffff  }
0x18: {  	v10 =	vor.u32 $0x8, v18;
	v22 =	vld.idx.msk [tilespmem:v15+s2+$0x0], $0xffff  }
0x19: {  	v9 =	vor.u32 $0x9, v18;
	v23 =	vld.idx.msk [tilespmem:v14+s2+$0x0], $0xffff  }
0x1a: {  	v8 =	vor.u32 $0xA, v18;
	v24 =	vld.idx.msk [tilespmem:v13+s2+$0x0], $0xffff  }
0x1b: {  	v7 =	vor.u32 $0xB, v18;
	v25 =	vld.idx.msk [tilespmem:v12+s2+$0x0], $0xffff  }
0x1c: {  	v6 =	vor.u32 $0xC, v18;
	v26 =	vld.idx.msk [tilespmem:v11+s2+$0x0], $0xffff  }
0x1d: {  	v5 =	vor.u32 $0xD, v18;
	v27 =	vld.idx.msk [tilespmem:v10+s2+$0x0], $0xffff  }
0x1e: {  	v4 =	vor.u32 $0xE, v18;
	v28 =	vld.idx.msk [tilespmem:v9+s2+$0x0], $0xffff  }
0x1f: {  	v3 =	vor.u32 $0xF, v18;
	v29 =	vld.idx.msk [tilespmem:v8+s2+$0x0], $0xffff  }
0x20: {  	v30 =	vld.idx.msk [tilespmem:v7+s2+$0x0], $0xffff  }
0x21: {  	v31 =	vld.idx.msk [tilespmem:v6+s2+$0x0], $0xffff  }
0x22: {  	v32 =	vld.idx.msk [tilespmem:v5+s2+$0x0], $0xffff  }
0x23: {  	v33 =	vld.idx.msk [tilespmem:v4+s2+$0x0], $0xffff  }
0x24: {  	v34 =	vld.idx.msk [tilespmem:v3+s2+$0x0], $0xffff;
	_ =	sdelay $0x2  }
0x25: {  	v35 =	vmax.f32 v19, v20;
	v36 =	vmax.f32 v21, v22;
	v37 =	vmax.f32 v23, v24  }
0x26: {  	v38 =	vmax.f32 v25, v26;
	v39 =	vmax.f32 v27, v28;
	v40 =	vmax.f32 v29, v30  }
0x27: {  	v41 =	vmax.f32 v31, v32;
	v42 =	vmax.f32 v33, v34;
	v35 =	vmax.f32 v35, v36  }
0x28: {  	v63 =	vmax.f32 v37, v38;
	v40 =	vmax.f32 v39, v40;
	v43 =	vmax.f32 v41, v42  }
0x29: {  	v35 =	vmax.f32 v35, v63;
	v44 =	vmax.f32 v40, v43  }
0x2a: {  	v35 =	vmax.f32 v35, v44  }
0x2b: {  	v19 =	vsub.f32 v19, v35  }
0x2c: {  	v20 =	vsub.f32 v20, v35  }
0x2d: {  	v21 =	vsub.f32 v21, v35;
	v19 =	vmul.f32 $1.442695020e+00, v19  }
0x2e: {  	v22 =	vsub.f32 v22, v35;
	v20 =	vmul.f32 $1.442695020e+00, v20  }
0x2f: {  	v46 =	vsub.f32 v23, v35;
	v45 =	vmul.f32 $1.442695020e+00, v21;
	(erf) = vpow2.f32 v19  }
0x30: {  	v48 =	vsub.f32 v24, v35;
	v47 =	vmul.f32 $1.442695020e+00, v22;
	(erf) = vpow2.f32 v20  }
0x31: {  	v50 =	vsub.f32 v25, v35;
	v49 =	vmul.f32 $1.442695020e+00, v46;
	(erf) = vpow2.f32 v45  }
0x32: {  	v52 =	vsub.f32 v26, v35;
	v51 =	vmul.f32 $1.442695020e+00, v48;
	(erf) = vpow2.f32 v47  }
0x33: {  	v54 =	vsub.f32 v27, v35;
	v53 =	vmul.f32 $1.442695020e+00, v50;
	(erf) = vpow2.f32 v49  }
0x34: {  	v56 =	vsub.f32 v28, v35;
	v55 =	vmul.f32 $1.442695020e+00, v52;
	(erf) = vpow2.f32 v51  }
0x35: {  	v58 =	vsub.f32 v29, v35;
	v57 =	vmul.f32 $1.442695020e+00, v54;
	(erf) = vpow2.f32 v53  }
0x36: {  	v60 =	vsub.f32 v30, v35;
	v59 =	vmul.f32 $1.442695020e+00, v56;
	(erf) = vpow2.f32 v55  }
0x37: {  	v62 =	vsub.f32 v31, v35;
	v61 =	vmul.f32 $1.442695020e+00, v58;
	(erf) = vpow2.f32 v57  }
0x38: {  	v38 =	vsub.f32 v32, v35;
	v37 =	vmul.f32 $1.442695020e+00, v60;
	v63 =	vpop (erf);
	(erf) = vpow2.f32 v59  }
0x39: {  	v40 =	vsub.f32 v33, v35;
	v39 =	vmul.f32 $1.442695020e+00, v62;
	v24 =	vpop (erf);
	(erf) = vpow2.f32 v61  }
0x3a: {  	v42 =	vsub.f32 v34, v35;
	v41 =	vmul.f32 $1.442695020e+00, v38;
	v25 =	vpop (erf);
	(erf) = vpow2.f32 v37  }
0x3b: {  	v43 =	vmul.f32 $1.442695020e+00, v40;
	v26 =	vpop (erf);
	(erf) = vpow2.f32 v39  }
0x3c: {  	v44 =	vmul.f32 $1.442695020e+00, v42;
	v21 =	vpop (erf);
	(erf) = vpow2.f32 v41  }
0x3d: {  	v22 =	vpop (erf);
	(erf) = vpow2.f32 v43  }
0x3e: {  	v19 =	vpop (erf);
	(erf) = vpow2.f32 v44  }
0x3f: {  	v20 =	vpop (erf)  }
0x40: {  	v27 =	vpop (erf)  }
0x41: {  	v28 =	vpop (erf)  }
0x42: {  	v45 =	vpop (erf)  }
0x43: {  	v46 =	vpop (erf)  }
0x44: {  	v47 =	vpop (erf)  }
0x45: {  	v49 =	vadd.f32 v24, v63;
	v50 =	vadd.f32 v26, v25;
	v48 =	vpop (erf)  }
0x46: {  	v52 =	vadd.f32 v22, v21;
	v53 =	vadd.f32 v20, v19;
	v51 =	vpop (erf)  }
0x47: {  	v55 =	vadd.f32 v28, v27;
	v56 =	vadd.f32 v46, v45;
	v54 =	vpop (erf)  }
0x48: {  	v57 =	vadd.f32 v48, v47;
	v58 =	vadd.f32 v54, v51  }
0x49: {  	v33 =	vadd.f32 v50, v49;
	v59 =	vadd.f32 v53, v52  }
0x4a: {  	v60 =	vadd.f32 v56, v55;
	v61 =	vadd.f32 v58, v57;
	_ =	sdelay $0x1  }
0x4b: {  	v33 =	vadd.f32 v59, v33;
	v62 =	vadd.f32 v61, v60;
	_ =	sdelay $0x1  }
0x4c: {  	v33 =	vadd.f32 v62, v33;
	_ =	sdelay $0x1  }
0x4d: {  	(erf) = vrcp.f32 v33;
	_ =	sdelay $0x8  }
0x4e: {  	v33 =	vpop (erf)  }
0x4f: {  	v63 =	vmul.f32 v33, v63;
	v24 =	vmul.f32 v33, v24  }
0x50: {  	v25 =	vmul.f32 v33, v25;
	v26 =	vmul.f32 v33, v26  }
0x51: {  	v36 =	vmul.f32 v33, v21;
	v37 =	vmul.f32 v33, v22  }
0x52: {  	v39 =	vmul.f32 v33, v19;
	v40 =	vmul.f32 v33, v20  }
0x53: {  	v27 =	vmul.f32 v33, v27;
	v28 =	vmul.f32 v33, v28  }
0x54: {  	v29 =	vmul.f32 v33, v45;
	v23 =	vmul.f32 v33, v46  }
0x55: {  	v22 =	vmul.f32 v33, v47;
	v21 =	vmul.f32 v33, v48  }
0x56: {  	v20 =	vmul.f32 v33, v51;
	v19 =	vmul.f32 v33, v54  }
0x57: {  	v47 =	vmax.f32 v63, v24;
	v48 =	vmax.f32 v25, v26;
	v49 =	vmax.f32 v36, v37  }
0x58: {  	v50 =	vmax.f32 v39, v40;
	v51 =	vmax.f32 v27, v28;
	v52 =	vmax.f32 v29, v23  }
0x59: {  	v53 =	vmax.f32 v22, v21;
	v54 =	vmax.f32 v20, v19;
	v30 =	vmax.f32 v47, v48  }
0x5a: {  	v55 =	vmax.f32 v49, v50;
	v56 =	vmax.f32 v51, v52;
	v57 =	vmax.f32 v53, v54  }
0x5b: {  	v30 =	vmax.f32 v30, v55;
	v58 =	vmax.f32 v56, v57  }
0x5c: {  	v30 =	vmax.f32 v30, v58  }
0x5d: {  	vm0 =	veq.f32 v19, v30  }
0x5e: {  	vm8 =	veq.f32 v20, v30;
	v59 =	vsel vm0, $0xF, v1  }
0x5f: {  	vm9 =	veq.f32 v21, v30;
	v31 =	vsel vm8, $0xE, v59  }
0x60: {  	vm10 =	veq.f32 v22, v30;
	v31 =	vsel vm9, $0xD, v31  }
0x61: {  	vm11 =	veq.f32 v23, v30;
	v31 =	vsel vm10, $0xC, v31  }
0x62: {  	vm12 =	veq.f32 v29, v30;
	v31 =	vsel vm11, $0xB, v31  }
0x63: {  	vm13 =	veq.f32 v28, v30;
	v31 =	vsel vm12, $0xA, v31  }
0x64: {  	vm14 =	veq.f32 v27, v30;
	v31 =	vsel vm13, $0x9, v31  }
0x65: {  	vm15 =	veq.f32 v40, v30;
	v31 =	vsel vm14, $0x8, v31  }
0x66: {  	vm4 =	veq.f32 v39, v30;
	v31 =	vsel vm15, $0x7, v31  }
0x67: {  	vm5 =	veq.f32 v37, v30;
	v31 =	vsel vm4, $0x6, v31  }
0x68: {  	vm6 =	veq.f32 v36, v30;
	v31 =	vsel vm5, $0x5, v31  }
0x69: {  	vm7 =	veq.f32 v26, v30;
	v31 =	vsel vm6, $0x4, v31  }
0x6a: {  	vm8 =	veq.f32 v25, v30;
	v31 =	vsel vm7, $0x3, v31  }
0x6b: {  	vm9 =	veq.f32 v24, v30;
	v31 =	vsel vm8, $0x2, v31  }
0x6c: {  	vm10 =	veq.f32 v63, v30;
	v31 =	vsel vm9, $0x1, v31  }
0x6d: {  	v31 =	vsel vm10, $0x0, v31  }
0x6e: {  	vm0 =	veq.s32 v31, $0x0;
	vm11 =	veq.s32 v31, $0x1  }
0x6f: {  	vm1 =	veq.s32 v31, $0x2;
	vm2 =	veq.s32 v31, $0x3;
	vm12 =	veq.s32 v31, $0x4  }
0x70: {  	vm13 =	veq.s32 v31, $0x5;
	vm14 =	veq.s32 v31, $0x6;
	vm15 =	veq.s32 v31, $0x7  }
0x71: {  	vm4 =	veq.s32 v31, $0x8;
	vm5 =	veq.s32 v31, $0x9;
	vm6 =	veq.s32 v31, $0xA  }
0x72: {  	vm7 =	veq.s32 v31, $0xB;
	vm8 =	veq.s32 v31, $0xC;
	vm9 =	veq.s32 v31, $0xD  }
0x73: {  	vm10 =	veq.s32 v31, $0xE;
	v32 =	vsel vm0, $0xBF800000, v63;
	v33 =	vsel vm11, $0xBF800000, v24  }
0x74: {  	v35 =	vsel vm1, $0xBF800000, v25;
	v38 =	vsel vm2, $0xBF800000, v26;
	v41 =	vsel vm12, $0xBF800000, v36  }
0x75: {  	v42 =	vsel vm13, $0xBF800000, v37;
	v43 =	vsel vm14, $0xBF800000, v39;
	v44 =	vsel vm15, $0xBF800000, v40  }
0x76: {  	v45 =	vsel vm4, $0xBF800000, v27;
	v46 =	vsel vm5, $0xBF800000, v28;
	v47 =	vsel vm6, $0xBF800000, v29  }
0x77: {  	v48 =	vsel vm7, $0xBF800000, v23;
	v49 =	vsel vm8, $0xBF800000, v22;
	vm11 =	veq.s32 v31, $0xF  }
0x78: {  	v50 =	vsel vm9, $0xBF800000, v21;
	v51 =	vsel vm10, $0xBF800000, v20;
	v52 =	vsel vm11, $0xBF800000, v19  }
0x79: {  	v53 =	vmax.f32 v32, v33;
	v54 =	vmax.f32 v35, v38;
	v55 =	vmax.f32 v41, v42  }
0x7a: {  	v56 =	vmax.f32 v43, v44;
	v57 =	vmax.f32 v45, v46;
	v58 =	vmax.f32 v47, v48  }
0x7b: {  	v59 =	vmax.f32 v49, v50;
	v53 =	vmax.f32 v53, v54;
	v60 =	vmax.f32 v51, v52  }
0x7c: {  	v55 =	vmax.f32 v55, v56;
	v61 =	vmax.f32 v57, v58;
	v54 =	vmax.f32 v59, v60  }
0x7d: {  	[tilespmem:v18+s9+$0x0] =	vst.idx.msk $0xffff, v63;
	v62 =	vmax.f32 v53, v55;
	v63 =	vmax.f32 v61, v54  }
0x7e: {  	[tilespmem:v17+s9+$0x0] =	vst.idx.msk $0xffff, v24;
	v24 =	vmax.f32 v62, v63  }
0x7f: {  	[tilespmem:v16+s9+$0x0] =	vst.idx.msk $0xffff, v25;
	vm12 =	veq.f32 v52, v24;
	v25 =	vadd.f32 v24, v30  }
0x80: {  	[tilespmem:v15+s9+$0x0] =	vst.idx.msk $0xffff, v26;
	vm13 =	veq.f32 v51, v24;
	v34 =	vsel vm12, $0xF, v1  }
0x81: {  	[tilespmem:v14+s9+$0x0] =	vst.idx.msk $0xffff, v36;
	vm14 =	veq.f32 v50, v24;
	(erf) = vrcp.f32 v25;
	v36 =	vsel vm13, $0xE, v34  }
0x82: {  	[tilespmem:v13+s9+$0x0] =	vst.idx.msk $0xffff, v37;
	vm15 =	veq.f32 v49, v24;
	v50 =	vsel vm14, $0xD, v36  }
0x83: {  	[tilespmem:v12+s9+$0x0] =	vst.idx.msk $0xffff, v39;
	vm4 =	veq.f32 v48, v24;
	v51 =	vsel vm15, $0xC, v50  }
0x84: {  	[tilespmem:v11+s9+$0x0] =	vst.idx.msk $0xffff, v40;
	vm5 =	veq.f32 v47, v24;
	v52 =	vsel vm4, $0xB, v51  }
0x85: {  	[tilespmem:v10+s9+$0x0] =	vst.idx.msk $0xffff, v27;
	vm6 =	veq.f32 v46, v24;
	v53 =	vsel vm5, $0xA, v52  }
0x86: {  	[tilespmem:v9+s9+$0x0] =	vst.idx.msk $0xffff, v28;
	vm7 =	veq.f32 v45, v24;
	v54 =	vsel vm6, $0x9, v53  }
0x87: {  	[tilespmem:v8+s9+$0x0] =	vst.idx.msk $0xffff, v29;
	vm8 =	veq.f32 v44, v24;
	v55 =	vsel vm7, $0x8, v54  }
0x88: {  	v2 =	vshll.u32 v2, $0x3;
	[tilespmem:v7+s9+$0x0] =	vst.idx.msk $0xffff, v23;
	vm9 =	veq.f32 v43, v24;
	v56 =	vsel vm8, $0x7, v55  }
0x89: {  	[tilespmem:v6+s9+$0x0] =	vst.idx.msk $0xffff, v22;
	v58 =	vor.u32 $0x1, v2;
	vm10 =	veq.f32 v42, v24;
	v57 =	vsel vm9, $0x6, v56  }
0x8a: {  	[tilespmem:v5+s9+$0x0] =	vst.idx.msk $0xffff, v21;
	vm11 =	veq.f32 v41, v24;
	v59 =	vsel vm10, $0x5, v57;
	v60 =	vpop (erf)  }
0x8b: {  	p0 =	sne.s32 s13, $0xF0;
	[tilespmem:v4+s9+$0x0] =	vst.idx.msk $0xffff, v20;
	vm12 =	veq.f32 v38, v24;
	v61 =	vsel vm11, $0x4, v59;
	v62 =	vmul.f32 v60, v30  }
.Ltmp0:
0x8c: {  	[tilespmem:v3+s9+$0x0] =	vst.idx.msk $0xffff, v19;
	vm13 =	veq.f32 v35, v24;
	v63 =	vmul.f32 v60, v24;
	v3 =	vsel vm12, $0x3, v61;
	(pc) =	sbr.rel @p0 .LBB2_2-.Ltmp0, $4  }
0x8d: {  	vm14 =	veq.f32 v33, v24;
	v3 =	vsel vm13, $0x2, v3;
	[tilespmem:v2+s10+$0x0] =	vst.idx.msk $0xffff, v62  }
0x8e: {  	vm15 =	veq.f32 v32, v24;
	v3 =	vsel vm14, $0x1, v3;
	[tilespmem:v58+s10+$0x0] =	vst.idx.msk $0xffff, v63  }
0x8f: {  	v3 =	vsel vm15, $0x0, v3;
	[tilespmem:v2+s11+$0x0] =	vst.idx.msk $0xffff, v31  }
0x90: {  	s13 =	sadd.s32 $0x10, s13;
	[tilespmem:v58+s11+$0x0] =	vst.idx.msk $0xffff, v3  }
0x91: {  	[hbm4b:s4+s2] =	stream.linear.scatter [tilespmem:s9], [sflag:$0x1], $0x1000, $0x38;
	[tilespmem:$0x3000] =	vst v63  }
0x92: {  	_ =	swait.ge [sflag:s8], $0x1000  }
0x93: {  	[sflag:s8] =	ssyncset.done $0x0  }
0x94: {  	[sflag:s8] =	ssyncadd.s32 $0xFFFFF000  }
0x95: {  	[hbm4b:s5+s2] =	stream.linear.scatter [tilespmem:s10], [sflag:$0x1], $0x800, $0x38;
	[tilespmem:$0x3000] =	vst v63  }
0x96: {  	s12 =	sadd.s32 $0x1, s12;
	_ =	swait.ge [sflag:s8], $0x800  }
0x97: {  	p0 =	sne.s32 s12, s7;
	[sflag:s8] =	ssyncset.done $0x0  }
.Ltmp1:
0x98: {  	[sflag:s8] =	ssyncadd.s32 $0xFFFFF800;
	(pc) =	sbr.rel @p0 .LBB2_1-.Ltmp1, $4  }
0x99: {  	[hbm4b:s6+s2] =	stream.linear.scatter [tilespmem:s11], [sflag:$0x1], $0x800, $0x38;
	[tilespmem:$0x3000] =	vst v63  }
0x9a: {  	_ =	swait.ge [sflag:s8], $0x800  }
0x9b: {  	[sflag:s8] =	ssyncset.done $0x0  }
0x9c: {  	[sflag:s8] =	ssyncadd.s32 $0xFFFFF800  }
0x9d: {  	_ =	sfence.sel $0x180000  }
0x9e: {  	[bflag:$0x0] =	sbarrier.arrive $0xFFFF  }
0x9f: {  	p0 =	sne.s32 s0, $0x0;
	_ =	strace $0x90000047  }
0xa0: {  	s0 =	sadd.s32 @!p0 $0x100000, s1;
	[bflag:$0x2] =	sbarrier.arrive $0xFFFF  }
0xa1: {  	[sflag:s0] =	ssyncadd.tile.s32 @!p0 $0x1;
	_ =	shalt  }
.Lfunc_end2:
_tile_overlayer_lowered:
.L_overlay_start_2:
0xa2: {  	(tag) =	ssettag $0x2  }
0xa3: {  	s0 =	rddreg [dreg:$0x0];
	s2 =	stileid.u32  }
0xa4: {  	s1 =	rddreg [dreg:$0x1];
	p0 =	sne.s32 s2, $0x0  }
0xa5: {  	s3 =	rddreg [dreg:$0x2];
	[bflag:$0x3] =	sbarrier.arrive $0xFFFF;
	s2 =	simm.s32 @!p0 $0x1C01  }
0xa6: {  	[timem:s3], [sflag:s2] =	dma.local @!p0 [hbm:s0], s1  }
0xa7: {  	s0 =	simm.s32 @!p0 $0x1  }
0xa8: {  	_ =	swait.ge @!p0 [sflag:s0], s1  }
0xa9: {  	s1 =	ssub.s32 @!p0 $0x0, s1;
	[sflag:s0] =	ssyncset.done @!p0 $0x0  }
0xaa: {  	[sflag:s0] =	ssyncadd.s32 @!p0 s1  }
0xab: {  	[bflag:$0x3] =	sbarrier.arrive $0xFFFF  }
0xac: {  	_ =	shalt  }

// kernel: kernel.9.cloned.1.call-start
scs
__scs_entry_jumppad:
0x0: {  	(pc) =	sbr.rel $0x88, $3  }
0x1: {  	(tag) =	ssettag $0x0;
	lr =	simm.s32 $0x1  }
0x2: {  	[smem:$0x3F9C] =	sst lr;
	_ =	strace $0xD0000000  }
0x3: {  	_ = 	snop  }
0x4: {  	_ = 	snop  }
0x5: {  	_ = 	snop  }
0x6: {  	_ = 	snop  }
0x7: {  	_ = 	snop  }
__scs_overlays_trampoline_lowered:
0x8: {  	[smem:$0x3FAB] =	sst s0  }
0x9: {  	[smem:$0x3FAC] =	sst s1  }
0xa: {  	[smem:$0x3FAD] =	sst s2  }
0xb: {  	[smem:$0x3FAE] =	sst s3  }
0xc: {  	[smem:$0x3FAF] =	sst s4  }
0xd: {  	[smem:$0x3FB0] =	sst s5  }
0xe: {  	[smem:$0x3FB1] =	sst s6  }
0xf: {  	[smem:$0x3FB2] =	sst s7  }
0x10: {  	[smem:$0x3FB3] =	sst s8  }
0x11: {  	[smem:$0x3FB4] =	sst s9;
	s0 =	simm.s32 @!p0 $0x0  }
0x12: {  	s1 =	sld [smem:$0x3F9A];
	s0 =	simm.s32 @p0 $0x1  }
0x13: {  	[smem:$0x3FB5] =	sst s0;
	s0 =	simm.s32 @!p1 $0x0  }
0x14: {  	s2 =	sld [smem:$0x3F99];
	s0 =	simm.s32 @p1 $0x1  }
0x15: {  	[smem:$0x3FB6] =	sst s0;
	s0 =	simm.s32 @!p2 $0x0  }
0x16: {  	s3 =	sld [smem:$0x3FDB];
	s0 =	simm.s32 @p2 $0x1  }
0x17: {  	s4 =	simm.s32 $0x1BF5;
	[smem:$0x3FB8] =	sst s0  }
0x18: {  	s0 =	sld [smem:$0x3F9B];
	_ =	swait.ge [sflag:s4], $0x0  }
0x19: {  	s7 =	sld [smem:$0x3F9C]  }
0x1a: {  	s8 =	sadd.s32 $0xFFFFE003, lr  }
0x1b: {  	s9 =	sadd.s32 $0xFFFFFEF7, lr;
	s5 =	simm.s32 $0xFFFFFFFF;
	p2 =	slt.u32 s8, $0xFFFFF086  }
0x1c: {  	p1 =	slt.u32 s9, $0xF7A;
	s5 =	simm.s32 @!p2 $0x0  }
0x1d: {  	s5 =	simm.s32 @p1 $0x1;
	p0 =	seq.s32 s7, s2  }
0x1e: {  	s7 =	smul.u32 @!p0 $0xF7A, s2;
	p2 =	seq.s32 @!p0 s5, $0x0  }
0x1f: {  	s9 =	smul.u32 $0xF7A, s1;
	s8 =	simm.s32 @!p0 $0x1BF5;
	p2 =	por !p2, p0  }
0x20: {  	[sflag:s8] =	ssyncset.s32 @!p0 $0xFFFFF086;
	s6 =	sadd.s32 @!p0 s3, s7;
	s7 =	simm.s32 @!p0 $0x108  }
0x21: {  	s3 =	sadd.s32 s3, s9;
	s6 =	sadd.s32 @!p0 $0x88, s6;
	s7 =	simm.s32 @p2 $0x1082  }
0x22: {  	[simem:s7], [sflag:s8] =	dma.local @!p0 [hbm:s6], $0xF7A  }
0x23: {  	s9 =	sor.u32 $0xD0000000, s2;
	s6 =	simm.s32 $0x108;
	_ =	swait.ge @!p0 [sflag:s8], $0x0  }
0x24: {  	s3 =	sadd.s32 $0x88, s3;
	s6 =	simm.s32 @!p1 $0x1082;
	[sflag:s4] =	ssyncset.s32 $0xFFFFF086  }
0x25: {  	[simem:s6], [sflag:s4] =	dma.local [hbm:s3], $0xF7A  }
0x26: {  	[smem:$0x3F9C] =	sst s1;
	(tag) =	ssettag s2;
	_ =	strace s9  }
0x27: {  	s1 =	sld [smem:$0x3FAC]  }
0x28: {  	s2 =	sld [smem:$0x3FAD]  }
0x29: {  	s4 =	sld [smem:$0x3FAF]  }
0x2a: {  	p0 =	seq.s32 s5, $0x0;
	s5 =	sld [smem:$0x3FB0]  }
0x2b: {  	s6 =	sld [smem:$0x3FB1]  }
0x2c: {  	s7 =	sld [smem:$0x3FB2]  }
0x2d: {  	s3 =	simm.s32 $0x108;
	s8 =	sld [smem:$0x3FB3]  }
0x2e: {  	s3 =	simm.s32 @!p0 $0x1082;
	s9 =	sld [smem:$0x3FB4]  }
0x2f: {  	lr =	sadd.s32 s0, s3;
	s0 =	sld [smem:$0x3FAB]  }
0x30: {  	s3 =	sld [smem:$0x3FAE]  }
0x31: {  	[smem:$0x3FB7] =	sst s10  }
0x32: {  	s10 =	sld [smem:$0x3FB5];
	_ =	sdelay $0x3  }
0x33: {  	p0 =	seq.s32 s10, $0x1;
	s10 =	sld [smem:$0x3FB7];
	_ =	sdelay $0x3  }
0x34: {  	[smem:$0x3FB7] =	sst s10  }
0x35: {  	s10 =	sld [smem:$0x3FB6];
	_ =	sdelay $0x3  }
0x36: {  	p1 =	seq.s32 s10, $0x1;
	s10 =	sld [smem:$0x3FB7];
	_ =	sdelay $0x3  }
0x37: {  	[smem:$0x3FB7] =	sst s10  }
0x38: {  	s10 =	sld [smem:$0x3FB8]  }
0x39: {  	_ = 	snop;
	(pc) =	sbr.ind lr, $3  }
0x3a: {  	_ = 	snop  }
0x3b: {  	_ = 	snop  }
0x3c: {  	p2 =	seq.s32 s10, $0x1;
	s10 =	sld [smem:$0x3FB7]  }
0x3d: {  	_ =	shalt  }
0x3e: {  	_ =	shalt  }
0x3f: {  	_ =	shalt  }
0x40: {  	_ =	shalt  }
0x41: {  	_ =	shalt  }
0x42: {  	_ =	shalt  }
0x43: {  	_ =	shalt  }
0x44: {  	_ =	shalt  }
0x45: {  	_ =	shalt  }
0x46: {  	_ =	shalt  }
0x47: {  	_ =	shalt  }
0x48: {  	_ =	shalt  }
0x49: {  	_ =	shalt  }
0x4a: {  	_ =	shalt  }
0x4b: {  	_ =	shalt  }
0x4c: {  	_ =	shalt  }
0x4d: {  	_ =	shalt  }
0x4e: {  	_ =	shalt  }
0x4f: {  	_ =	shalt  }
0x50: {  	_ =	shalt  }
0x51: {  	_ =	shalt  }
0x52: {  	_ =	shalt  }
0x53: {  	_ =	shalt  }
0x54: {  	_ =	shalt  }
0x55: {  	_ =	shalt  }
0x56: {  	_ =	shalt  }
0x57: {  	_ =	shalt  }
0x58: {  	_ =	shalt  }
0x59: {  	_ =	shalt  }
0x5a: {  	_ =	shalt  }
0x5b: {  	_ =	shalt  }
0x5c: {  	_ =	shalt  }
0x5d: {  	_ =	shalt  }
0x5e: {  	_ =	shalt  }
0x5f: {  	_ =	shalt  }
0x60: {  	_ =	shalt  }
0x61: {  	_ =	shalt  }
0x62: {  	_ =	shalt  }
0x63: {  	_ =	shalt  }
0x64: {  	_ =	shalt  }
0x65: {  	_ =	shalt  }
0x66: {  	_ =	shalt  }
0x67: {  	_ =	shalt  }
0x68: {  	_ =	shalt  }
0x69: {  	_ =	shalt  }
0x6a: {  	_ =	shalt  }
0x6b: {  	_ =	shalt  }
0x6c: {  	_ =	shalt  }
0x6d: {  	_ =	shalt  }
0x6e: {  	_ =	shalt  }
0x6f: {  	_ =	shalt  }
0x70: {  	_ =	shalt  }
0x71: {  	_ =	shalt  }
0x72: {  	_ =	shalt  }
0x73: {  	_ =	shalt  }
0x74: {  	_ =	shalt  }
0x75: {  	_ =	shalt  }
0x76: {  	_ =	shalt  }
0x77: {  	_ =	shalt  }
0x78: {  	_ =	shalt  }
0x79: {  	_ =	shalt  }
0x7a: {  	_ =	shalt  }
0x7b: {  	_ =	shalt  }
0x7c: {  	_ =	shalt  }
0x7d: {  	_ =	shalt  }
0x7e: {  	_ =	shalt  }
0x7f: {  	_ =	shalt  }
0x80: {  	_ =	shalt  }
0x81: {  	_ =	shalt  }
0x82: {  	_ =	shalt  }
0x83: {  	_ =	shalt  }
0x84: {  	_ =	shalt  }
0x85: {  	_ =	shalt  }
0x86: {  	_ =	shalt  }
0x87: {  	_ =	shalt  }
.Lfunc_end0:
.L_simem_size_0:
called_computation.1_lowered:
.L_overlay_start_0:
0x88: {  	s2 =	sld [smem:$0x3FD9]  }
0x89: {  	s3 =	sld [smem:$0x3FFE];
	_ =	sdelay $0x1  }
0x8a: {  	s1 =	srdreg.scid  }
0x8b: {  	s0 =	sand.u32 $0x1, s1  }
0x8c: {  	s15 =	sshll.u32 s0, $0xA;
	s2 =	sadd.s32 s3, s2  }
0x8d: {  	s2 =	sadd.s32 s2, s15  }
0x8e: {  	[smem:$0x3FC3] =	sst s2  }
0x8f: {  	_ = 	snop  }
0x90: {  	s2 =	sld [smem:$0x3FD0];
	_ =	sdelay $0x2  }
0x91: {  	s16 =	simm.s32 $0xB;
	s4 =	simm.s32 $0x10  }
0x92: {  	[smem:s4], [sflag:s16] =	dma.local [hbm:s2], $0x1  }
0x93: {  	_ =	swait.eq [sflag:s16], $0x1  }
0x94: {  	[sflag:s16] =	ssyncset.done $0x0  }
0x95: {  	[sflag:s16] =	ssyncadd.s32 $0xFFFFFFFF  }
0x96: {  	s17 =	sld [smem:$0x12];
	(tm) =	ssettm $0x1  }
0x97: {  	s18 =	sld [smem:$0x3FFB];
	_ =	sdelay $0x3  }
0x98: {  	_ =	strace s18  }
0x99: {  	s2 =	sld [smem:$0x3FFC];
	_ =	sdelay $0x3  }
0x9a: {  	_ =	strace s2  }
0x9b: {  	s2 =	sld [smem:$0x3FFD];
	_ =	sdelay $0x3  }
0x9c: {  	_ =	strace s2  }
0x9d: {  	_ =	strace $0x8FFFFFFF  }
0x9e: {  	s19 =	sld [smem:$0x3FDB];
	_ =	sdelay $0x1  }
0x9f: {  	s20 =	simm.s32 $_scs_section_size  }
0xa0: {  	s5 =	simm.s32 $_size__tile_overlayer_lowered;
	s6 =	simm.s32 $_tile_overlayer_lowered  }
0xa1: {  	s7 =	simm.s32 $0x1BFF;
	s21 =	sshll.u32 s6, $0x1;
	s4 =	sadd.s32 s20, s19  }
0xa2: {  	s22 =	simm.s32 $0x0;
	s5 =	sshll.u32 s5, $0x1;
	s6 =	sadd.s32 s21, s4  }
0xa3: {  	[timem:s22], [sflag:s7] =	dma.local [hbm:s6], s5  }
0xa4: {  	_ =	swait.ge [sflag:s7], s5  }
0xa5: {  	s5 =	ssub.s32 $0x0, s5;
	[sflag:s7] =	ssyncset.done $0x0  }
0xa6: {  	[sflag:s7] =	ssyncadd.s32 s5;
	_ =	sdelay $0x1  }
0xa7: {  	s23 =	simm.s32 $0x1B8B  }
0xa8: {  	_ =	swait.ge [sflag:s23], $0x1  }
0xa9: {  	[sflag:s23] =	ssyncset.done $0x0  }
0xaa: {  	[sflag:s23] =	ssyncadd.s32 $0xFFFFFFFF  }
0xab: {  	s5 =	sld [smem:$0x0]  }
0xac: {  	s6 =	sand.u32 $0xFFFFFFFE, s1  }
0xad: {  	p0 =	sne.s32 s1, s6  }
0xae: {  	s6 =	sshll.u32 @p0 s6, $0xE  }
0xaf: {  	s6 =	sadd.s32 @p0 $0x11B8D, s6;
	s7 =	sshll.u32 @p0 s5, $0x11  }
0xb0: {  	s6 =	sor.u32 @p0 s7, s6  }
0xb1: {  	[sflag:s6] =	ssyncadd.remote.s32 @p0 $0x1;
	_ =	sdelay $0x1  }
0xb2: {  	s6 =	simm.s32 @p0 $0x1B8D  }
0xb3: {  	_ =	swait.eq @p0 [sflag:s6], $0x1  }
0xb4: {  	[sflag:s6] =	ssyncadd.s32 @p0 $0xFFFFFFFF  }
0xb5: {  	s7 =	sshll.u32 @!p0 s1, $0xE  }
0xb6: {  	s7 =	sor.u32 @!p0 $0x4000, s7;
	s6 =	simm.s32 @!p0 $0x1B8D  }
0xb7: {  	s5 =	sshll.u32 @!p0 s5, $0x11;
	s7 =	sadd.s32 @!p0 $0x11B8D, s7;
	_ =	swait.eq @!p0 [sflag:s6], $0x1  }
0xb8: {  	s5 =	sor.u32 @!p0 s5, s7;
	[sflag:s6] =	ssyncadd.s32 @!p0 $0xFFFFFFFF  }
0xb9: {  	s25 =	simm.s32 $0x1B8E;
	s24 =	sld [smem:$0x3FFE];
	[sflag:s5] =	ssyncadd.remote.s32 @!p0 $0x1  }
0xba: {  	s26 =	simm.s32 $execute0_lowered;
	[smem:$0x3FD2] =	sst s25  }
0xbb: {  	s6 =	sshll.u32 s26, $0x1;
	_ =	strace $0x80000049;
	[dreg:$0x1] =	wrdreg $0xFFFFFFFF  }
0xbc: {  	s28 =	simm.s32 $_size_execute0_lowered;
	s4 =	sadd.s32 s4, s6;
	[dreg:$0x0] =	wrdreg $0x0  }
0xbd: {  	s6 =	sshll.u32 s28, $0x1;
	[dreg:$0x2] =	wrdreg s4  }
0xbe: {  	[dreg:$0x3] =	wrdreg s6  }
0xbf: {  	[dreg:$0x4] =	wrdreg $0xC0  }
0xc0: {  	_ =	task [dreg:s22], $0x5FFFF  }
0xc1: {  	[dreg:$0x1] =	wrdreg $0xFFFFFFFF  }
0xc2: {  	[dreg:$0x0] =	wrdreg $0x60  }
0xc3: {  	[dreg:$0x2] =	wrdreg s17  }
0xc4: {  	[dreg:$0x3] =	wrdreg s24  }
0xc5: {  	[dreg:$0x4] =	wrdreg $0xA  }
0xc6: {  	_ =	task.clear_ibuf [dreg:s22], $0x5FFFF;
	_ =	strace $0x90000049  }
0xc7: {  	s29 =	simm.s32 $0xA;
	_ =	strace $0x8000004B  }
0xc8: {  	_ =	swait.ge [sflag:s29], $0x1  }
0xc9: {  	[sflag:s29] =	ssyncadd.s32 $0xFFFFFFFF  }
0xca: {  	_ =	strace $0x9000004B  }
0xcb: {  	_ =	sfence  }
0xcc: {  	s30 =	sld [smem:$0x0];
	_ =	sdelay $0x2  }
0xcd: {  	s31 =	sshll.u32 s1, $0xD;
	s1 =	sshrl.u32 s1, $0x2  }
0xce: {  	s4 =	sand.u32 $0x4000, s31;
	s1 =	sadd.s32 s1, s30  }
0xcf: {  	s0 =	sor.u32 s4, s0;
	s1 =	sshll.u32 s1, $0x11  }
0xd0: {  	s0 =	sor.u32 s1, s0  }
0xd1: {  	s0 =	sadd.s32 $0x8F2B, s0  }
0xd2: {  	[sflag:s0] =	ssyncadd.remote.s32 $0x1  }
0xd3: {  	_ =	sfence.sel $0xFFFF  }
0xd4: {  	[dreg:$0x0] =	wrdreg $0xFFFFFFFF;
	(pc) =	sbr.abs _section_cstart, $3  }
0xd5: {  	[dreg:$0x1] =	wrdreg $0xFFFFFFFF  }
0xd6: {  	_ =	task.clear_ibuf [dreg:s22], $0x2FFFF;
	_ =	strace $0x9FFFFFFF  }
0xd7: {  	(tm) =	ssettm $0x7FFFFFFF  }
tec
execute0_lowered:
.L_overlay_start_1:
0x0: {  	(tag) =	ssettag $0x1  }
0x1: {  	s3 =	rddreg [dreg:$0x0]  }
0x2: {  	s4 =	rddreg [dreg:$0x1]  }
0x3: {  	s0 =	rddreg [dreg:$0x2];
	s5 =	srdreg.scid  }
0x4: {  	s2 =	simm.s32 $0x0;
	s1 =	stileid.u32;
	s9 =	simm.s32 $0x1000  }
0x5: {  	s10 =	simm.s32 $0x2000;
	s11 =	simm.s32 $0x2800;
	s5 =	sand.u32 $0x1, s5  }
0x6: {  	s12 =	simm.s32 $0x0;
	s6 =	sshll.u32 s1, $0x9;
	s7 =	sshll.u32 s5, $0x8  }
0x7: {  	[smem:$0x7FF] =	sst s2;
	s5 =	ssub.s32 $0x2, s5;
	s6 =	sor.u32 s7, s6  }
0x8: {  	s8 =	sshrl.u32 s5, $0x1;
	s7 =	sadd.s32 s6, s4;
	s6 =	sshll.u32 s6, $0x1  }
0x9: {  	_ =	strace $0x8000004A;
	s8 =	ssub.s32 s5, s8;
	s4 =	sadd.s32 s6, s4  }
0xa: {  	s3 =	sadd.s32 s3, s6;
	s5 =	sadd.s32 $0x13A00, s7;
	s6 =	sadd.s32 $0x11A00, s7  }
0xb: {  	v0 =	vlaneseq.u32;
	v1 =	vimm.s32 $0x10;
	s7 =	smax.u32 s8, $0x1;
	s8 =	simm.s32 $0x1;
	s4 =	sadd.s32 $0xDA00, s4  }
.LBB2_1:
0xc: {  	[tilespmem:s2], [sflag:$0x1] =	stream.linear.gather [hbm4b:s3+s2], $0x1000, $0x38;
	[tilespmem:$0x3000] =	vst v63  }
0xd: {  	_ =	swait.ge [sflag:s8], $0x1000  }
0xe: {  	[sflag:s8] =	ssyncset.done $0x0  }
0xf: {  	s13 =	simm.s32 $0x0;
	[sflag:s8] =	ssyncadd.s32 $0xFFFFF000  }
.LBB2_2:
0x10: {  	v2 =	vor.u32 s13, v0  }
0x11: {  	v18 =	vshll.u32 v2, $0x4  }
0x12: {  	v17 =	vor.u32 $0x1, v18  }
0x13: {  	v16 =	vor.u32 $0x2, v18  }
0x14: {  	v15 =	vor.u32 $0x3, v18  }
0x15: {  	v14 =	vor.u32 $0x4, v18  }
0x16: {  	v13 =	vor.u32 $0x5, v18;
	v19 =	vld.idx.msk [tilespmem:v18+s2+$0x0], $0xffff  }
0x17: {  	v12 =	vor.u32 $0x6, v18;
	v20 =	vld.idx.msk [tilespmem:v17+s2+$0x0], $0xffff  }
0x18: {  	v11 =	vor.u32 $0x7, v18;
	v21 =	vld.idx.msk [tilespmem:v16+s2+$0x0], $0xffff  }
0x19: {  	v10 =	vor.u32 $0x8, v18;
	v22 =	vld.idx.msk [tilespmem:v15+s2+$0x0], $0xffff  }
0x1a: {  	v9 =	vor.u32 $0x9, v18;
	v23 =	vld.idx.msk [tilespmem:v14+s2+$0x0], $0xffff  }
0x1b: {  	v8 =	vor.u32 $0xA, v18;
	v24 =	vld.idx.msk [tilespmem:v13+s2+$0x0], $0xffff  }
0x1c: {  	v7 =	vor.u32 $0xB, v18;
	v25 =	vld.idx.msk [tilespmem:v12+s2+$0x0], $0xffff  }
0x1d: {  	v6 =	vor.u32 $0xC, v18;
	v26 =	vld.idx.msk [tilespmem:v11+s2+$0x0], $0xffff  }
0x1e: {  	v5 =	vor.u32 $0xD, v18;
	v27 =	vld.idx.msk [tilespmem:v10+s2+$0x0], $0xffff  }
0x1f: {  	v4 =	vor.u32 $0xE, v18;
	v28 =	vld.idx.msk [tilespmem:v9+s2+$0x0], $0xffff  }
0x20: {  	v3 =	vor.u32 $0xF, v18;
	v29 =	vld.idx.msk [tilespmem:v8+s2+$0x0], $0xffff  }
0x21: {  	v30 =	vld.idx.msk [tilespmem:v7+s2+$0x0], $0xffff  }
0x22: {  	v31 =	vld.idx.msk [tilespmem:v6+s2+$0x0], $0xffff  }
0x23: {  	v32 =	vld.idx.msk [tilespmem:v5+s2+$0x0], $0xffff  }
0x24: {  	v33 =	vld.idx.msk [tilespmem:v4+s2+$0x0], $0xffff  }
0x25: {  	v34 =	vld.idx.msk [tilespmem:v3+s2+$0x0], $0xffff;
	_ =	sdelay $0x2  }
0x26: {  	v35 =	vmax.f32 v19, v20;
	v36 =	vmax.f32 v21, v22;
	v37 =	vmax.f32 v23, v24  }
0x27: {  	v38 =	vmax.f32 v25, v26;
	v39 =	vmax.f32 v27, v28;
	v40 =	vmax.f32 v29, v30  }
0x28: {  	v41 =	vmax.f32 v31, v32;
	v42 =	vmax.f32 v33, v34;
	v35 =	vmax.f32 v35, v36  }
0x29: {  	v63 =	vmax.f32 v37, v38;
	v40 =	vmax.f32 v39, v40;
	v43 =	vmax.f32 v41, v42  }
0x2a: {  	v35 =	vmax.f32 v35, v63;
	v44 =	vmax.f32 v40, v43  }
0x2b: {  	v35 =	vmax.f32 v35, v44  }
0x2c: {  	v19 =	vsub.f32 v19, v35  }
0x2d: {  	v20 =	vsub.f32 v20, v35  }
0x2e: {  	v21 =	vsub.f32 v21, v35;
	v19 =	vmul.f32 $1.442695020e+00, v19  }
0x2f: {  	v22 =	vsub.f32 v22, v35;
	v20 =	vmul.f32 $1.442695020e+00, v20  }
0x30: {  	v46 =	vsub.f32 v23, v35;
	v45 =	vmul.f32 $1.442695020e+00, v21;
	(erf) = vpow2.f32 v19  }
0x31: {  	v48 =	vsub.f32 v24, v35;
	v47 =	vmul.f32 $1.442695020e+00, v22;
	(erf) = vpow2.f32 v20  }
0x32: {  	v50 =	vsub.f32 v25, v35;
	v49 =	vmul.f32 $1.442695020e+00, v46;
	(erf) = vpow2.f32 v45  }
0x33: {  	v52 =	vsub.f32 v26, v35;
	v51 =	vmul.f32 $1.442695020e+00, v48;
	(erf) = vpow2.f32 v47  }
0x34: {  	v54 =	vsub.f32 v27, v35;
	v53 =	vmul.f32 $1.442695020e+00, v50;
	(erf) = vpow2.f32 v49  }
0x35: {  	v56 =	vsub.f32 v28, v35;
	v55 =	vmul.f32 $1.442695020e+00, v52;
	(erf) = vpow2.f32 v51  }
0x36: {  	v58 =	vsub.f32 v29, v35;
	v57 =	vmul.f32 $1.442695020e+00, v54;
	(erf) = vpow2.f32 v53  }
0x37: {  	v60 =	vsub.f32 v30, v35;
	v59 =	vmul.f32 $1.442695020e+00, v56;
	(erf) = vpow2.f32 v55  }
0x38: {  	v62 =	vsub.f32 v31, v35;
	v61 =	vmul.f32 $1.442695020e+00, v58;
	(erf) = vpow2.f32 v57  }
0x39: {  	v38 =	vsub.f32 v32, v35;
	v37 =	vmul.f32 $1.442695020e+00, v60;
	v63 =	vpop (erf);
	(erf) = vpow2.f32 v59  }
0x3a: {  	v40 =	vsub.f32 v33, v35;
	v39 =	vmul.f32 $1.442695020e+00, v62;
	v24 =	vpop (erf);
	(erf) = vpow2.f32 v61  }
0x3b: {  	v42 =	vsub.f32 v34, v35;
	v41 =	vmul.f32 $1.442695020e+00, v38;
	v25 =	vpop (erf);
	(erf) = vpow2.f32 v37  }
0x3c: {  	v43 =	vmul.f32 $1.442695020e+00, v40;
	v26 =	vpop (erf);
	(erf) = vpow2.f32 v39  }
0x3d: {  	v44 =	vmul.f32 $1.442695020e+00, v42;
	v21 =	vpop (erf);
	(erf) = vpow2.f32 v41  }
0x3e: {  	v22 =	vpop (erf);
	(erf) = vpow2.f32 v43  }
0x3f: {  	v19 =	vpop (erf);
	(erf) = vpow2.f32 v44  }
0x40: {  	v20 =	vpop (erf)  }
0x41: {  	v27 =	vpop (erf)  }
0x42: {  	v28 =	vpop (erf)  }
0x43: {  	v45 =	vpop (erf)  }
0x44: {  	v46 =	vpop (erf)  }
0x45: {  	v47 =	vpop (erf)  }
0x46: {  	v49 =	vadd.f32 v24, v63;
	v50 =	vadd.f32 v26, v25;
	v48 =	vpop (erf)  }
0x47: {  	v52 =	vadd.f32 v22, v21;
	v53 =	vadd.f32 v20, v19;
	v51 =	vpop (erf)  }
0x48: {  	v55 =	vadd.f32 v28, v27;
	v56 =	vadd.f32 v46, v45;
	v54 =	vpop (erf)  }
0x49: {  	v57 =	vadd.f32 v48, v47;
	v58 =	vadd.f32 v54, v51  }
0x4a: {  	v33 =	vadd.f32 v50, v49;
	v59 =	vadd.f32 v53, v52  }
0x4b: {  	v60 =	vadd.f32 v56, v55;
	v61 =	vadd.f32 v58, v57;
	_ =	sdelay $0x1  }
0x4c: {  	v33 =	vadd.f32 v59, v33;
	v62 =	vadd.f32 v61, v60;
	_ =	sdelay $0x1  }
0x4d: {  	v33 =	vadd.f32 v62, v33;
	_ =	sdelay $0x1  }
0x4e: {  	(erf) = vrcp.f32 v33;
	_ =	sdelay $0x8  }
0x4f: {  	v33 =	vpop (erf)  }
0x50: {  	v63 =	vmul.f32 v33, v63;
	v24 =	vmul.f32 v33, v24  }
0x51: {  	v25 =	vmul.f32 v33, v25;
	v26 =	vmul.f32 v33, v26  }
0x52: {  	v36 =	vmul.f32 v33, v21;
	v37 =	vmul.f32 v33, v22  }
0x53: {  	v39 =	vmul.f32 v33, v19;
	v40 =	vmul.f32 v33, v20  }
0x54: {  	v27 =	vmul.f32 v33, v27;
	v28 =	vmul.f32 v33, v28  }
0x55: {  	v29 =	vmul.f32 v33, v45;
	v23 =	vmul.f32 v33, v46  }
0x56: {  	v22 =	vmul.f32 v33, v47;
	v21 =	vmul.f32 v33, v48  }
0x57: {  	v20 =	vmul.f32 v33, v51;
	v19 =	vmul.f32 v33, v54  }
0x58: {  	v47 =	vmax.f32 v63, v24;
	v48 =	vmax.f32 v25, v26;
	v49 =	vmax.f32 v36, v37  }
0x59: {  	v50 =	vmax.f32 v39, v40;
	v51 =	vmax.f32 v27, v28;
	v52 =	vmax.f32 v29, v23  }
0x5a: {  	v53 =	vmax.f32 v22, v21;
	v54 =	vmax.f32 v20, v19;
	v30 =	vmax.f32 v47, v48  }
0x5b: {  	v55 =	vmax.f32 v49, v50;
	v56 =	vmax.f32 v51, v52;
	v57 =	vmax.f32 v53, v54  }
0x5c: {  	v30 =	vmax.f32 v30, v55;
	v58 =	vmax.f32 v56, v57  }
0x5d: {  	v30 =	vmax.f32 v30, v58  }
0x5e: {  	vm0 =	veq.f32 v19, v30  }
0x5f: {  	vm8 =	veq.f32 v20, v30;
	v59 =	vsel vm0, $0xF, v1  }
0x60: {  	vm9 =	veq.f32 v21, v30;
	v31 =	vsel vm8, $0xE, v59  }
0x61: {  	vm10 =	veq.f32 v22, v30;
	v31 =	vsel vm9, $0xD, v31  }
0x62: {  	vm11 =	veq.f32 v23, v30;
	v31 =	vsel vm10, $0xC, v31  }
0x63: {  	vm12 =	veq.f32 v29, v30;
	v31 =	vsel vm11, $0xB, v31  }
0x64: {  	vm13 =	veq.f32 v28, v30;
	v31 =	vsel vm12, $0xA, v31  }
0x65: {  	vm14 =	veq.f32 v27, v30;
	v31 =	vsel vm13, $0x9, v31  }
0x66: {  	vm15 =	veq.f32 v40, v30;
	v31 =	vsel vm14, $0x8, v31  }
0x67: {  	vm4 =	veq.f32 v39, v30;
	v31 =	vsel vm15, $0x7, v31  }
0x68: {  	vm5 =	veq.f32 v37, v30;
	v31 =	vsel vm4, $0x6, v31  }
0x69: {  	vm6 =	veq.f32 v36, v30;
	v31 =	vsel vm5, $0x5, v31  }
0x6a: {  	vm7 =	veq.f32 v26, v30;
	v31 =	vsel vm6, $0x4, v31  }
0x6b: {  	vm8 =	veq.f32 v25, v30;
	v31 =	vsel vm7, $0x3, v31  }
0x6c: {  	vm9 =	veq.f32 v24, v30;
	v31 =	vsel vm8, $0x2, v31  }
0x6d: {  	vm10 =	veq.f32 v63, v30;
	v31 =	vsel vm9, $0x1, v31  }
0x6e: {  	v31 =	vsel vm10, $0x0, v31  }
0x6f: {  	vm0 =	veq.s32 v31, $0x0;
	vm11 =	veq.s32 v31, $0x1  }
0x70: {  	vm1 =	veq.s32 v31, $0x2;
	vm2 =	veq.s32 v31, $0x3;
	vm12 =	veq.s32 v31, $0x4  }
0x71: {  	vm13 =	veq.s32 v31, $0x5;
	vm14 =	veq.s32 v31, $0x6;
	vm15 =	veq.s32 v31, $0x7  }
0x72: {  	vm4 =	veq.s32 v31, $0x8;
	vm5 =	veq.s32 v31, $0x9;
	vm6 =	veq.s32 v31, $0xA  }
0x73: {  	vm7 =	veq.s32 v31, $0xB;
	vm8 =	veq.s32 v31, $0xC;
	vm9 =	veq.s32 v31, $0xD  }
0x74: {  	vm10 =	veq.s32 v31, $0xE;
	v32 =	vsel vm0, $0xBF800000, v63;
	v33 =	vsel vm11, $0xBF800000, v24  }
0x75: {  	v35 =	vsel vm1, $0xBF800000, v25;
	v38 =	vsel vm2, $0xBF800000, v26;
	v41 =	vsel vm12, $0xBF800000, v36  }
0x76: {  	v42 =	vsel vm13, $0xBF800000, v37;
	v43 =	vsel vm14, $0xBF800000, v39;
	v44 =	vsel vm15, $0xBF800000, v40  }
0x77: {  	v45 =	vsel vm4, $0xBF800000, v27;
	v46 =	vsel vm5, $0xBF800000, v28;
	v47 =	vsel vm6, $0xBF800000, v29  }
0x78: {  	v48 =	vsel vm7, $0xBF800000, v23;
	v49 =	vsel vm8, $0xBF800000, v22;
	vm11 =	veq.s32 v31, $0xF  }
0x79: {  	v50 =	vsel vm9, $0xBF800000, v21;
	v51 =	vsel vm10, $0xBF800000, v20;
	v52 =	vsel vm11, $0xBF800000, v19  }
0x7a: {  	v53 =	vmax.f32 v32, v33;
	v54 =	vmax.f32 v35, v38;
	v55 =	vmax.f32 v41, v42  }
0x7b: {  	v56 =	vmax.f32 v43, v44;
	v57 =	vmax.f32 v45, v46;
	v58 =	vmax.f32 v47, v48  }
0x7c: {  	v59 =	vmax.f32 v49, v50;
	v53 =	vmax.f32 v53, v54;
	v60 =	vmax.f32 v51, v52  }
0x7d: {  	v55 =	vmax.f32 v55, v56;
	v61 =	vmax.f32 v57, v58;
	v54 =	vmax.f32 v59, v60  }
0x7e: {  	[tilespmem:v18+s9+$0x0] =	vst.idx.msk $0xffff, v63;
	v62 =	vmax.f32 v53, v55;
	v63 =	vmax.f32 v61, v54  }
0x7f: {  	[tilespmem:v17+s9+$0x0] =	vst.idx.msk $0xffff, v24;
	v24 =	vmax.f32 v62, v63  }
0x80: {  	[tilespmem:v16+s9+$0x0] =	vst.idx.msk $0xffff, v25;
	vm12 =	veq.f32 v52, v24;
	v25 =	vadd.f32 v24, v30  }
0x81: {  	[tilespmem:v15+s9+$0x0] =	vst.idx.msk $0xffff, v26;
	vm13 =	veq.f32 v51, v24;
	v34 =	vsel vm12, $0xF, v1  }
0x82: {  	[tilespmem:v14+s9+$0x0] =	vst.idx.msk $0xffff, v36;
	vm14 =	veq.f32 v50, v24;
	(erf) = vrcp.f32 v25;
	v36 =	vsel vm13, $0xE, v34  }
0x83: {  	[tilespmem:v13+s9+$0x0] =	vst.idx.msk $0xffff, v37;
	vm15 =	veq.f32 v49, v24;
	v50 =	vsel vm14, $0xD, v36  }
0x84: {  	[tilespmem:v12+s9+$0x0] =	vst.idx.msk $0xffff, v39;
	vm4 =	veq.f32 v48, v24;
	v51 =	vsel vm15, $0xC, v50  }
0x85: {  	[tilespmem:v11+s9+$0x0] =	vst.idx.msk $0xffff, v40;
	vm5 =	veq.f32 v47, v24;
	v52 =	vsel vm4, $0xB, v51  }
0x86: {  	[tilespmem:v10+s9+$0x0] =	vst.idx.msk $0xffff, v27;
	vm6 =	veq.f32 v46, v24;
	v53 =	vsel vm5, $0xA, v52  }
0x87: {  	[tilespmem:v9+s9+$0x0] =	vst.idx.msk $0xffff, v28;
	vm7 =	veq.f32 v45, v24;
	v54 =	vsel vm6, $0x9, v53  }
0x88: {  	[tilespmem:v8+s9+$0x0] =	vst.idx.msk $0xffff, v29;
	vm8 =	veq.f32 v44, v24;
	v55 =	vsel vm7, $0x8, v54  }
0x89: {  	v2 =	vshll.u32 v2, $0x3;
	[tilespmem:v7+s9+$0x0] =	vst.idx.msk $0xffff, v23;
	vm9 =	veq.f32 v43, v24;
	v56 =	vsel vm8, $0x7, v55  }
0x8a: {  	[tilespmem:v6+s9+$0x0] =	vst.idx.msk $0xffff, v22;
	v58 =	vor.u32 $0x1, v2;
	vm10 =	veq.f32 v42, v24;
	v57 =	vsel vm9, $0x6, v56  }
0x8b: {  	[tilespmem:v5+s9+$0x0] =	vst.idx.msk $0xffff, v21;
	vm11 =	veq.f32 v41, v24;
	v59 =	vsel vm10, $0x5, v57;
	v60 =	vpop (erf)  }
0x8c: {  	p0 =	sne.s32 s13, $0xF0;
	[tilespmem:v4+s9+$0x0] =	vst.idx.msk $0xffff, v20;
	vm12 =	veq.f32 v38, v24;
	v61 =	vsel vm11, $0x4, v59;
	v62 =	vmul.f32 v60, v30  }
.Ltmp0:
0x8d: {  	[tilespmem:v3+s9+$0x0] =	vst.idx.msk $0xffff, v19;
	vm13 =	veq.f32 v35, v24;
	v63 =	vmul.f32 v60, v24;
	v3 =	vsel vm12, $0x3, v61;
	(pc) =	sbr.rel @p0 .LBB2_2-.Ltmp0, $4  }
0x8e: {  	vm14 =	veq.f32 v33, v24;
	v3 =	vsel vm13, $0x2, v3;
	[tilespmem:v2+s10+$0x0] =	vst.idx.msk $0xffff, v62  }
0x8f: {  	vm15 =	veq.f32 v32, v24;
	v3 =	vsel vm14, $0x1, v3;
	[tilespmem:v58+s10+$0x0] =	vst.idx.msk $0xffff, v63  }
0x90: {  	v3 =	vsel vm15, $0x0, v3;
	[tilespmem:v2+s11+$0x0] =	vst.idx.msk $0xffff, v31  }
0x91: {  	s13 =	sadd.s32 $0x10, s13;
	[tilespmem:v58+s11+$0x0] =	vst.idx.msk $0xffff, v3  }
0x92: {  	[hbm4b:s4+s2] =	stream.linear.scatter [tilespmem:s9], [sflag:$0x1], $0x1000, $0x38;
	[tilespmem:$0x3000] =	vst v63  }
0x93: {  	_ =	swait.ge [sflag:s8], $0x1000  }
0x94: {  	[sflag:s8] =	ssyncset.done $0x0  }
0x95: {  	[sflag:s8] =	ssyncadd.s32 $0xFFFFF000  }
0x96: {  	[hbm4b:s5+s2] =	stream.linear.scatter [tilespmem:s10], [sflag:$0x1], $0x800, $0x38;
	[tilespmem:$0x3000] =	vst v63  }
0x97: {  	s12 =	sadd.s32 $0x1, s12;
	_ =	swait.ge [sflag:s8], $0x800  }
0x98: {  	p0 =	sne.s32 s12, s7;
	[sflag:s8] =	ssyncset.done $0x0  }
.Ltmp1:
0x99: {  	[sflag:s8] =	ssyncadd.s32 $0xFFFFF800;
	(pc) =	sbr.rel @p0 .LBB2_1-.Ltmp1, $4  }
0x9a: {  	[hbm4b:s6+s2] =	stream.linear.scatter [tilespmem:s11], [sflag:$0x1], $0x800, $0x38;
	[tilespmem:$0x3000] =	vst v63  }
0x9b: {  	_ =	swait.ge [sflag:s8], $0x800  }
0x9c: {  	[sflag:s8] =	ssyncset.done $0x0  }
0x9d: {  	[sflag:s8] =	ssyncadd.s32 $0xFFFFF800  }
0x9e: {  	_ =	sfence.sel $0x180000  }
0x9f: {  	[bflag:$0x0] =	sbarrier.arrive $0xFFFF  }
0xa0: {  	p0 =	sne.s32 s1, $0x0;
	_ =	strace $0x9000004A  }
0xa1: {  	s0 =	sadd.s32 @!p0 $0x100000, s0;
	[bflag:$0x2] =	sbarrier.arrive $0xFFFF  }
0xa2: {  	[sflag:s0] =	ssyncadd.tile.s32 @!p0 $0x1;
	_ =	shalt  }
.Lfunc_end2:
_tile_overlayer_lowered:
.L_overlay_start_2:
0xa3: {  	(tag) =	ssettag $0x2  }
0xa4: {  	s0 =	rddreg [dreg:$0x0];
	s2 =	stileid.u32  }
0xa5: {  	s1 =	rddreg [dreg:$0x1];
	p0 =	sne.s32 s2, $0x0  }
0xa6: {  	s3 =	rddreg [dreg:$0x2];
	[bflag:$0x3] =	sbarrier.arrive $0xFFFF;
	s2 =	simm.s32 @!p0 $0x1C01  }
0xa7: {  	[timem:s3], [sflag:s2] =	dma.local @!p0 [hbm:s0], s1  }
0xa8: {  	s0 =	simm.s32 @!p0 $0x1  }
0xa9: {  	_ =	swait.ge @!p0 [sflag:s0], s1  }
0xaa: {  	s1 =	ssub.s32 @!p0 $0x0, s1;
	[sflag:s0] =	ssyncset.done @!p0 $0x0  }
0xab: {  	[sflag:s0] =	ssyncadd.s32 @!p0 s1  }
0xac: {  	[bflag:$0x3] =	sbarrier.arrive $0xFFFF  }
0xad: {  	_ =	shalt  }

</sc_bundles>
